<compile_context>
chip_gen: v7x
topology: tpu7x:2x2x1
jax: 0.10.2.dev20260603
libtpu: 0.0.44.dev20260713+nightly
codegen_flags: <defaults>
</compile_context>

<pallas_src>
import functools

import jax
import jax.numpy as jnp
from jax import lax
from jax.experimental import pallas as pl
from jax.experimental.pallas import tpu as pltpu
from jax.experimental.pallas import tpu_sc as plsc

_NUM_CORES = 2
_NUM_SUBCORES = 16
_NUM_WORKERS = _NUM_CORES * _NUM_SUBCORES
_CHUNK = 128
_LANES = 16


def _transpose_chunk(crow_ref, krow_ref, dst_ref, content_dim, class_dim):
  iota = lax.iota(jnp.int32, _LANES)

  def k_step(k, carry):
    rot = lax.rem(iota + k, _LANES)
    for d0 in range(0, content_dim, _LANES):
      f = rot + d0
      for b0 in range(0, _CHUNK, _LANES):
        rows = iota + b0
        vec = plsc.load_gather(crow_ref, [rows, f])
        plsc.store_scatter(dst_ref, [f, rows], vec)
    for d0 in range(0, class_dim, _LANES):
      f = rot + d0
      fd = f + content_dim
      for b0 in range(0, _CHUNK, _LANES):
        rows = iota + b0
        vec = plsc.load_gather(krow_ref, [rows, f])
        plsc.store_scatter(dst_ref, [fd, rows], vec)
    return carry

  lax.fori_loop(0, _LANES, k_step, 0)


def _latent_body(b_per_w, n_chunks, content_dim, class_dim,
                 img_hbm, cls_hbm, ctab_hbm, ktab_hbm, out_hbm,
                 iidx_v, cidx_v, crow_v, krow_v, lat_v,
                 csem, ksem, wsem):
  n_feat = content_dim + class_dim
  wid = lax.axis_index("s") * _NUM_CORES + lax.axis_index("c")
  base = wid * b_per_w
  pltpu.sync_copy(img_hbm.at[pl.ds(base, b_per_w)], iidx_v)
  pltpu.sync_copy(cls_hbm.at[pl.ds(base, b_per_w)], cidx_v)

  def fire(c, par):
    sl = pl.ds(c * _CHUNK, _CHUNK)
    pltpu.async_copy(ctab_hbm.at[iidx_v.at[sl]], crow_v.at[par], csem.at[par])
    pltpu.async_copy(ktab_hbm.at[cidx_v.at[sl]], krow_v.at[par], ksem.at[par])

  fire(0, 0)

  def step(c, carry):
    par = lax.rem(c, 2)
    nxt = lax.rem(c + 1, 2)

    @pl.when(c < n_chunks - 1)
    def _():
      fire(c + 1, nxt)

    sl = pl.ds(c * _CHUNK, _CHUNK)
    pltpu.make_async_copy(ctab_hbm.at[iidx_v.at[sl]], crow_v.at[par],
                          csem.at[par]).wait()
    pltpu.make_async_copy(ktab_hbm.at[cidx_v.at[sl]], krow_v.at[par],
                          ksem.at[par]).wait()

    @pl.when(c >= 2)
    def _():
      pltpu.make_async_copy(
          lat_v.at[par], out_hbm.at[pl.ds(0, n_feat), pl.ds(base, _CHUNK)],
          wsem.at[par]).wait()

    _transpose_chunk(crow_v.at[par], krow_v.at[par], lat_v.at[par],
                     content_dim, class_dim)
    pltpu.async_copy(
        lat_v.at[par],
        out_hbm.at[pl.ds(0, n_feat), pl.ds(base + c * _CHUNK, _CHUNK)],
        wsem.at[par])
    return carry

  lax.fori_loop(0, n_chunks, step, 0)
  for par in range(2):
    pltpu.make_async_copy(
        lat_v.at[par], out_hbm.at[pl.ds(0, n_feat), pl.ds(base, _CHUNK)],
        wsem.at[par]).wait()


def kernel(img_id, class_id, content_table, class_table):
  batch = img_id.shape[0]
  content_dim = content_table.shape[1]
  class_dim = class_table.shape[1]
  n_feat = content_dim + class_dim
  assert batch % (_NUM_WORKERS * _CHUNK) == 0
  b_per_w = batch // _NUM_WORKERS
  n_chunks = b_per_w // _CHUNK

  ktab_padded = jnp.pad(class_table, ((0, 0), (0, content_dim - class_dim)))

  mesh = plsc.VectorSubcoreMesh(core_axis_name="c", subcore_axis_name="s")
  body = functools.partial(_latent_body, b_per_w, n_chunks, content_dim,
                           class_dim)
  latent_t = pl.kernel(
      body,
      out_type=jax.ShapeDtypeStruct((n_feat, batch), jnp.float32),
      mesh=mesh,
      compiler_params=pltpu.CompilerParams(use_tc_tiling_on_sc=True,
                                           needs_layout_passes=False),
      scratch_types=[
          pltpu.VMEM((b_per_w,), jnp.int32),
          pltpu.VMEM((b_per_w,), jnp.int32),
          pltpu.VMEM((2, _CHUNK, content_dim), jnp.float32),
          pltpu.VMEM((2, _CHUNK, content_dim), jnp.float32),
          pltpu.VMEM((2, n_feat, _CHUNK), jnp.float32),
          pltpu.SemaphoreType.DMA((2,)),
          pltpu.SemaphoreType.DMA((2,)),
          pltpu.SemaphoreType.DMA((2,)),
      ],
  )
  out_t = latent_t(img_id, class_id, content_table, ktab_padded)
  return out_t.T

# --- scband reference (transcript-rebuilt; emitter-appended) ---
"""Pipeline reference for scband-latent-model-80221399155241 (READ-ONLY COPY).

The authoritative reference and input builder live on the scoring server;
editing this copy changes nothing except your own understanding.
"""

import jax, jax.numpy as jnp
import numpy as np

N_IMGS = 1000000
CONTENT_DIM = 128
N_CLASSES = 1000
CLASS_DIM = 64
BATCH = 16384


def setup_inputs(seed: int = 0) -> dict:
    key = jax.random.key(seed)
    k1, k2, k3, k4 = jax.random.split(key, 4)
    # Embedding tables, initialized uniform(-0.05, 0.05) as in the torch module
    content_table = jax.random.uniform(k1, (N_IMGS, CONTENT_DIM), minval=-0.05, maxval=0.05, dtype=jnp.float32)
    class_table = jax.random.uniform(k2, (N_CLASSES, CLASS_DIM), minval=-0.05, maxval=0.05, dtype=jnp.float32)
    img_id = jax.random.randint(k3, (BATCH,), 0, N_IMGS, dtype=jnp.int32)
    class_id = jax.random.randint(k4, (BATCH,), 0, N_CLASSES, dtype=jnp.int32)
    return {
        "img_id": img_id,
        "class_id": class_id,
        "content_table": content_table,
        "class_table": class_table,
    }


def reference(img_id, class_id, content_table, class_table):
    # content_embedding(img_id)
    content = jnp.take(content_table, img_id, axis=0)
    # class_embedding(class_id)
    class_code = jnp.take(class_table, class_id, axis=0)
    # latent code fed to the generator: concatenation of per-image content code
    # and per-class code (style branch omitted: Encoder/Generator are undefined
    # in the provided source)
    latent = jnp.concatenate([content, class_code], axis=-1)
    return latent

if __name__ == "__main__":
    import jax
    _d = setup_inputs()
    print(jax.jit(kernel)(*tuple(_d.values())))

</pallas_src>

<mosaic_0001>
#map = affine_map<(d0, d1) -> (0)>
#map1 = affine_map<(d0, d1) -> (0, 0)>
module attributes {stable_mosaic.version = 14 : i64} {
  func.func @_latent_body(%arg0: i32, %arg1: i32, %arg2: memref<16384xi32, #tpu.memory_space<hbm>>, %arg3: memref<16384xi32, #tpu.memory_space<hbm>>, %arg4: memref<1000000x128xf32, #tpu.memory_space<hbm>>, %arg5: memref<1000x128xf32, #tpu.memory_space<hbm>>, %arg6: memref<192x16384xf32, #tpu.memory_space<hbm>>, %arg7: memref<512xi32, #tpu.memory_space<vmem>>, %arg8: memref<512xi32, #tpu.memory_space<vmem>>, %arg9: memref<2x128x128xf32, #tpu.memory_space<vmem>>, %arg10: memref<2x128x128xf32, #tpu.memory_space<vmem>>, %arg11: memref<2x192x128xf32, #tpu.memory_space<vmem>>, %arg12: memref<2x!tpu.dma_semaphore, #tpu.memory_space<semaphore_mem>>, %arg13: memref<2x!tpu.dma_semaphore, #tpu.memory_space<semaphore_mem>>, %arg14: memref<2x!tpu.dma_semaphore, #tpu.memory_space<semaphore_mem>>) attributes {dimension_semantics = [#tpu.dimension_semantics<core_parallel>, #tpu.dimension_semantics<subcore_parallel>], iteration_bounds = array<i64: 2, 16>, scalar_prefetch = 0 : i64, scratch_operands = 8 : i64, tpu.core_type = #tpu.core_type<sc_vector_subcore>, window_params = [{transform_indices = #map}, {transform_indices = #map}, {transform_indices = #map1}, {transform_indices = #map1}, {transform_indices = #map1}]} {
    %mul3A = arith.constant 2 : i32
    %mul3A_0 = arith.muli %arg1, %mul3A : i32
    %add3A = arith.addi %mul3A_0, %arg0 : i32
    %mul3A_1 = arith.constant 512 : i32
    %mul3A_2 = arith.muli %add3A, %mul3A_1 : i32
    "tpu.region"() ({
      %run_scoped3A = tpu.sem_alloc : memref<!tpu.dma_semaphore, #tpu.memory_space<semaphore_mem>>
      %dma_start3A_64 = tpu.memref_slice %arg2[%mul3A_2] : memref<16384xi32, #tpu.memory_space<hbm>> -> memref<512xi32, #tpu.memory_space<hbm>>
      %dma_start3A_65 = tpu.memref_slice %arg2[%mul3A_2] : memref<16384xi32, #tpu.memory_space<hbm>> -> memref<512xi32, #tpu.memory_space<hbm>>
      tpu.enqueue_dma source(%dma_start3A_65 : memref<512xi32, #tpu.memory_space<hbm>>) target(%arg7 : memref<512xi32, #tpu.memory_space<vmem>>) target_semaphore(%run_scoped3A : memref<!tpu.dma_semaphore, #tpu.memory_space<semaphore_mem>>)
      %dma_wait3A_66 = tpu.memref_slice %arg2[%mul3A_2] : memref<16384xi32, #tpu.memory_space<hbm>> -> memref<512xi32, #tpu.memory_space<hbm>>
      %dma_wait3A_67 = tpu.memref_slice %arg2[%mul3A_2] : memref<16384xi32, #tpu.memory_space<hbm>> -> memref<512xi32, #tpu.memory_space<hbm>>
      tpu.wait_dma2 semaphore(%run_scoped3A : memref<!tpu.dma_semaphore, #tpu.memory_space<semaphore_mem>>) src(%dma_wait3A_67 : memref<512xi32, #tpu.memory_space<hbm>>) dst(%arg7 : memref<512xi32, #tpu.memory_space<vmem>>)
      tpu.yield
    }) : () -> ()
    "tpu.region"() ({
      %run_scoped3A = tpu.sem_alloc : memref<!tpu.dma_semaphore, #tpu.memory_space<semaphore_mem>>
      %dma_start3A_64 = tpu.memref_slice %arg3[%mul3A_2] : memref<16384xi32, #tpu.memory_space<hbm>> -> memref<512xi32, #tpu.memory_space<hbm>>
      %dma_start3A_65 = tpu.memref_slice %arg3[%mul3A_2] : memref<16384xi32, #tpu.memory_space<hbm>> -> memref<512xi32, #tpu.memory_space<hbm>>
      tpu.enqueue_dma source(%dma_start3A_65 : memref<512xi32, #tpu.memory_space<hbm>>) target(%arg8 : memref<512xi32, #tpu.memory_space<vmem>>) target_semaphore(%run_scoped3A : memref<!tpu.dma_semaphore, #tpu.memory_space<semaphore_mem>>)
      %dma_wait3A_66 = tpu.memref_slice %arg3[%mul3A_2] : memref<16384xi32, #tpu.memory_space<hbm>> -> memref<512xi32, #tpu.memory_space<hbm>>
      %dma_wait3A_67 = tpu.memref_slice %arg3[%mul3A_2] : memref<16384xi32, #tpu.memory_space<hbm>> -> memref<512xi32, #tpu.memory_space<hbm>>
      tpu.wait_dma2 semaphore(%run_scoped3A : memref<!tpu.dma_semaphore, #tpu.memory_space<semaphore_mem>>) src(%dma_wait3A_67 : memref<512xi32, #tpu.memory_space<hbm>>) dst(%arg8 : memref<512xi32, #tpu.memory_space<vmem>>)
      tpu.yield
    }) : () -> ()
    %dma_start3A = arith.constant 0 : i32
    %dma_start3A_3 = arith.constant 0 : i32
    %dma_start3A_4 = arith.constant 0 : i32
    %dma_start3A_5 = arith.constant 0 : i32
    %dma_start3A_6 = tpu.memref_slice %arg9[%dma_start3A, %dma_start3A_4, %dma_start3A_5] : memref<2x128x128xf32, #tpu.memory_space<vmem>> -> memref<1x128x128xf32, #tpu.memory_space<vmem>>
    %dma_start3A_7 = tpu.memref_squeeze %dma_start3A_6 : memref<1x128x128xf32, #tpu.memory_space<vmem>> -> memref<128x128xf32, #tpu.memory_space<vmem>>
    %dma_start3A_8 = arith.constant 0 : i32
    %dma_start3A_9 = tpu.memref_slice %arg7[%dma_start3A_8] : memref<512xi32, #tpu.memory_space<vmem>> -> memref<128xi32, #tpu.memory_space<vmem>>
    %dma_start3A_10 = arith.constant 0 : i32
    %dma_start3A_11 = arith.constant 0 : i32
    %dma_start3A_12 = tpu.memref_slice %arg4[%dma_start3A_10, %dma_start3A_11] : memref<1000000x128xf32, #tpu.memory_space<hbm>> -> memref<1000000x128xf32, #tpu.memory_space<hbm>>
    %dma_start3A_13 = tpu.memref_slice %arg12[%dma_start3A_3] : memref<2x!tpu.dma_semaphore, #tpu.memory_space<semaphore_mem>> -> memref<1x!tpu.dma_semaphore, #tpu.memory_space<semaphore_mem>>
    %dma_start3A_14 = tpu.memref_squeeze %dma_start3A_13 : memref<1x!tpu.dma_semaphore, #tpu.memory_space<semaphore_mem>> -> memref<!tpu.dma_semaphore, #tpu.memory_space<semaphore_mem>>
    tpu.enqueue_indirect_dma source(%dma_start3A_12 : memref<1000000x128xf32, #tpu.memory_space<hbm>>) target(%dma_start3A_7 : memref<128x128xf32, #tpu.memory_space<vmem>>) offsets(%dma_start3A_9 : memref<128xi32, #tpu.memory_space<vmem>>) semaphore(%dma_start3A_14 : memref<!tpu.dma_semaphore, #tpu.memory_space<semaphore_mem>>)
    %dma_start3A_15 = arith.constant 0 : i32
    %dma_start3A_16 = arith.constant 0 : i32
    %dma_start3A_17 = arith.constant 0 : i32
    %dma_start3A_18 = arith.constant 0 : i32
    %dma_start3A_19 = tpu.memref_slice %arg10[%dma_start3A_15, %dma_start3A_17, %dma_start3A_18] : memref<2x128x128xf32, #tpu.memory_space<vmem>> -> memref<1x128x128xf32, #tpu.memory_space<vmem>>
    %dma_start3A_20 = tpu.memref_squeeze %dma_start3A_19 : memref<1x128x128xf32, #tpu.memory_space<vmem>> -> memref<128x128xf32, #tpu.memory_space<vmem>>
    %dma_start3A_21 = arith.constant 0 : i32
    %dma_start3A_22 = tpu.memref_slice %arg8[%dma_start3A_21] : memref<512xi32, #tpu.memory_space<vmem>> -> memref<128xi32, #tpu.memory_space<vmem>>
    %dma_start3A_23 = arith.constant 0 : i32
    %dma_start3A_24 = arith.constant 0 : i32
    %dma_start3A_25 = tpu.memref_slice %arg5[%dma_start3A_23, %dma_start3A_24] : memref<1000x128xf32, #tpu.memory_space<hbm>> -> memref<1000x128xf32, #tpu.memory_space<hbm>>
    %dma_start3A_26 = tpu.memref_slice %arg13[%dma_start3A_16] : memref<2x!tpu.dma_semaphore, #tpu.memory_space<semaphore_mem>> -> memref<1x!tpu.dma_semaphore, #tpu.memory_space<semaphore_mem>>
    %dma_start3A_27 = tpu.memref_squeeze %dma_start3A_26 : memref<1x!tpu.dma_semaphore, #tpu.memory_space<semaphore_mem>> -> memref<!tpu.dma_semaphore, #tpu.memory_space<semaphore_mem>>
    tpu.enqueue_indirect_dma source(%dma_start3A_25 : memref<1000x128xf32, #tpu.memory_space<hbm>>) target(%dma_start3A_20 : memref<128x128xf32, #tpu.memory_space<vmem>>) offsets(%dma_start3A_22 : memref<128xi32, #tpu.memory_space<vmem>>) semaphore(%dma_start3A_27 : memref<!tpu.dma_semaphore, #tpu.memory_space<semaphore_mem>>)
    %scan3A = arith.constant 0 : i32
    %scan3A_28 = arith.constant 0 : i32
    %scan3A_29 = arith.constant 4 : i32
    %scan3A_30 = arith.addi %scan3A_28, %scan3A_29 : i32
    %scan3A_31 = arith.constant 1 : i32
    scf.for %scan3A_64 = %scan3A_28 to %scan3A_30 step %scan3A_31  : i32 {
      %rem3A = arith.constant 2 : i32
      %rem3A_65 = arith.remsi %scan3A_64, %rem3A : i32
      %add3A_66 = arith.constant 1 : i32
      %add3A_67 = arith.addi %scan3A_64, %add3A_66 : i32
      %rem3A_68 = arith.constant 2 : i32
      %rem3A_69 = arith.remsi %add3A_67, %rem3A_68 : i32
      %lt3A = arith.constant 3 : i32
      %lt3A_70 = arith.cmpi slt, %scan3A_64, %lt3A : i32
      %convert_element_type3A = arith.extui %lt3A_70 : i1 to i32
      %cond3A = arith.constant 0 : i32
      %cond3A_71 = arith.cmpi ne, %convert_element_type3A, %cond3A : i32
      scf.if %cond3A_71 {
        %add3A_121 = arith.constant 1 : i32
        %add3A_122 = arith.addi %scan3A_64, %add3A_121 : i32
        %mul3A_123 = arith.constant 128 : i32
        %mul3A_124 = arith.muli %add3A_122, %mul3A_123 : i32
        %dma_start3A_125 = arith.constant 0 : i32
        %dma_start3A_126 = arith.constant 0 : i32
        %dma_start3A_127 = tpu.memref_slice %arg9[%rem3A_69, %dma_start3A_125, %dma_start3A_126] : memref<2x128x128xf32, #tpu.memory_space<vmem>> -> memref<1x128x128xf32, #tpu.memory_space<vmem>>
        %dma_start3A_128 = tpu.memref_squeeze %dma_start3A_127 : memref<1x128x128xf32, #tpu.memory_space<vmem>> -> memref<128x128xf32, #tpu.memory_space<vmem>>
        %dma_start3A_129 = tpu.memref_slice %arg7[%mul3A_124] : memref<512xi32, #tpu.memory_space<vmem>> -> memref<128xi32, #tpu.memory_space<vmem>>
        %dma_start3A_130 = arith.constant 0 : i32
        %dma_start3A_131 = arith.constant 0 : i32
        %dma_start3A_132 = tpu.memref_slice %arg4[%dma_start3A_130, %dma_start3A_131] : memref<1000000x128xf32, #tpu.memory_space<hbm>> -> memref<1000000x128xf32, #tpu.memory_space<hbm>>
        %dma_start3A_133 = tpu.memref_slice %arg12[%rem3A_69] : memref<2x!tpu.dma_semaphore, #tpu.memory_space<semaphore_mem>> -> memref<1x!tpu.dma_semaphore, #tpu.memory_space<semaphore_mem>>
        %dma_start3A_134 = tpu.memref_squeeze %dma_start3A_133 : memref<1x!tpu.dma_semaphore, #tpu.memory_space<semaphore_mem>> -> memref<!tpu.dma_semaphore, #tpu.memory_space<semaphore_mem>>
        tpu.enqueue_indirect_dma source(%dma_start3A_132 : memref<1000000x128xf32, #tpu.memory_space<hbm>>) target(%dma_start3A_128 : memref<128x128xf32, #tpu.memory_space<vmem>>) offsets(%dma_start3A_129 : memref<128xi32, #tpu.memory_space<vmem>>) semaphore(%dma_start3A_134 : memref<!tpu.dma_semaphore, #tpu.memory_space<semaphore_mem>>)
        %dma_start3A_135 = arith.constant 0 : i32
        %dma_start3A_136 = arith.constant 0 : i32
        %dma_start3A_137 = tpu.memref_slice %arg10[%rem3A_69, %dma_start3A_135, %dma_start3A_136] : memref<2x128x128xf32, #tpu.memory_space<vmem>> -> memref<1x128x128xf32, #tpu.memory_space<vmem>>
        %dma_start3A_138 = tpu.memref_squeeze %dma_start3A_137 : memref<1x128x128xf32, #tpu.memory_space<vmem>> -> memref<128x128xf32, #tpu.memory_space<vmem>>
        %dma_start3A_139 = tpu.memref_slice %arg8[%mul3A_124] : memref<512xi32, #tpu.memory_space<vmem>> -> memref<128xi32, #tpu.memory_space<vmem>>
        %dma_start3A_140 = arith.constant 0 : i32
        %dma_start3A_141 = arith.constant 0 : i32
        %dma_start3A_142 = tpu.memref_slice %arg5[%dma_start3A_140, %dma_start3A_141] : memref<1000x128xf32, #tpu.memory_space<hbm>> -> memref<1000x128xf32, #tpu.memory_space<hbm>>
        %dma_start3A_143 = tpu.memref_slice %arg13[%rem3A_69] : memref<2x!tpu.dma_semaphore, #tpu.memory_space<semaphore_mem>> -> memref<1x!tpu.dma_semaphore, #tpu.memory_space<semaphore_mem>>
        %dma_start3A_144 = tpu.memref_squeeze %dma_start3A_143 : memref<1x!tpu.dma_semaphore, #tpu.memory_space<semaphore_mem>> -> memref<!tpu.dma_semaphore, #tpu.memory_space<semaphore_mem>>
        tpu.enqueue_indirect_dma source(%dma_start3A_142 : memref<1000x128xf32, #tpu.memory_space<hbm>>) target(%dma_start3A_138 : memref<128x128xf32, #tpu.memory_space<vmem>>) offsets(%dma_start3A_139 : memref<128xi32, #tpu.memory_space<vmem>>) semaphore(%dma_start3A_144 : memref<!tpu.dma_semaphore, #tpu.memory_space<semaphore_mem>>)
      } else {
      }
      %mul3A_72 = arith.constant 128 : i32
      %mul3A_73 = arith.muli %scan3A_64, %mul3A_72 : i32
      %dma_wait3A_74 = arith.constant 0 : i32
      %dma_wait3A_75 = arith.constant 0 : i32
      %dma_wait3A_76 = tpu.memref_slice %arg9[%rem3A_65, %dma_wait3A_74, %dma_wait3A_75] : memref<2x128x128xf32, #tpu.memory_space<vmem>> -> memref<1x128x128xf32, #tpu.memory_space<vmem>>
      %dma_wait3A_77 = tpu.memref_squeeze %dma_wait3A_76 : memref<1x128x128xf32, #tpu.memory_space<vmem>> -> memref<128x128xf32, #tpu.memory_space<vmem>>
      %dma_wait3A_78 = tpu.memref_slice %arg7[%mul3A_73] : memref<512xi32, #tpu.memory_space<vmem>> -> memref<128xi32, #tpu.memory_space<vmem>>
      %dma_wait3A_79 = arith.constant 0 : i32
      %dma_wait3A_80 = arith.constant 0 : i32
      %dma_wait3A_81 = tpu.memref_slice %arg4[%dma_wait3A_79, %dma_wait3A_80] : memref<1000000x128xf32, #tpu.memory_space<hbm>> -> memref<1000000x128xf32, #tpu.memory_space<hbm>>
      %dma_wait3A_82 = tpu.memref_slice %arg12[%rem3A_65] : memref<2x!tpu.dma_semaphore, #tpu.memory_space<semaphore_mem>> -> memref<1x!tpu.dma_semaphore, #tpu.memory_space<semaphore_mem>>
      %dma_wait3A_83 = tpu.memref_squeeze %dma_wait3A_82 : memref<1x!tpu.dma_semaphore, #tpu.memory_space<semaphore_mem>> -> memref<!tpu.dma_semaphore, #tpu.memory_space<semaphore_mem>>
      tpu.wait_indirect_dma semaphore(%dma_wait3A_83 : memref<!tpu.dma_semaphore, #tpu.memory_space<semaphore_mem>>) src(%dma_wait3A_81 : memref<1000000x128xf32, #tpu.memory_space<hbm>>) dst(%dma_wait3A_77 : memref<128x128xf32, #tpu.memory_space<vmem>>)
      %dma_wait3A_84 = arith.constant 0 : i32
      %dma_wait3A_85 = arith.constant 0 : i32
      %dma_wait3A_86 = tpu.memref_slice %arg10[%rem3A_65, %dma_wait3A_84, %dma_wait3A_85] : memref<2x128x128xf32, #tpu.memory_space<vmem>> -> memref<1x128x128xf32, #tpu.memory_space<vmem>>
      %dma_wait3A_87 = tpu.memref_squeeze %dma_wait3A_86 : memref<1x128x128xf32, #tpu.memory_space<vmem>> -> memref<128x128xf32, #tpu.memory_space<vmem>>
      %dma_wait3A_88 = tpu.memref_slice %arg8[%mul3A_73] : memref<512xi32, #tpu.memory_space<vmem>> -> memref<128xi32, #tpu.memory_space<vmem>>
      %dma_wait3A_89 = arith.constant 0 : i32
      %dma_wait3A_90 = arith.constant 0 : i32
      %dma_wait3A_91 = tpu.memref_slice %arg5[%dma_wait3A_89, %dma_wait3A_90] : memref<1000x128xf32, #tpu.memory_space<hbm>> -> memref<1000x128xf32, #tpu.memory_space<hbm>>
      %dma_wait3A_92 = tpu.memref_slice %arg13[%rem3A_65] : memref<2x!tpu.dma_semaphore, #tpu.memory_space<semaphore_mem>> -> memref<1x!tpu.dma_semaphore, #tpu.memory_space<semaphore_mem>>
      %dma_wait3A_93 = tpu.memref_squeeze %dma_wait3A_92 : memref<1x!tpu.dma_semaphore, #tpu.memory_space<semaphore_mem>> -> memref<!tpu.dma_semaphore, #tpu.memory_space<semaphore_mem>>
      tpu.wait_indirect_dma semaphore(%dma_wait3A_93 : memref<!tpu.dma_semaphore, #tpu.memory_space<semaphore_mem>>) src(%dma_wait3A_91 : memref<1000x128xf32, #tpu.memory_space<hbm>>) dst(%dma_wait3A_87 : memref<128x128xf32, #tpu.memory_space<vmem>>)
      %ge3A = arith.constant 2 : i32
      %ge3A_94 = arith.cmpi sge, %scan3A_64, %ge3A : i32
      %convert_element_type3A_95 = arith.extui %ge3A_94 : i1 to i32
      %cond3A_96 = arith.constant 0 : i32
      %cond3A_97 = arith.cmpi ne, %convert_element_type3A_95, %cond3A_96 : i32
      scf.if %cond3A_97 {
        %dma_wait3A_121 = arith.constant 0 : i32
        %dma_wait3A_122 = arith.constant 0 : i32
        %dma_wait3A_123 = tpu.memref_slice %arg11[%rem3A_65, %dma_wait3A_121, %dma_wait3A_122] : memref<2x192x128xf32, #tpu.memory_space<vmem>> -> memref<1x192x128xf32, #tpu.memory_space<vmem>>
        %dma_wait3A_124 = tpu.memref_squeeze %dma_wait3A_123 : memref<1x192x128xf32, #tpu.memory_space<vmem>> -> memref<192x128xf32, #tpu.memory_space<vmem>>
        %dma_wait3A_125 = arith.constant 0 : i32
        %dma_wait3A_126 = tpu.memref_slice %arg6[%dma_wait3A_125, %mul3A_2] : memref<192x16384xf32, #tpu.memory_space<hbm>> -> memref<192x128xf32, #tpu.memory_space<hbm>>
        %dma_wait3A_127 = tpu.memref_slice %arg14[%rem3A_65] : memref<2x!tpu.dma_semaphore, #tpu.memory_space<semaphore_mem>> -> memref<1x!tpu.dma_semaphore, #tpu.memory_space<semaphore_mem>>
        %dma_wait3A_128 = tpu.memref_squeeze %dma_wait3A_127 : memref<1x!tpu.dma_semaphore, #tpu.memory_space<semaphore_mem>> -> memref<!tpu.dma_semaphore, #tpu.memory_space<semaphore_mem>>
        %dma_wait3A_129 = arith.constant 0 : i32
        %dma_wait3A_130 = tpu.memref_slice %arg6[%dma_wait3A_129, %mul3A_2] : memref<192x16384xf32, #tpu.memory_space<hbm>> -> memref<192x128xf32, #tpu.memory_space<hbm>>
        %dma_wait3A_131 = arith.constant 0 : i32
        %dma_wait3A_132 = arith.constant 0 : i32
        %dma_wait3A_133 = tpu.memref_slice %arg11[%rem3A_65, %dma_wait3A_131, %dma_wait3A_132] : memref<2x192x128xf32, #tpu.memory_space<vmem>> -> memref<1x192x128xf32, #tpu.memory_space<vmem>>
        %dma_wait3A_134 = tpu.memref_squeeze %dma_wait3A_133 : memref<1x192x128xf32, #tpu.memory_space<vmem>> -> memref<192x128xf32, #tpu.memory_space<vmem>>
        tpu.wait_dma2 semaphore(%dma_wait3A_128 : memref<!tpu.dma_semaphore, #tpu.memory_space<semaphore_mem>>) src(%dma_wait3A_134 : memref<192x128xf32, #tpu.memory_space<vmem>>) dst(%dma_wait3A_130 : memref<192x128xf32, #tpu.memory_space<hbm>>)
      } else {
      }
      %iota3A = tpu.iota {dimensions = array<i32: 0>} : vector<16xi32>
      %scan3A_98 = arith.constant 0 : i32
      %scan3A_99 = arith.constant 0 : i32
      %scan3A_100 = arith.constant 16 : i32
      %scan3A_101 = arith.addi %scan3A_99, %scan3A_100 : i32
      %scan3A_102 = arith.constant 1 : i32
      scf.for %scan3A_121 = %scan3A_99 to %scan3A_101 step %scan3A_102  : i32 {
        %add3A_122 = vector.broadcast %scan3A_121 : i32 to vector<16xi32>
        %add3A_123 = arith.addi %iota3A, %add3A_122 : vector<16xi32>
        %rem3A_124 = arith.constant 16 : i32
        %rem3A_125 = vector.broadcast %rem3A_124 : i32 to vector<16xi32>
        %rem3A_126 = arith.remsi %add3A_123, %rem3A_125 : vector<16xi32>
        %add3A_127 = arith.constant 0 : i32
        %add3A_128 = vector.broadcast %add3A_127 : i32 to vector<16xi32>
        %add3A_129 = arith.addi %rem3A_126, %add3A_128 : vector<16xi32>
        %add3A_130 = arith.constant 0 : i32
        %add3A_131 = vector.broadcast %add3A_130 : i32 to vector<16xi32>
        %add3A_132 = arith.addi %iota3A, %add3A_131 : vector<16xi32>
        %gather3A = arith.constant 0 : i32
        %gather3A_133 = arith.constant 0 : i32
        %gather3A_134 = tpu.memref_slice %arg9[%rem3A_65, %gather3A, %gather3A_133] : memref<2x128x128xf32, #tpu.memory_space<vmem>> -> memref<1x128x128xf32, #tpu.memory_space<vmem>>
        %gather3A_135 = tpu.memref_squeeze %gather3A_134 : memref<1x128x128xf32, #tpu.memory_space<vmem>> -> memref<128x128xf32, #tpu.memory_space<vmem>>
        %gather3A_136 = tpu.vector_load_idx %gather3A_135[%add3A_132, %add3A_129] : memref<128x128xf32, #tpu.memory_space<vmem>>[vector<16xi32>, vector<16xi32>], vector<16xf32>,
        %scatter3A = arith.constant 0 : i32
        %scatter3A_137 = arith.constant 0 : i32
        %scatter3A_138 = tpu.memref_slice %arg11[%rem3A_65, %scatter3A, %scatter3A_137] : memref<2x192x128xf32, #tpu.memory_space<vmem>> -> memref<1x192x128xf32, #tpu.memory_space<vmem>>
        %scatter3A_139 = tpu.memref_squeeze %scatter3A_138 : memref<1x192x128xf32, #tpu.memory_space<vmem>> -> memref<192x128xf32, #tpu.memory_space<vmem>>
        tpu.vector_store_idx %scatter3A_139[%add3A_129, %add3A_132], %gather3A_136 : memref<192x128xf32, #tpu.memory_space<vmem>>[vector<16xi32>, vector<16xi32>], vector<16xf32>,
        %add3A_140 = arith.constant 16 : i32
        %add3A_141 = vector.broadcast %add3A_140 : i32 to vector<16xi32>
        %add3A_142 = arith.addi %iota3A, %add3A_141 : vector<16xi32>
        %gather3A_143 = arith.constant 0 : i32
        %gather3A_144 = arith.constant 0 : i32
        %gather3A_145 = tpu.memref_slice %arg9[%rem3A_65, %gather3A_143, %gather3A_144] : memref<2x128x128xf32, #tpu.memory_space<vmem>> -> memref<1x128x128xf32, #tpu.memory_space<vmem>>
        %gather3A_146 = tpu.memref_squeeze %gather3A_145 : memref<1x128x128xf32, #tpu.memory_space<vmem>> -> memref<128x128xf32, #tpu.memory_space<vmem>>
        %gather3A_147 = tpu.vector_load_idx %gather3A_146[%add3A_142, %add3A_129] : memref<128x128xf32, #tpu.memory_space<vmem>>[vector<16xi32>, vector<16xi32>], vector<16xf32>,
        %scatter3A_148 = arith.constant 0 : i32
        %scatter3A_149 = arith.constant 0 : i32
        %scatter3A_150 = tpu.memref_slice %arg11[%rem3A_65, %scatter3A_148, %scatter3A_149] : memref<2x192x128xf32, #tpu.memory_space<vmem>> -> memref<1x192x128xf32, #tpu.memory_space<vmem>>
        %scatter3A_151 = tpu.memref_squeeze %scatter3A_150 : memref<1x192x128xf32, #tpu.memory_space<vmem>> -> memref<192x128xf32, #tpu.memory_space<vmem>>
        tpu.vector_store_idx %scatter3A_151[%add3A_129, %add3A_142], %gather3A_147 : memref<192x128xf32, #tpu.memory_space<vmem>>[vector<16xi32>, vector<16xi32>], vector<16xf32>,
        %add3A_152 = arith.constant 32 : i32
        %add3A_153 = vector.broadcast %add3A_152 : i32 to vector<16xi32>
        %add3A_154 = arith.addi %iota3A, %add3A_153 : vector<16xi32>
        %gather3A_155 = arith.constant 0 : i32
        %gather3A_156 = arith.constant 0 : i32
        %gather3A_157 = tpu.memref_slice %arg9[%rem3A_65, %gather3A_155, %gather3A_156] : memref<2x128x128xf32, #tpu.memory_space<vmem>> -> memref<1x128x128xf32, #tpu.memory_space<vmem>>
        %gather3A_158 = tpu.memref_squeeze %gather3A_157 : memref<1x128x128xf32, #tpu.memory_space<vmem>> -> memref<128x128xf32, #tpu.memory_space<vmem>>
        %gather3A_159 = tpu.vector_load_idx %gather3A_158[%add3A_154, %add3A_129] : memref<128x128xf32, #tpu.memory_space<vmem>>[vector<16xi32>, vector<16xi32>], vector<16xf32>,
        %scatter3A_160 = arith.constant 0 : i32
        %scatter3A_161 = arith.constant 0 : i32
        %scatter3A_162 = tpu.memref_slice %arg11[%rem3A_65, %scatter3A_160, %scatter3A_161] : memref<2x192x128xf32, #tpu.memory_space<vmem>> -> memref<1x192x128xf32, #tpu.memory_space<vmem>>
        %scatter3A_163 = tpu.memref_squeeze %scatter3A_162 : memref<1x192x128xf32, #tpu.memory_space<vmem>> -> memref<192x128xf32, #tpu.memory_space<vmem>>
        tpu.vector_store_idx %scatter3A_163[%add3A_129, %add3A_154], %gather3A_159 : memref<192x128xf32, #tpu.memory_space<vmem>>[vector<16xi32>, vector<16xi32>], vector<16xf32>,
        %add3A_164 = arith.constant 48 : i32
        %add3A_165 = vector.broadcast %add3A_164 : i32 to vector<16xi32>
        %add3A_166 = arith.addi %iota3A, %add3A_165 : vector<16xi32>
        %gather3A_167 = arith.constant 0 : i32
        %gather3A_168 = arith.constant 0 : i32
        %gather3A_169 = tpu.memref_slice %arg9[%rem3A_65, %gather3A_167, %gather3A_168] : memref<2x128x128xf32, #tpu.memory_space<vmem>> -> memref<1x128x128xf32, #tpu.memory_space<vmem>>
        %gather3A_170 = tpu.memref_squeeze %gather3A_169 : memref<1x128x128xf32, #tpu.memory_space<vmem>> -> memref<128x128xf32, #tpu.memory_space<vmem>>
        %gather3A_171 = tpu.vector_load_idx %gather3A_170[%add3A_166, %add3A_129] : memref<128x128xf32, #tpu.memory_space<vmem>>[vector<16xi32>, vector<16xi32>], vector<16xf32>,
        %scatter3A_172 = arith.constant 0 : i32
        %scatter3A_173 = arith.constant 0 : i32
        %scatter3A_174 = tpu.memref_slice %arg11[%rem3A_65, %scatter3A_172, %scatter3A_173] : memref<2x192x128xf32, #tpu.memory_space<vmem>> -> memref<1x192x128xf32, #tpu.memory_space<vmem>>
        %scatter3A_175 = tpu.memref_squeeze %scatter3A_174 : memref<1x192x128xf32, #tpu.memory_space<vmem>> -> memref<192x128xf32, #tpu.memory_space<vmem>>
        tpu.vector_store_idx %scatter3A_175[%add3A_129, %add3A_166], %gather3A_171 : memref<192x128xf32, #tpu.memory_space<vmem>>[vector<16xi32>, vector<16xi32>], vector<16xf32>,
        %add3A_176 = arith.constant 64 : i32
        %add3A_177 = vector.broadcast %add3A_176 : i32 to vector<16xi32>
        %add3A_178 = arith.addi %iota3A, %add3A_177 : vector<16xi32>
        %gather3A_179 = arith.constant 0 : i32
        %gather3A_180 = arith.constant 0 : i32
        %gather3A_181 = tpu.memref_slice %arg9[%rem3A_65, %gather3A_179, %gather3A_180] : memref<2x128x128xf32, #tpu.memory_space<vmem>> -> memref<1x128x128xf32, #tpu.memory_space<vmem>>
        %gather3A_182 = tpu.memref_squeeze %gather3A_181 : memref<1x128x128xf32, #tpu.memory_space<vmem>> -> memref<128x128xf32, #tpu.memory_space<vmem>>
        %gather3A_183 = tpu.vector_load_idx %gather3A_182[%add3A_178, %add3A_129] : memref<128x128xf32, #tpu.memory_space<vmem>>[vector<16xi32>, vector<16xi32>], vector<16xf32>,
        %scatter3A_184 = arith.constant 0 : i32
        %scatter3A_185 = arith.constant 0 : i32
        %scatter3A_186 = tpu.memref_slice %arg11[%rem3A_65, %scatter3A_184, %scatter3A_185] : memref<2x192x128xf32, #tpu.memory_space<vmem>> -> memref<1x192x128xf32, #tpu.memory_space<vmem>>
        %scatter3A_187 = tpu.memref_squeeze %scatter3A_186 : memref<1x192x128xf32, #tpu.memory_space<vmem>> -> memref<192x128xf32, #tpu.memory_space<vmem>>
        tpu.vector_store_idx %scatter3A_187[%add3A_129, %add3A_178], %gather3A_183 : memref<192x128xf32, #tpu.memory_space<vmem>>[vector<16xi32>, vector<16xi32>], vector<16xf32>,
        %add3A_188 = arith.constant 80 : i32
        %add3A_189 = vector.broadcast %add3A_188 : i32 to vector<16xi32>
        %add3A_190 = arith.addi %iota3A, %add3A_189 : vector<16xi32>
        %gather3A_191 = arith.constant 0 : i32
        %gather3A_192 = arith.constant 0 : i32
        %gather3A_193 = tpu.memref_slice %arg9[%rem3A_65, %gather3A_191, %gather3A_192] : memref<2x128x128xf32, #tpu.memory_space<vmem>> -> memref<1x128x128xf32, #tpu.memory_space<vmem>>
        %gather3A_194 = tpu.memref_squeeze %gather3A_193 : memref<1x128x128xf32, #tpu.memory_space<vmem>> -> memref<128x128xf32, #tpu.memory_space<vmem>>
        %gather3A_195 = tpu.vector_load_idx %gather3A_194[%add3A_190, %add3A_129] : memref<128x128xf32, #tpu.memory_space<vmem>>[vector<16xi32>, vector<16xi32>], vector<16xf32>,
        %scatter3A_196 = arith.constant 0 : i32
        %scatter3A_197 = arith.constant 0 : i32
        %scatter3A_198 = tpu.memref_slice %arg11[%rem3A_65, %scatter3A_196, %scatter3A_197] : memref<2x192x128xf32, #tpu.memory_space<vmem>> -> memref<1x192x128xf32, #tpu.memory_space<vmem>>
        %scatter3A_199 = tpu.memref_squeeze %scatter3A_198 : memref<1x192x128xf32, #tpu.memory_space<vmem>> -> memref<192x128xf32, #tpu.memory_space<vmem>>
        tpu.vector_store_idx %scatter3A_199[%add3A_129, %add3A_190], %gather3A_195 : memref<192x128xf32, #tpu.memory_space<vmem>>[vector<16xi32>, vector<16xi32>], vector<16xf32>,
        %add3A_200 = arith.constant 96 : i32
        %add3A_201 = vector.broadcast %add3A_200 : i32 to vector<16xi32>
        %add3A_202 = arith.addi %iota3A, %add3A_201 : vector<16xi32>
        %gather3A_203 = arith.constant 0 : i32
        %gather3A_204 = arith.constant 0 : i32
        %gather3A_205 = tpu.memref_slice %arg9[%rem3A_65, %gather3A_203, %gather3A_204] : memref<2x128x128xf32, #tpu.memory_space<vmem>> -> memref<1x128x128xf32, #tpu.memory_space<vmem>>
        %gather3A_206 = tpu.memref_squeeze %gather3A_205 : memref<1x128x128xf32, #tpu.memory_space<vmem>> -> memref<128x128xf32, #tpu.memory_space<vmem>>
        %gather3A_207 = tpu.vector_load_idx %gather3A_206[%add3A_202, %add3A_129] : memref<128x128xf32, #tpu.memory_space<vmem>>[vector<16xi32>, vector<16xi32>], vector<16xf32>,
        %scatter3A_208 = arith.constant 0 : i32
        %scatter3A_209 = arith.constant 0 : i32
        %scatter3A_210 = tpu.memref_slice %arg11[%rem3A_65, %scatter3A_208, %scatter3A_209] : memref<2x192x128xf32, #tpu.memory_space<vmem>> -> memref<1x192x128xf32, #tpu.memory_space<vmem>>
        %scatter3A_211 = tpu.memref_squeeze %scatter3A_210 : memref<1x192x128xf32, #tpu.memory_space<vmem>> -> memref<192x128xf32, #tpu.memory_space<vmem>>
        tpu.vector_store_idx %scatter3A_211[%add3A_129, %add3A_202], %gather3A_207 : memref<192x128xf32, #tpu.memory_space<vmem>>[vector<16xi32>, vector<16xi32>], vector<16xf32>,
        %add3A_212 = arith.constant 112 : i32
        %add3A_213 = vector.broadcast %add3A_212 : i32 to vector<16xi32>
        %add3A_214 = arith.addi %iota3A, %add3A_213 : vector<16xi32>
        %gather3A_215 = arith.constant 0 : i32
        %gather3A_216 = arith.constant 0 : i32
        %gather3A_217 = tpu.memref_slice %arg9[%rem3A_65, %gather3A_215, %gather3A_216] : memref<2x128x128xf32, #tpu.memory_space<vmem>> -> memref<1x128x128xf32, #tpu.memory_space<vmem>>
        %gather3A_218 = tpu.memref_squeeze %gather3A_217 : memref<1x128x128xf32, #tpu.memory_space<vmem>> -> memref<128x128xf32, #tpu.memory_space<vmem>>
        %gather3A_219 = tpu.vector_load_idx %gather3A_218[%add3A_214, %add3A_129] : memref<128x128xf32, #tpu.memory_space<vmem>>[vector<16xi32>, vector<16xi32>], vector<16xf32>,
        %scatter3A_220 = arith.constant 0 : i32
        %scatter3A_221 = arith.constant 0 : i32
        %scatter3A_222 = tpu.memref_slice %arg11[%rem3A_65, %scatter3A_220, %scatter3A_221] : memref<2x192x128xf32, #tpu.memory_space<vmem>> -> memref<1x192x128xf32, #tpu.memory_space<vmem>>
        %scatter3A_223 = tpu.memref_squeeze %scatter3A_222 : memref<1x192x128xf32, #tpu.memory_space<vmem>> -> memref<192x128xf32, #tpu.memory_space<vmem>>
        tpu.vector_store_idx %scatter3A_223[%add3A_129, %add3A_214], %gather3A_219 : memref<192x128xf32, #tpu.memory_space<vmem>>[vector<16xi32>, vector<16xi32>], vector<16xf32>,
        %add3A_224 = arith.constant 16 : i32
        %add3A_225 = vector.broadcast %add3A_224 : i32 to vector<16xi32>
        %add3A_226 = arith.addi %rem3A_126, %add3A_225 : vector<16xi32>
        %add3A_227 = arith.constant 0 : i32
        %add3A_228 = vector.broadcast %add3A_227 : i32 to vector<16xi32>
        %add3A_229 = arith.addi %iota3A, %add3A_228 : vector<16xi32>
        %gather3A_230 = arith.constant 0 : i32
        %gather3A_231 = arith.constant 0 : i32
        %gather3A_232 = tpu.memref_slice %arg9[%rem3A_65, %gather3A_230, %gather3A_231] : memref<2x128x128xf32, #tpu.memory_space<vmem>> -> memref<1x128x128xf32, #tpu.memory_space<vmem>>
        %gather3A_233 = tpu.memref_squeeze %gather3A_232 : memref<1x128x128xf32, #tpu.memory_space<vmem>> -> memref<128x128xf32, #tpu.memory_space<vmem>>
        %gather3A_234 = tpu.vector_load_idx %gather3A_233[%add3A_229, %add3A_226] : memref<128x128xf32, #tpu.memory_space<vmem>>[vector<16xi32>, vector<16xi32>], vector<16xf32>,
        %scatter3A_235 = arith.constant 0 : i32
        %scatter3A_236 = arith.constant 0 : i32
        %scatter3A_237 = tpu.memref_slice %arg11[%rem3A_65, %scatter3A_235, %scatter3A_236] : memref<2x192x128xf32, #tpu.memory_space<vmem>> -> memref<1x192x128xf32, #tpu.memory_space<vmem>>
        %scatter3A_238 = tpu.memref_squeeze %scatter3A_237 : memref<1x192x128xf32, #tpu.memory_space<vmem>> -> memref<192x128xf32, #tpu.memory_space<vmem>>
        tpu.vector_store_idx %scatter3A_238[%add3A_226, %add3A_229], %gather3A_234 : memref<192x128xf32, #tpu.memory_space<vmem>>[vector<16xi32>, vector<16xi32>], vector<16xf32>,
        %add3A_239 = arith.constant 16 : i32
        %add3A_240 = vector.broadcast %add3A_239 : i32 to vector<16xi32>
        %add3A_241 = arith.addi %iota3A, %add3A_240 : vector<16xi32>
        %gather3A_242 = arith.constant 0 : i32
        %gather3A_243 = arith.constant 0 : i32
        %gather3A_244 = tpu.memref_slice %arg9[%rem3A_65, %gather3A_242, %gather3A_243] : memref<2x128x128xf32, #tpu.memory_space<vmem>> -> memref<1x128x128xf32, #tpu.memory_space<vmem>>
        %gather3A_245 = tpu.memref_squeeze %gather3A_244 : memref<1x128x128xf32, #tpu.memory_space<vmem>> -> memref<128x128xf32, #tpu.memory_space<vmem>>
        %gather3A_246 = tpu.vector_load_idx %gather3A_245[%add3A_241, %add3A_226] : memref<128x128xf32, #tpu.memory_space<vmem>>[vector<16xi32>, vector<16xi32>], vector<16xf32>,
        %scatter3A_247 = arith.constant 0 : i32
        %scatter3A_248 = arith.constant 0 : i32
        %scatter3A_249 = tpu.memref_slice %arg11[%rem3A_65, %scatter3A_247, %scatter3A_248] : memref<2x192x128xf32, #tpu.memory_space<vmem>> -> memref<1x192x128xf32, #tpu.memory_space<vmem>>
        %scatter3A_250 = tpu.memref_squeeze %scatter3A_249 : memref<1x192x128xf32, #tpu.memory_space<vmem>> -> memref<192x128xf32, #tpu.memory_space<vmem>>
        tpu.vector_store_idx %scatter3A_250[%add3A_226, %add3A_241], %gather3A_246 : memref<192x128xf32, #tpu.memory_space<vmem>>[vector<16xi32>, vector<16xi32>], vector<16xf32>,
        %add3A_251 = arith.constant 32 : i32
        %add3A_252 = vector.broadcast %add3A_251 : i32 to vector<16xi32>
        %add3A_253 = arith.addi %iota3A, %add3A_252 : vector<16xi32>
        %gather3A_254 = arith.constant 0 : i32
        %gather3A_255 = arith.constant 0 : i32
        %gather3A_256 = tpu.memref_slice %arg9[%rem3A_65, %gather3A_254, %gather3A_255] : memref<2x128x128xf32, #tpu.memory_space<vmem>> -> memref<1x128x128xf32, #tpu.memory_space<vmem>>
        %gather3A_257 = tpu.memref_squeeze %gather3A_256 : memref<1x128x128xf32, #tpu.memory_space<vmem>> -> memref<128x128xf32, #tpu.memory_space<vmem>>
        %gather3A_258 = tpu.vector_load_idx %gather3A_257[%add3A_253, %add3A_226] : memref<128x128xf32, #tpu.memory_space<vmem>>[vector<16xi32>, vector<16xi32>], vector<16xf32>,
        %scatter3A_259 = arith.constant 0 : i32
        %scatter3A_260 = arith.constant 0 : i32
        %scatter3A_261 = tpu.memref_slice %arg11[%rem3A_65, %scatter3A_259, %scatter3A_260] : memref<2x192x128xf32, #tpu.memory_space<vmem>> -> memref<1x192x128xf32, #tpu.memory_space<vmem>>
        %scatter3A_262 = tpu.memref_squeeze %scatter3A_261 : memref<1x192x128xf32, #tpu.memory_space<vmem>> -> memref<192x128xf32, #tpu.memory_space<vmem>>
        tpu.vector_store_idx %scatter3A_262[%add3A_226, %add3A_253], %gather3A_258 : memref<192x128xf32, #tpu.memory_space<vmem>>[vector<16xi32>, vector<16xi32>], vector<16xf32>,
        %add3A_263 = arith.constant 48 : i32
        %add3A_264 = vector.broadcast %add3A_263 : i32 to vector<16xi32>
        %add3A_265 = arith.addi %iota3A, %add3A_264 : vector<16xi32>
        %gather3A_266 = arith.constant 0 : i32
        %gather3A_267 = arith.constant 0 : i32
        %gather3A_268 = tpu.memref_slice %arg9[%rem3A_65, %gather3A_266, %gather3A_267] : memref<2x128x128xf32, #tpu.memory_space<vmem>> -> memref<1x128x128xf32, #tpu.memory_space<vmem>>
        %gather3A_269 = tpu.memref_squeeze %gather3A_268 : memref<1x128x128xf32, #tpu.memory_space<vmem>> -> memref<128x128xf32, #tpu.memory_space<vmem>>
        %gather3A_270 = tpu.vector_load_idx %gather3A_269[%add3A_265, %add3A_226] : memref<128x128xf32, #tpu.memory_space<vmem>>[vector<16xi32>, vector<16xi32>], vector<16xf32>,
        %scatter3A_271 = arith.constant 0 : i32
        %scatter3A_272 = arith.constant 0 : i32
        %scatter3A_273 = tpu.memref_slice %arg11[%rem3A_65, %scatter3A_271, %scatter3A_272] : memref<2x192x128xf32, #tpu.memory_space<vmem>> -> memref<1x192x128xf32, #tpu.memory_space<vmem>>
        %scatter3A_274 = tpu.memref_squeeze %scatter3A_273 : memref<1x192x128xf32, #tpu.memory_space<vmem>> -> memref<192x128xf32, #tpu.memory_space<vmem>>
        tpu.vector_store_idx %scatter3A_274[%add3A_226, %add3A_265], %gather3A_270 : memref<192x128xf32, #tpu.memory_space<vmem>>[vector<16xi32>, vector<16xi32>], vector<16xf32>,
        %add3A_275 = arith.constant 64 : i32
        %add3A_276 = vector.broadcast %add3A_275 : i32 to vector<16xi32>
        %add3A_277 = arith.addi %iota3A, %add3A_276 : vector<16xi32>
        %gather3A_278 = arith.constant 0 : i32
        %gather3A_279 = arith.constant 0 : i32
        %gather3A_280 = tpu.memref_slice %arg9[%rem3A_65, %gather3A_278, %gather3A_279] : memref<2x128x128xf32, #tpu.memory_space<vmem>> -> memref<1x128x128xf32, #tpu.memory_space<vmem>>
        %gather3A_281 = tpu.memref_squeeze %gather3A_280 : memref<1x128x128xf32, #tpu.memory_space<vmem>> -> memref<128x128xf32, #tpu.memory_space<vmem>>
        %gather3A_282 = tpu.vector_load_idx %gather3A_281[%add3A_277, %add3A_226] : memref<128x128xf32, #tpu.memory_space<vmem>>[vector<16xi32>, vector<16xi32>], vector<16xf32>,
        %scatter3A_283 = arith.constant 0 : i32
        %scatter3A_284 = arith.constant 0 : i32
        %scatter3A_285 = tpu.memref_slice %arg11[%rem3A_65, %scatter3A_283, %scatter3A_284] : memref<2x192x128xf32, #tpu.memory_space<vmem>> -> memref<1x192x128xf32, #tpu.memory_space<vmem>>
        %scatter3A_286 = tpu.memref_squeeze %scatter3A_285 : memref<1x192x128xf32, #tpu.memory_space<vmem>> -> memref<192x128xf32, #tpu.memory_space<vmem>>
        tpu.vector_store_idx %scatter3A_286[%add3A_226, %add3A_277], %gather3A_282 : memref<192x128xf32, #tpu.memory_space<vmem>>[vector<16xi32>, vector<16xi32>], vector<16xf32>,
        %add3A_287 = arith.constant 80 : i32
        %add3A_288 = vector.broadcast %add3A_287 : i32 to vector<16xi32>
        %add3A_289 = arith.addi %iota3A, %add3A_288 : vector<16xi32>
        %gather3A_290 = arith.constant 0 : i32
        %gather3A_291 = arith.constant 0 : i32
        %gather3A_292 = tpu.memref_slice %arg9[%rem3A_65, %gather3A_290, %gather3A_291] : memref<2x128x128xf32, #tpu.memory_space<vmem>> -> memref<1x128x128xf32, #tpu.memory_space<vmem>>
        %gather3A_293 = tpu.memref_squeeze %gather3A_292 : memref<1x128x128xf32, #tpu.memory_space<vmem>> -> memref<128x128xf32, #tpu.memory_space<vmem>>
        %gather3A_294 = tpu.vector_load_idx %gather3A_293[%add3A_289, %add3A_226] : memref<128x128xf32, #tpu.memory_space<vmem>>[vector<16xi32>, vector<16xi32>], vector<16xf32>,
        %scatter3A_295 = arith.constant 0 : i32
        %scatter3A_296 = arith.constant 0 : i32
        %scatter3A_297 = tpu.memref_slice %arg11[%rem3A_65, %scatter3A_295, %scatter3A_296] : memref<2x192x128xf32, #tpu.memory_space<vmem>> -> memref<1x192x128xf32, #tpu.memory_space<vmem>>
        %scatter3A_298 = tpu.memref_squeeze %scatter3A_297 : memref<1x192x128xf32, #tpu.memory_space<vmem>> -> memref<192x128xf32, #tpu.memory_space<vmem>>
        tpu.vector_store_idx %scatter3A_298[%add3A_226, %add3A_289], %gather3A_294 : memref<192x128xf32, #tpu.memory_space<vmem>>[vector<16xi32>, vector<16xi32>], vector<16xf32>,
        %add3A_299 = arith.constant 96 : i32
        %add3A_300 = vector.broadcast %add3A_299 : i32 to vector<16xi32>
        %add3A_301 = arith.addi %iota3A, %add3A_300 : vector<16xi32>
        %gather3A_302 = arith.constant 0 : i32
        %gather3A_303 = arith.constant 0 : i32
        %gather3A_304 = tpu.memref_slice %arg9[%rem3A_65, %gather3A_302, %gather3A_303] : memref<2x128x128xf32, #tpu.memory_space<vmem>> -> memref<1x128x128xf32, #tpu.memory_space<vmem>>
        %gather3A_305 = tpu.memref_squeeze %gather3A_304 : memref<1x128x128xf32, #tpu.memory_space<vmem>> -> memref<128x128xf32, #tpu.memory_space<vmem>>
        %gather3A_306 = tpu.vector_load_idx %gather3A_305[%add3A_301, %add3A_226] : memref<128x128xf32, #tpu.memory_space<vmem>>[vector<16xi32>, vector<16xi32>], vector<16xf32>,
        %scatter3A_307 = arith.constant 0 : i32
        %scatter3A_308 = arith.constant 0 : i32
        %scatter3A_309 = tpu.memref_slice %arg11[%rem3A_65, %scatter3A_307, %scatter3A_308] : memref<2x192x128xf32, #tpu.memory_space<vmem>> -> memref<1x192x128xf32, #tpu.memory_space<vmem>>
        %scatter3A_310 = tpu.memref_squeeze %scatter3A_309 : memref<1x192x128xf32, #tpu.memory_space<vmem>> -> memref<192x128xf32, #tpu.memory_space<vmem>>
        tpu.vector_store_idx %scatter3A_310[%add3A_226, %add3A_301], %gather3A_306 : memref<192x128xf32, #tpu.memory_space<vmem>>[vector<16xi32>, vector<16xi32>], vector<16xf32>,
        %add3A_311 = arith.constant 112 : i32
        %add3A_312 = vector.broadcast %add3A_311 : i32 to vector<16xi32>
        %add3A_313 = arith.addi %iota3A, %add3A_312 : vector<16xi32>
        %gather3A_314 = arith.constant 0 : i32
        %gather3A_315 = arith.constant 0 : i32
        %gather3A_316 = tpu.memref_slice %arg9[%rem3A_65, %gather3A_314, %gather3A_315] : memref<2x128x128xf32, #tpu.memory_space<vmem>> -> memref<1x128x128xf32, #tpu.memory_space<vmem>>
        %gather3A_317 = tpu.memref_squeeze %gather3A_316 : memref<1x128x128xf32, #tpu.memory_space<vmem>> -> memref<128x128xf32, #tpu.memory_space<vmem>>
        %gather3A_318 = tpu.vector_load_idx %gather3A_317[%add3A_313, %add3A_226] : memref<128x128xf32, #tpu.memory_space<vmem>>[vector<16xi32>, vector<16xi32>], vector<16xf32>,
        %scatter3A_319 = arith.constant 0 : i32
        %scatter3A_320 = arith.constant 0 : i32
        %scatter3A_321 = tpu.memref_slice %arg11[%rem3A_65, %scatter3A_319, %scatter3A_320] : memref<2x192x128xf32, #tpu.memory_space<vmem>> -> memref<1x192x128xf32, #tpu.memory_space<vmem>>
        %scatter3A_322 = tpu.memref_squeeze %scatter3A_321 : memref<1x192x128xf32, #tpu.memory_space<vmem>> -> memref<192x128xf32, #tpu.memory_space<vmem>>
        tpu.vector_store_idx %scatter3A_322[%add3A_226, %add3A_313], %gather3A_318 : memref<192x128xf32, #tpu.memory_space<vmem>>[vector<16xi32>, vector<16xi32>], vector<16xf32>,
        %add3A_323 = arith.constant 32 : i32
        %add3A_324 = vector.broadcast %add3A_323 : i32 to vector<16xi32>
        %add3A_325 = arith.addi %rem3A_126, %add3A_324 : vector<16xi32>
        %add3A_326 = arith.constant 0 : i32
        %add3A_327 = vector.broadcast %add3A_326 : i32 to vector<16xi32>
        %add3A_328 = arith.addi %iota3A, %add3A_327 : vector<16xi32>
        %gather3A_329 = arith.constant 0 : i32
        %gather3A_330 = arith.constant 0 : i32
        %gather3A_331 = tpu.memref_slice %arg9[%rem3A_65, %gather3A_329, %gather3A_330] : memref<2x128x128xf32, #tpu.memory_space<vmem>> -> memref<1x128x128xf32, #tpu.memory_space<vmem>>
        %gather3A_332 = tpu.memref_squeeze %gather3A_331 : memref<1x128x128xf32, #tpu.memory_space<vmem>> -> memref<128x128xf32, #tpu.memory_space<vmem>>
        %gather3A_333 = tpu.vector_load_idx %gather3A_332[%add3A_328, %add3A_325] : memref<128x128xf32, #tpu.memory_space<vmem>>[vector<16xi32>, vector<16xi32>], vector<16xf32>,
        %scatter3A_334 = arith.constant 0 : i32
        %scatter3A_335 = arith.constant 0 : i32
        %scatter3A_336 = tpu.memref_slice %arg11[%rem3A_65, %scatter3A_334, %scatter3A_335] : memref<2x192x128xf32, #tpu.memory_space<vmem>> -> memref<1x192x128xf32, #tpu.memory_space<vmem>>
        %scatter3A_337 = tpu.memref_squeeze %scatter3A_336 : memref<1x192x128xf32, #tpu.memory_space<vmem>> -> memref<192x128xf32, #tpu.memory_space<vmem>>
        tpu.vector_store_idx %scatter3A_337[%add3A_325, %add3A_328], %gather3A_333 : memref<192x128xf32, #tpu.memory_space<vmem>>[vector<16xi32>, vector<16xi32>], vector<16xf32>,
        %add3A_338 = arith.constant 16 : i32
        %add3A_339 = vector.broadcast %add3A_338 : i32 to vector<16xi32>
        %add3A_340 = arith.addi %iota3A, %add3A_339 : vector<16xi32>
        %gather3A_341 = arith.constant 0 : i32
        %gather3A_342 = arith.constant 0 : i32
        %gather3A_343 = tpu.memref_slice %arg9[%rem3A_65, %gather3A_341, %gather3A_342] : memref<2x128x128xf32, #tpu.memory_space<vmem>> -> memref<1x128x128xf32, #tpu.memory_space<vmem>>
        %gather3A_344 = tpu.memref_squeeze %gather3A_343 : memref<1x128x128xf32, #tpu.memory_space<vmem>> -> memref<128x128xf32, #tpu.memory_space<vmem>>
        %gather3A_345 = tpu.vector_load_idx %gather3A_344[%add3A_340, %add3A_325] : memref<128x128xf32, #tpu.memory_space<vmem>>[vector<16xi32>, vector<16xi32>], vector<16xf32>,
        %scatter3A_346 = arith.constant 0 : i32
        %scatter3A_347 = arith.constant 0 : i32
        %scatter3A_348 = tpu.memref_slice %arg11[%rem3A_65, %scatter3A_346, %scatter3A_347] : memref<2x192x128xf32, #tpu.memory_space<vmem>> -> memref<1x192x128xf32, #tpu.memory_space<vmem>>
        %scatter3A_349 = tpu.memref_squeeze %scatter3A_348 : memref<1x192x128xf32, #tpu.memory_space<vmem>> -> memref<192x128xf32, #tpu.memory_space<vmem>>
        tpu.vector_store_idx %scatter3A_349[%add3A_325, %add3A_340], %gather3A_345 : memref<192x128xf32, #tpu.memory_space<vmem>>[vector<16xi32>, vector<16xi32>], vector<16xf32>,
        %add3A_350 = arith.constant 32 : i32
        %add3A_351 = vector.broadcast %add3A_350 : i32 to vector<16xi32>
        %add3A_352 = arith.addi %iota3A, %add3A_351 : vector<16xi32>
        %gather3A_353 = arith.constant 0 : i32
        %gather3A_354 = arith.constant 0 : i32
        %gather3A_355 = tpu.memref_slice %arg9[%rem3A_65, %gather3A_353, %gather3A_354] : memref<2x128x128xf32, #tpu.memory_space<vmem>> -> memref<1x128x128xf32, #tpu.memory_space<vmem>>
        %gather3A_356 = tpu.memref_squeeze %gather3A_355 : memref<1x128x128xf32, #tpu.memory_space<vmem>> -> memref<128x128xf32, #tpu.memory_space<vmem>>
        %gather3A_357 = tpu.vector_load_idx %gather3A_356[%add3A_352, %add3A_325] : memref<128x128xf32, #tpu.memory_space<vmem>>[vector<16xi32>, vector<16xi32>], vector<16xf32>,
        %scatter3A_358 = arith.constant 0 : i32
        %scatter3A_359 = arith.constant 0 : i32
        %scatter3A_360 = tpu.memref_slice %arg11[%rem3A_65, %scatter3A_358, %scatter3A_359] : memref<2x192x128xf32, #tpu.memory_space<vmem>> -> memref<1x192x128xf32, #tpu.memory_space<vmem>>
        %scatter3A_361 = tpu.memref_squeeze %scatter3A_360 : memref<1x192x128xf32, #tpu.memory_space<vmem>> -> memref<192x128xf32, #tpu.memory_space<vmem>>
        tpu.vector_store_idx %scatter3A_361[%add3A_325, %add3A_352], %gather3A_357 : memref<192x128xf32, #tpu.memory_space<vmem>>[vector<16xi32>, vector<16xi32>], vector<16xf32>,
        %add3A_362 = arith.constant 48 : i32
        %add3A_363 = vector.broadcast %add3A_362 : i32 to vector<16xi32>
        %add3A_364 = arith.addi %iota3A, %add3A_363 : vector<16xi32>
        %gather3A_365 = arith.constant 0 : i32
        %gather3A_366 = arith.constant 0 : i32
        %gather3A_367 = tpu.memref_slice %arg9[%rem3A_65, %gather3A_365, %gather3A_366] : memref<2x128x128xf32, #tpu.memory_space<vmem>> -> memref<1x128x128xf32, #tpu.memory_space<vmem>>
        %gather3A_368 = tpu.memref_squeeze %gather3A_367 : memref<1x128x128xf32, #tpu.memory_space<vmem>> -> memref<128x128xf32, #tpu.memory_space<vmem>>
        %gather3A_369 = tpu.vector_load_idx %gather3A_368[%add3A_364, %add3A_325] : memref<128x128xf32, #tpu.memory_space<vmem>>[vector<16xi32>, vector<16xi32>], vector<16xf32>,
        %scatter3A_370 = arith.constant 0 : i32
        %scatter3A_371 = arith.constant 0 : i32
        %scatter3A_372 = tpu.memref_slice %arg11[%rem3A_65, %scatter3A_370, %scatter3A_371] : memref<2x192x128xf32, #tpu.memory_space<vmem>> -> memref<1x192x128xf32, #tpu.memory_space<vmem>>
        %scatter3A_373 = tpu.memref_squeeze %scatter3A_372 : memref<1x192x128xf32, #tpu.memory_space<vmem>> -> memref<192x128xf32, #tpu.memory_space<vmem>>
        tpu.vector_store_idx %scatter3A_373[%add3A_325, %add3A_364], %gather3A_369 : memref<192x128xf32, #tpu.memory_space<vmem>>[vector<16xi32>, vector<16xi32>], vector<16xf32>,
        %add3A_374 = arith.constant 64 : i32
        %add3A_375 = vector.broadcast %add3A_374 : i32 to vector<16xi32>
        %add3A_376 = arith.addi %iota3A, %add3A_375 : vector<16xi32>
        %gather3A_377 = arith.constant 0 : i32
        %gather3A_378 = arith.constant 0 : i32
        %gather3A_379 = tpu.memref_slice %arg9[%rem3A_65, %gather3A_377, %gather3A_378] : memref<2x128x128xf32, #tpu.memory_space<vmem>> -> memref<1x128x128xf32, #tpu.memory_space<vmem>>
        %gather3A_380 = tpu.memref_squeeze %gather3A_379 : memref<1x128x128xf32, #tpu.memory_space<vmem>> -> memref<128x128xf32, #tpu.memory_space<vmem>>
        %gather3A_381 = tpu.vector_load_idx %gather3A_380[%add3A_376, %add3A_325] : memref<128x128xf32, #tpu.memory_space<vmem>>[vector<16xi32>, vector<16xi32>], vector<16xf32>,
        %scatter3A_382 = arith.constant 0 : i32
        %scatter3A_383 = arith.constant 0 : i32
        %scatter3A_384 = tpu.memref_slice %arg11[%rem3A_65, %scatter3A_382, %scatter3A_383] : memref<2x192x128xf32, #tpu.memory_space<vmem>> -> memref<1x192x128xf32, #tpu.memory_space<vmem>>
        %scatter3A_385 = tpu.memref_squeeze %scatter3A_384 : memref<1x192x128xf32, #tpu.memory_space<vmem>> -> memref<192x128xf32, #tpu.memory_space<vmem>>
        tpu.vector_store_idx %scatter3A_385[%add3A_325, %add3A_376], %gather3A_381 : memref<192x128xf32, #tpu.memory_space<vmem>>[vector<16xi32>, vector<16xi32>], vector<16xf32>,
        %add3A_386 = arith.constant 80 : i32
        %add3A_387 = vector.broadcast %add3A_386 : i32 to vector<16xi32>
        %add3A_388 = arith.addi %iota3A, %add3A_387 : vector<16xi32>
        %gather3A_389 = arith.constant 0 : i32
        %gather3A_390 = arith.constant 0 : i32
        %gather3A_391 = tpu.memref_slice %arg9[%rem3A_65, %gather3A_389, %gather3A_390] : memref<2x128x128xf32, #tpu.memory_space<vmem>> -> memref<1x128x128xf32, #tpu.memory_space<vmem>>
        %gather3A_392 = tpu.memref_squeeze %gather3A_391 : memref<1x128x128xf32, #tpu.memory_space<vmem>> -> memref<128x128xf32, #tpu.memory_space<vmem>>
        %gather3A_393 = tpu.vector_load_idx %gather3A_392[%add3A_388, %add3A_325] : memref<128x128xf32, #tpu.memory_space<vmem>>[vector<16xi32>, vector<16xi32>], vector<16xf32>,
        %scatter3A_394 = arith.constant 0 : i32
        %scatter3A_395 = arith.constant 0 : i32
        %scatter3A_396 = tpu.memref_slice %arg11[%rem3A_65, %scatter3A_394, %scatter3A_395] : memref<2x192x128xf32, #tpu.memory_space<vmem>> -> memref<1x192x128xf32, #tpu.memory_space<vmem>>
        %scatter3A_397 = tpu.memref_squeeze %scatter3A_396 : memref<1x192x128xf32, #tpu.memory_space<vmem>> -> memref<192x128xf32, #tpu.memory_space<vmem>>
        tpu.vector_store_idx %scatter3A_397[%add3A_325, %add3A_388], %gather3A_393 : memref<192x128xf32, #tpu.memory_space<vmem>>[vector<16xi32>, vector<16xi32>], vector<16xf32>,
        %add3A_398 = arith.constant 96 : i32
        %add3A_399 = vector.broadcast %add3A_398 : i32 to vector<16xi32>
        %add3A_400 = arith.addi %iota3A, %add3A_399 : vector<16xi32>
        %gather3A_401 = arith.constant 0 : i32
        %gather3A_402 = arith.constant 0 : i32
        %gather3A_403 = tpu.memref_slice %arg9[%rem3A_65, %gather3A_401, %gather3A_402] : memref<2x128x128xf32, #tpu.memory_space<vmem>> -> memref<1x128x128xf32, #tpu.memory_space<vmem>>
        %gather3A_404 = tpu.memref_squeeze %gather3A_403 : memref<1x128x128xf32, #tpu.memory_space<vmem>> -> memref<128x128xf32, #tpu.memory_space<vmem>>
        %gather3A_405 = tpu.vector_load_idx %gather3A_404[%add3A_400, %add3A_325] : memref<128x128xf32, #tpu.memory_space<vmem>>[vector<16xi32>, vector<16xi32>], vector<16xf32>,
        %scatter3A_406 = arith.constant 0 : i32
        %scatter3A_407 = arith.constant 0 : i32
        %scatter3A_408 = tpu.memref_slice %arg11[%rem3A_65, %scatter3A_406, %scatter3A_407] : memref<2x192x128xf32, #tpu.memory_space<vmem>> -> memref<1x192x128xf32, #tpu.memory_space<vmem>>
        %scatter3A_409 = tpu.memref_squeeze %scatter3A_408 : memref<1x192x128xf32, #tpu.memory_space<vmem>> -> memref<192x128xf32, #tpu.memory_space<vmem>>
        tpu.vector_store_idx %scatter3A_409[%add3A_325, %add3A_400], %gather3A_405 : memref<192x128xf32, #tpu.memory_space<vmem>>[vector<16xi32>, vector<16xi32>], vector<16xf32>,
        %add3A_410 = arith.constant 112 : i32
        %add3A_411 = vector.broadcast %add3A_410 : i32 to vector<16xi32>
        %add3A_412 = arith.addi %iota3A, %add3A_411 : vector<16xi32>
        %gather3A_413 = arith.constant 0 : i32
        %gather3A_414 = arith.constant 0 : i32
        %gather3A_415 = tpu.memref_slice %arg9[%rem3A_65, %gather3A_413, %gather3A_414] : memref<2x128x128xf32, #tpu.memory_space<vmem>> -> memref<1x128x128xf32, #tpu.memory_space<vmem>>
        %gather3A_416 = tpu.memref_squeeze %gather3A_415 : memref<1x128x128xf32, #tpu.memory_space<vmem>> -> memref<128x128xf32, #tpu.memory_space<vmem>>
        %gather3A_417 = tpu.vector_load_idx %gather3A_416[%add3A_412, %add3A_325] : memref<128x128xf32, #tpu.memory_space<vmem>>[vector<16xi32>, vector<16xi32>], vector<16xf32>,
        %scatter3A_418 = arith.constant 0 : i32
        %scatter3A_419 = arith.constant 0 : i32
        %scatter3A_420 = tpu.memref_slice %arg11[%rem3A_65, %scatter3A_418, %scatter3A_419] : memref<2x192x128xf32, #tpu.memory_space<vmem>> -> memref<1x192x128xf32, #tpu.memory_space<vmem>>
        %scatter3A_421 = tpu.memref_squeeze %scatter3A_420 : memref<1x192x128xf32, #tpu.memory_space<vmem>> -> memref<192x128xf32, #tpu.memory_space<vmem>>
        tpu.vector_store_idx %scatter3A_421[%add3A_325, %add3A_412], %gather3A_417 : memref<192x128xf32, #tpu.memory_space<vmem>>[vector<16xi32>, vector<16xi32>], vector<16xf32>,
        %add3A_422 = arith.constant 48 : i32
        %add3A_423 = vector.broadcast %add3A_422 : i32 to vector<16xi32>
        %add3A_424 = arith.addi %rem3A_126, %add3A_423 : vector<16xi32>
        %add3A_425 = arith.constant 0 : i32
        %add3A_426 = vector.broadcast %add3A_425 : i32 to vector<16xi32>
        %add3A_427 = arith.addi %iota3A, %add3A_426 : vector<16xi32>
        %gather3A_428 = arith.constant 0 : i32
        %gather3A_429 = arith.constant 0 : i32
        %gather3A_430 = tpu.memref_slice %arg9[%rem3A_65, %gather3A_428, %gather3A_429] : memref<2x128x128xf32, #tpu.memory_space<vmem>> -> memref<1x128x128xf32, #tpu.memory_space<vmem>>
        %gather3A_431 = tpu.memref_squeeze %gather3A_430 : memref<1x128x128xf32, #tpu.memory_space<vmem>> -> memref<128x128xf32, #tpu.memory_space<vmem>>
        %gather3A_432 = tpu.vector_load_idx %gather3A_431[%add3A_427, %add3A_424] : memref<128x128xf32, #tpu.memory_space<vmem>>[vector<16xi32>, vector<16xi32>], vector<16xf32>,
        %scatter3A_433 = arith.constant 0 : i32
        %scatter3A_434 = arith.constant 0 : i32
        %scatter3A_435 = tpu.memref_slice %arg11[%rem3A_65, %scatter3A_433, %scatter3A_434] : memref<2x192x128xf32, #tpu.memory_space<vmem>> -> memref<1x192x128xf32, #tpu.memory_space<vmem>>
        %scatter3A_436 = tpu.memref_squeeze %scatter3A_435 : memref<1x192x128xf32, #tpu.memory_space<vmem>> -> memref<192x128xf32, #tpu.memory_space<vmem>>
        tpu.vector_store_idx %scatter3A_436[%add3A_424, %add3A_427], %gather3A_432 : memref<192x128xf32, #tpu.memory_space<vmem>>[vector<16xi32>, vector<16xi32>], vector<16xf32>,
        %add3A_437 = arith.constant 16 : i32
        %add3A_438 = vector.broadcast %add3A_437 : i32 to vector<16xi32>
        %add3A_439 = arith.addi %iota3A, %add3A_438 : vector<16xi32>
        %gather3A_440 = arith.constant 0 : i32
        %gather3A_441 = arith.constant 0 : i32
        %gather3A_442 = tpu.memref_slice %arg9[%rem3A_65, %gather3A_440, %gather3A_441] : memref<2x128x128xf32, #tpu.memory_space<vmem>> -> memref<1x128x128xf32, #tpu.memory_space<vmem>>
        %gather3A_443 = tpu.memref_squeeze %gather3A_442 : memref<1x128x128xf32, #tpu.memory_space<vmem>> -> memref<128x128xf32, #tpu.memory_space<vmem>>
        %gather3A_444 = tpu.vector_load_idx %gather3A_443[%add3A_439, %add3A_424] : memref<128x128xf32, #tpu.memory_space<vmem>>[vector<16xi32>, vector<16xi32>], vector<16xf32>,
        %scatter3A_445 = arith.constant 0 : i32
        %scatter3A_446 = arith.constant 0 : i32
        %scatter3A_447 = tpu.memref_slice %arg11[%rem3A_65, %scatter3A_445, %scatter3A_446] : memref<2x192x128xf32, #tpu.memory_space<vmem>> -> memref<1x192x128xf32, #tpu.memory_space<vmem>>
        %scatter3A_448 = tpu.memref_squeeze %scatter3A_447 : memref<1x192x128xf32, #tpu.memory_space<vmem>> -> memref<192x128xf32, #tpu.memory_space<vmem>>
        tpu.vector_store_idx %scatter3A_448[%add3A_424, %add3A_439], %gather3A_444 : memref<192x128xf32, #tpu.memory_space<vmem>>[vector<16xi32>, vector<16xi32>], vector<16xf32>,
        %add3A_449 = arith.constant 32 : i32
        %add3A_450 = vector.broadcast %add3A_449 : i32 to vector<16xi32>
        %add3A_451 = arith.addi %iota3A, %add3A_450 : vector<16xi32>
        %gather3A_452 = arith.constant 0 : i32
        %gather3A_453 = arith.constant 0 : i32
        %gather3A_454 = tpu.memref_slice %arg9[%rem3A_65, %gather3A_452, %gather3A_453] : memref<2x128x128xf32, #tpu.memory_space<vmem>> -> memref<1x128x128xf32, #tpu.memory_space<vmem>>
        %gather3A_455 = tpu.memref_squeeze %gather3A_454 : memref<1x128x128xf32, #tpu.memory_space<vmem>> -> memref<128x128xf32, #tpu.memory_space<vmem>>
        %gather3A_456 = tpu.vector_load_idx %gather3A_455[%add3A_451, %add3A_424] : memref<128x128xf32, #tpu.memory_space<vmem>>[vector<16xi32>, vector<16xi32>], vector<16xf32>,
        %scatter3A_457 = arith.constant 0 : i32
        %scatter3A_458 = arith.constant 0 : i32
        %scatter3A_459 = tpu.memref_slice %arg11[%rem3A_65, %scatter3A_457, %scatter3A_458] : memref<2x192x128xf32, #tpu.memory_space<vmem>> -> memref<1x192x128xf32, #tpu.memory_space<vmem>>
        %scatter3A_460 = tpu.memref_squeeze %scatter3A_459 : memref<1x192x128xf32, #tpu.memory_space<vmem>> -> memref<192x128xf32, #tpu.memory_space<vmem>>
        tpu.vector_store_idx %scatter3A_460[%add3A_424, %add3A_451], %gather3A_456 : memref<192x128xf32, #tpu.memory_space<vmem>>[vector<16xi32>, vector<16xi32>], vector<16xf32>,
        %add3A_461 = arith.constant 48 : i32
        %add3A_462 = vector.broadcast %add3A_461 : i32 to vector<16xi32>
        %add3A_463 = arith.addi %iota3A, %add3A_462 : vector<16xi32>
        %gather3A_464 = arith.constant 0 : i32
        %gather3A_465 = arith.constant 0 : i32
        %gather3A_466 = tpu.memref_slice %arg9[%rem3A_65, %gather3A_464, %gather3A_465] : memref<2x128x128xf32, #tpu.memory_space<vmem>> -> memref<1x128x128xf32, #tpu.memory_space<vmem>>
        %gather3A_467 = tpu.memref_squeeze %gather3A_466 : memref<1x128x128xf32, #tpu.memory_space<vmem>> -> memref<128x128xf32, #tpu.memory_space<vmem>>
        %gather3A_468 = tpu.vector_load_idx %gather3A_467[%add3A_463, %add3A_424] : memref<128x128xf32, #tpu.memory_space<vmem>>[vector<16xi32>, vector<16xi32>], vector<16xf32>,
        %scatter3A_469 = arith.constant 0 : i32
        %scatter3A_470 = arith.constant 0 : i32
        %scatter3A_471 = tpu.memref_slice %arg11[%rem3A_65, %scatter3A_469, %scatter3A_470] : memref<2x192x128xf32, #tpu.memory_space<vmem>> -> memref<1x192x128xf32, #tpu.memory_space<vmem>>
        %scatter3A_472 = tpu.memref_squeeze %scatter3A_471 : memref<1x192x128xf32, #tpu.memory_space<vmem>> -> memref<192x128xf32, #tpu.memory_space<vmem>>
        tpu.vector_store_idx %scatter3A_472[%add3A_424, %add3A_463], %gather3A_468 : memref<192x128xf32, #tpu.memory_space<vmem>>[vector<16xi32>, vector<16xi32>], vector<16xf32>,
        %add3A_473 = arith.constant 64 : i32
        %add3A_474 = vector.broadcast %add3A_473 : i32 to vector<16xi32>
        %add3A_475 = arith.addi %iota3A, %add3A_474 : vector<16xi32>
        %gather3A_476 = arith.constant 0 : i32
        %gather3A_477 = arith.constant 0 : i32
        %gather3A_478 = tpu.memref_slice %arg9[%rem3A_65, %gather3A_476, %gather3A_477] : memref<2x128x128xf32, #tpu.memory_space<vmem>> -> memref<1x128x128xf32, #tpu.memory_space<vmem>>
        %gather3A_479 = tpu.memref_squeeze %gather3A_478 : memref<1x128x128xf32, #tpu.memory_space<vmem>> -> memref<128x128xf32, #tpu.memory_space<vmem>>
        %gather3A_480 = tpu.vector_load_idx %gather3A_479[%add3A_475, %add3A_424] : memref<128x128xf32, #tpu.memory_space<vmem>>[vector<16xi32>, vector<16xi32>], vector<16xf32>,
        %scatter3A_481 = arith.constant 0 : i32
        %scatter3A_482 = arith.constant 0 : i32
        %scatter3A_483 = tpu.memref_slice %arg11[%rem3A_65, %scatter3A_481, %scatter3A_482] : memref<2x192x128xf32, #tpu.memory_space<vmem>> -> memref<1x192x128xf32, #tpu.memory_space<vmem>>
        %scatter3A_484 = tpu.memref_squeeze %scatter3A_483 : memref<1x192x128xf32, #tpu.memory_space<vmem>> -> memref<192x128xf32, #tpu.memory_space<vmem>>
        tpu.vector_store_idx %scatter3A_484[%add3A_424, %add3A_475], %gather3A_480 : memref<192x128xf32, #tpu.memory_space<vmem>>[vector<16xi32>, vector<16xi32>], vector<16xf32>,
        %add3A_485 = arith.constant 80 : i32
        %add3A_486 = vector.broadcast %add3A_485 : i32 to vector<16xi32>
        %add3A_487 = arith.addi %iota3A, %add3A_486 : vector<16xi32>
        %gather3A_488 = arith.constant 0 : i32
        %gather3A_489 = arith.constant 0 : i32
        %gather3A_490 = tpu.memref_slice %arg9[%rem3A_65, %gather3A_488, %gather3A_489] : memref<2x128x128xf32, #tpu.memory_space<vmem>> -> memref<1x128x128xf32, #tpu.memory_space<vmem>>
        %gather3A_491 = tpu.memref_squeeze %gather3A_490 : memref<1x128x128xf32, #tpu.memory_space<vmem>> -> memref<128x128xf32, #tpu.memory_space<vmem>>
        %gather3A_492 = tpu.vector_load_idx %gather3A_491[%add3A_487, %add3A_424] : memref<128x128xf32, #tpu.memory_space<vmem>>[vector<16xi32>, vector<16xi32>], vector<16xf32>,
        %scatter3A_493 = arith.constant 0 : i32
        %scatter3A_494 = arith.constant 0 : i32
        %scatter3A_495 = tpu.memref_slice %arg11[%rem3A_65, %scatter3A_493, %scatter3A_494] : memref<2x192x128xf32, #tpu.memory_space<vmem>> -> memref<1x192x128xf32, #tpu.memory_space<vmem>>
        %scatter3A_496 = tpu.memref_squeeze %scatter3A_495 : memref<1x192x128xf32, #tpu.memory_space<vmem>> -> memref<192x128xf32, #tpu.memory_space<vmem>>
        tpu.vector_store_idx %scatter3A_496[%add3A_424, %add3A_487], %gather3A_492 : memref<192x128xf32, #tpu.memory_space<vmem>>[vector<16xi32>, vector<16xi32>], vector<16xf32>,
        %add3A_497 = arith.constant 96 : i32
        %add3A_498 = vector.broadcast %add3A_497 : i32 to vector<16xi32>
        %add3A_499 = arith.addi %iota3A, %add3A_498 : vector<16xi32>
        %gather3A_500 = arith.constant 0 : i32
        %gather3A_501 = arith.constant 0 : i32
        %gather3A_502 = tpu.memref_slice %arg9[%rem3A_65, %gather3A_500, %gather3A_501] : memref<2x128x128xf32, #tpu.memory_space<vmem>> -> memref<1x128x128xf32, #tpu.memory_space<vmem>>
        %gather3A_503 = tpu.memref_squeeze %gather3A_502 : memref<1x128x128xf32, #tpu.memory_space<vmem>> -> memref<128x128xf32, #tpu.memory_space<vmem>>
        %gather3A_504 = tpu.vector_load_idx %gather3A_503[%add3A_499, %add3A_424] : memref<128x128xf32, #tpu.memory_space<vmem>>[vector<16xi32>, vector<16xi32>], vector<16xf32>,
        %scatter3A_505 = arith.constant 0 : i32
        %scatter3A_506 = arith.constant 0 : i32
        %scatter3A_507 = tpu.memref_slice %arg11[%rem3A_65, %scatter3A_505, %scatter3A_506] : memref<2x192x128xf32, #tpu.memory_space<vmem>> -> memref<1x192x128xf32, #tpu.memory_space<vmem>>
        %scatter3A_508 = tpu.memref_squeeze %scatter3A_507 : memref<1x192x128xf32, #tpu.memory_space<vmem>> -> memref<192x128xf32, #tpu.memory_space<vmem>>
        tpu.vector_store_idx %scatter3A_508[%add3A_424, %add3A_499], %gather3A_504 : memref<192x128xf32, #tpu.memory_space<vmem>>[vector<16xi32>, vector<16xi32>], vector<16xf32>,
        %add3A_509 = arith.constant 112 : i32
        %add3A_510 = vector.broadcast %add3A_509 : i32 to vector<16xi32>
        %add3A_511 = arith.addi %iota3A, %add3A_510 : vector<16xi32>
        %gather3A_512 = arith.constant 0 : i32
        %gather3A_513 = arith.constant 0 : i32
        %gather3A_514 = tpu.memref_slice %arg9[%rem3A_65, %gather3A_512, %gather3A_513] : memref<2x128x128xf32, #tpu.memory_space<vmem>> -> memref<1x128x128xf32, #tpu.memory_space<vmem>>
        %gather3A_515 = tpu.memref_squeeze %gather3A_514 : memref<1x128x128xf32, #tpu.memory_space<vmem>> -> memref<128x128xf32, #tpu.memory_space<vmem>>
        %gather3A_516 = tpu.vector_load_idx %gather3A_515[%add3A_511, %add3A_424] : memref<128x128xf32, #tpu.memory_space<vmem>>[vector<16xi32>, vector<16xi32>], vector<16xf32>,
        %scatter3A_517 = arith.constant 0 : i32
        %scatter3A_518 = arith.constant 0 : i32
        %scatter3A_519 = tpu.memref_slice %arg11[%rem3A_65, %scatter3A_517, %scatter3A_518] : memref<2x192x128xf32, #tpu.memory_space<vmem>> -> memref<1x192x128xf32, #tpu.memory_space<vmem>>
        %scatter3A_520 = tpu.memref_squeeze %scatter3A_519 : memref<1x192x128xf32, #tpu.memory_space<vmem>> -> memref<192x128xf32, #tpu.memory_space<vmem>>
        tpu.vector_store_idx %scatter3A_520[%add3A_424, %add3A_511], %gather3A_516 : memref<192x128xf32, #tpu.memory_space<vmem>>[vector<16xi32>, vector<16xi32>], vector<16xf32>,
        %add3A_521 = arith.constant 64 : i32
        %add3A_522 = vector.broadcast %add3A_521 : i32 to vector<16xi32>
        %add3A_523 = arith.addi %rem3A_126, %add3A_522 : vector<16xi32>
        %add3A_524 = arith.constant 0 : i32
        %add3A_525 = vector.broadcast %add3A_524 : i32 to vector<16xi32>
        %add3A_526 = arith.addi %iota3A, %add3A_525 : vector<16xi32>
        %gather3A_527 = arith.constant 0 : i32
        %gather3A_528 = arith.constant 0 : i32
        %gather3A_529 = tpu.memref_slice %arg9[%rem3A_65, %gather3A_527, %gather3A_528] : memref<2x128x128xf32, #tpu.memory_space<vmem>> -> memref<1x128x128xf32, #tpu.memory_space<vmem>>
        %gather3A_530 = tpu.memref_squeeze %gather3A_529 : memref<1x128x128xf32, #tpu.memory_space<vmem>> -> memref<128x128xf32, #tpu.memory_space<vmem>>
        %gather3A_531 = tpu.vector_load_idx %gather3A_530[%add3A_526, %add3A_523] : memref<128x128xf32, #tpu.memory_space<vmem>>[vector<16xi32>, vector<16xi32>], vector<16xf32>,
        %scatter3A_532 = arith.constant 0 : i32
        %scatter3A_533 = arith.constant 0 : i32
        %scatter3A_534 = tpu.memref_slice %arg11[%rem3A_65, %scatter3A_532, %scatter3A_533] : memref<2x192x128xf32, #tpu.memory_space<vmem>> -> memref<1x192x128xf32, #tpu.memory_space<vmem>>
        %scatter3A_535 = tpu.memref_squeeze %scatter3A_534 : memref<1x192x128xf32, #tpu.memory_space<vmem>> -> memref<192x128xf32, #tpu.memory_space<vmem>>
        tpu.vector_store_idx %scatter3A_535[%add3A_523, %add3A_526], %gather3A_531 : memref<192x128xf32, #tpu.memory_space<vmem>>[vector<16xi32>, vector<16xi32>], vector<16xf32>,
        %add3A_536 = arith.constant 16 : i32
        %add3A_537 = vector.broadcast %add3A_536 : i32 to vector<16xi32>
        %add3A_538 = arith.addi %iota3A, %add3A_537 : vector<16xi32>
        %gather3A_539 = arith.constant 0 : i32
        %gather3A_540 = arith.constant 0 : i32
        %gather3A_541 = tpu.memref_slice %arg9[%rem3A_65, %gather3A_539, %gather3A_540] : memref<2x128x128xf32, #tpu.memory_space<vmem>> -> memref<1x128x128xf32, #tpu.memory_space<vmem>>
        %gather3A_542 = tpu.memref_squeeze %gather3A_541 : memref<1x128x128xf32, #tpu.memory_space<vmem>> -> memref<128x128xf32, #tpu.memory_space<vmem>>
        %gather3A_543 = tpu.vector_load_idx %gather3A_542[%add3A_538, %add3A_523] : memref<128x128xf32, #tpu.memory_space<vmem>>[vector<16xi32>, vector<16xi32>], vector<16xf32>,
        %scatter3A_544 = arith.constant 0 : i32
        %scatter3A_545 = arith.constant 0 : i32
        %scatter3A_546 = tpu.memref_slice %arg11[%rem3A_65, %scatter3A_544, %scatter3A_545] : memref<2x192x128xf32, #tpu.memory_space<vmem>> -> memref<1x192x128xf32, #tpu.memory_space<vmem>>
        %scatter3A_547 = tpu.memref_squeeze %scatter3A_546 : memref<1x192x128xf32, #tpu.memory_space<vmem>> -> memref<192x128xf32, #tpu.memory_space<vmem>>
        tpu.vector_store_idx %scatter3A_547[%add3A_523, %add3A_538], %gather3A_543 : memref<192x128xf32, #tpu.memory_space<vmem>>[vector<16xi32>, vector<16xi32>], vector<16xf32>,
        %add3A_548 = arith.constant 32 : i32
        %add3A_549 = vector.broadcast %add3A_548 : i32 to vector<16xi32>
        %add3A_550 = arith.addi %iota3A, %add3A_549 : vector<16xi32>
        %gather3A_551 = arith.constant 0 : i32
        %gather3A_552 = arith.constant 0 : i32
        %gather3A_553 = tpu.memref_slice %arg9[%rem3A_65, %gather3A_551, %gather3A_552] : memref<2x128x128xf32, #tpu.memory_space<vmem>> -> memref<1x128x128xf32, #tpu.memory_space<vmem>>
        %gather3A_554 = tpu.memref_squeeze %gather3A_553 : memref<1x128x128xf32, #tpu.memory_space<vmem>> -> memref<128x128xf32, #tpu.memory_space<vmem>>
        %gather3A_555 = tpu.vector_load_idx %gather3A_554[%add3A_550, %add3A_523] : memref<128x128xf32, #tpu.memory_space<vmem>>[vector<16xi32>, vector<16xi32>], vector<16xf32>,
        %scatter3A_556 = arith.constant 0 : i32
        %scatter3A_557 = arith.constant 0 : i32
        %scatter3A_558 = tpu.memref_slice %arg11[%rem3A_65, %scatter3A_556, %scatter3A_557] : memref<2x192x128xf32, #tpu.memory_space<vmem>> -> memref<1x192x128xf32, #tpu.memory_space<vmem>>
        %scatter3A_559 = tpu.memref_squeeze %scatter3A_558 : memref<1x192x128xf32, #tpu.memory_space<vmem>> -> memref<192x128xf32, #tpu.memory_space<vmem>>
        tpu.vector_store_idx %scatter3A_559[%add3A_523, %add3A_550], %gather3A_555 : memref<192x128xf32, #tpu.memory_space<vmem>>[vector<16xi32>, vector<16xi32>], vector<16xf32>,
        %add3A_560 = arith.constant 48 : i32
        %add3A_561 = vector.broadcast %add3A_560 : i32 to vector<16xi32>
        %add3A_562 = arith.addi %iota3A, %add3A_561 : vector<16xi32>
        %gather3A_563 = arith.constant 0 : i32
        %gather3A_564 = arith.constant 0 : i32
        %gather3A_565 = tpu.memref_slice %arg9[%rem3A_65, %gather3A_563, %gather3A_564] : memref<2x128x128xf32, #tpu.memory_space<vmem>> -> memref<1x128x128xf32, #tpu.memory_space<vmem>>
        %gather3A_566 = tpu.memref_squeeze %gather3A_565 : memref<1x128x128xf32, #tpu.memory_space<vmem>> -> memref<128x128xf32, #tpu.memory_space<vmem>>
        %gather3A_567 = tpu.vector_load_idx %gather3A_566[%add3A_562, %add3A_523] : memref<128x128xf32, #tpu.memory_space<vmem>>[vector<16xi32>, vector<16xi32>], vector<16xf32>,
        %scatter3A_568 = arith.constant 0 : i32
        %scatter3A_569 = arith.constant 0 : i32
        %scatter3A_570 = tpu.memref_slice %arg11[%rem3A_65, %scatter3A_568, %scatter3A_569] : memref<2x192x128xf32, #tpu.memory_space<vmem>> -> memref<1x192x128xf32, #tpu.memory_space<vmem>>
        %scatter3A_571 = tpu.memref_squeeze %scatter3A_570 : memref<1x192x128xf32, #tpu.memory_space<vmem>> -> memref<192x128xf32, #tpu.memory_space<vmem>>
        tpu.vector_store_idx %scatter3A_571[%add3A_523, %add3A_562], %gather3A_567 : memref<192x128xf32, #tpu.memory_space<vmem>>[vector<16xi32>, vector<16xi32>], vector<16xf32>,
        %add3A_572 = arith.constant 64 : i32
        %add3A_573 = vector.broadcast %add3A_572 : i32 to vector<16xi32>
        %add3A_574 = arith.addi %iota3A, %add3A_573 : vector<16xi32>
        %gather3A_575 = arith.constant 0 : i32
        %gather3A_576 = arith.constant 0 : i32
        %gather3A_577 = tpu.memref_slice %arg9[%rem3A_65, %gather3A_575, %gather3A_576] : memref<2x128x128xf32, #tpu.memory_space<vmem>> -> memref<1x128x128xf32, #tpu.memory_space<vmem>>
        %gather3A_578 = tpu.memref_squeeze %gather3A_577 : memref<1x128x128xf32, #tpu.memory_space<vmem>> -> memref<128x128xf32, #tpu.memory_space<vmem>>
        %gather3A_579 = tpu.vector_load_idx %gather3A_578[%add3A_574, %add3A_523] : memref<128x128xf32, #tpu.memory_space<vmem>>[vector<16xi32>, vector<16xi32>], vector<16xf32>,
        %scatter3A_580 = arith.constant 0 : i32
        %scatter3A_581 = arith.constant 0 : i32
        %scatter3A_582 = tpu.memref_slice %arg11[%rem3A_65, %scatter3A_580, %scatter3A_581] : memref<2x192x128xf32, #tpu.memory_space<vmem>> -> memref<1x192x128xf32, #tpu.memory_space<vmem>>
        %scatter3A_583 = tpu.memref_squeeze %scatter3A_582 : memref<1x192x128xf32, #tpu.memory_space<vmem>> -> memref<192x128xf32, #tpu.memory_space<vmem>>
        tpu.vector_store_idx %scatter3A_583[%add3A_523, %add3A_574], %gather3A_579 : memref<192x128xf32, #tpu.memory_space<vmem>>[vector<16xi32>, vector<16xi32>], vector<16xf32>,
        %add3A_584 = arith.constant 80 : i32
        %add3A_585 = vector.broadcast %add3A_584 : i32 to vector<16xi32>
        %add3A_586 = arith.addi %iota3A, %add3A_585 : vector<16xi32>
        %gather3A_587 = arith.constant 0 : i32
        %gather3A_588 = arith.constant 0 : i32
        %gather3A_589 = tpu.memref_slice %arg9[%rem3A_65, %gather3A_587, %gather3A_588] : memref<2x128x128xf32, #tpu.memory_space<vmem>> -> memref<1x128x128xf32, #tpu.memory_space<vmem>>
        %gather3A_590 = tpu.memref_squeeze %gather3A_589 : memref<1x128x128xf32, #tpu.memory_space<vmem>> -> memref<128x128xf32, #tpu.memory_space<vmem>>
        %gather3A_591 = tpu.vector_load_idx %gather3A_590[%add3A_586, %add3A_523] : memref<128x128xf32, #tpu.memory_space<vmem>>[vector<16xi32>, vector<16xi32>], vector<16xf32>,
        %scatter3A_592 = arith.constant 0 : i32
        %scatter3A_593 = arith.constant 0 : i32
        %scatter3A_594 = tpu.memref_slice %arg11[%rem3A_65, %scatter3A_592, %scatter3A_593] : memref<2x192x128xf32, #tpu.memory_space<vmem>> -> memref<1x192x128xf32, #tpu.memory_space<vmem>>
        %scatter3A_595 = tpu.memref_squeeze %scatter3A_594 : memref<1x192x128xf32, #tpu.memory_space<vmem>> -> memref<192x128xf32, #tpu.memory_space<vmem>>
        tpu.vector_store_idx %scatter3A_595[%add3A_523, %add3A_586], %gather3A_591 : memref<192x128xf32, #tpu.memory_space<vmem>>[vector<16xi32>, vector<16xi32>], vector<16xf32>,
        %add3A_596 = arith.constant 96 : i32
        %add3A_597 = vector.broadcast %add3A_596 : i32 to vector<16xi32>
        %add3A_598 = arith.addi %iota3A, %add3A_597 : vector<16xi32>
        %gather3A_599 = arith.constant 0 : i32
        %gather3A_600 = arith.constant 0 : i32
        %gather3A_601 = tpu.memref_slice %arg9[%rem3A_65, %gather3A_599, %gather3A_600] : memref<2x128x128xf32, #tpu.memory_space<vmem>> -> memref<1x128x128xf32, #tpu.memory_space<vmem>>
        %gather3A_602 = tpu.memref_squeeze %gather3A_601 : memref<1x128x128xf32, #tpu.memory_space<vmem>> -> memref<128x128xf32, #tpu.memory_space<vmem>>
        %gather3A_603 = tpu.vector_load_idx %gather3A_602[%add3A_598, %add3A_523] : memref<128x128xf32, #tpu.memory_space<vmem>>[vector<16xi32>, vector<16xi32>], vector<16xf32>,
        %scatter3A_604 = arith.constant 0 : i32
        %scatter3A_605 = arith.constant 0 : i32
        %scatter3A_606 = tpu.memref_slice %arg11[%rem3A_65, %scatter3A_604, %scatter3A_605] : memref<2x192x128xf32, #tpu.memory_space<vmem>> -> memref<1x192x128xf32, #tpu.memory_space<vmem>>
        %scatter3A_607 = tpu.memref_squeeze %scatter3A_606 : memref<1x192x128xf32, #tpu.memory_space<vmem>> -> memref<192x128xf32, #tpu.memory_space<vmem>>
        tpu.vector_store_idx %scatter3A_607[%add3A_523, %add3A_598], %gather3A_603 : memref<192x128xf32, #tpu.memory_space<vmem>>[vector<16xi32>, vector<16xi32>], vector<16xf32>,
        %add3A_608 = arith.constant 112 : i32
        %add3A_609 = vector.broadcast %add3A_608 : i32 to vector<16xi32>
        %add3A_610 = arith.addi %iota3A, %add3A_609 : vector<16xi32>
        %gather3A_611 = arith.constant 0 : i32
        %gather3A_612 = arith.constant 0 : i32
        %gather3A_613 = tpu.memref_slice %arg9[%rem3A_65, %gather3A_611, %gather3A_612] : memref<2x128x128xf32, #tpu.memory_space<vmem>> -> memref<1x128x128xf32, #tpu.memory_space<vmem>>
        %gather3A_614 = tpu.memref_squeeze %gather3A_613 : memref<1x128x128xf32, #tpu.memory_space<vmem>> -> memref<128x128xf32, #tpu.memory_space<vmem>>
        %gather3A_615 = tpu.vector_load_idx %gather3A_614[%add3A_610, %add3A_523] : memref<128x128xf32, #tpu.memory_space<vmem>>[vector<16xi32>, vector<16xi32>], vector<16xf32>,
        %scatter3A_616 = arith.constant 0 : i32
        %scatter3A_617 = arith.constant 0 : i32
        %scatter3A_618 = tpu.memref_slice %arg11[%rem3A_65, %scatter3A_616, %scatter3A_617] : memref<2x192x128xf32, #tpu.memory_space<vmem>> -> memref<1x192x128xf32, #tpu.memory_space<vmem>>
        %scatter3A_619 = tpu.memref_squeeze %scatter3A_618 : memref<1x192x128xf32, #tpu.memory_space<vmem>> -> memref<192x128xf32, #tpu.memory_space<vmem>>
        tpu.vector_store_idx %scatter3A_619[%add3A_523, %add3A_610], %gather3A_615 : memref<192x128xf32, #tpu.memory_space<vmem>>[vector<16xi32>, vector<16xi32>], vector<16xf32>,
        %add3A_620 = arith.constant 80 : i32
        %add3A_621 = vector.broadcast %add3A_620 : i32 to vector<16xi32>
        %add3A_622 = arith.addi %rem3A_126, %add3A_621 : vector<16xi32>
        %add3A_623 = arith.constant 0 : i32
        %add3A_624 = vector.broadcast %add3A_623 : i32 to vector<16xi32>
        %add3A_625 = arith.addi %iota3A, %add3A_624 : vector<16xi32>
        %gather3A_626 = arith.constant 0 : i32
        %gather3A_627 = arith.constant 0 : i32
        %gather3A_628 = tpu.memref_slice %arg9[%rem3A_65, %gather3A_626, %gather3A_627] : memref<2x128x128xf32, #tpu.memory_space<vmem>> -> memref<1x128x128xf32, #tpu.memory_space<vmem>>
        %gather3A_629 = tpu.memref_squeeze %gather3A_628 : memref<1x128x128xf32, #tpu.memory_space<vmem>> -> memref<128x128xf32, #tpu.memory_space<vmem>>
        %gather3A_630 = tpu.vector_load_idx %gather3A_629[%add3A_625, %add3A_622] : memref<128x128xf32, #tpu.memory_space<vmem>>[vector<16xi32>, vector<16xi32>], vector<16xf32>,
        %scatter3A_631 = arith.constant 0 : i32
        %scatter3A_632 = arith.constant 0 : i32
        %scatter3A_633 = tpu.memref_slice %arg11[%rem3A_65, %scatter3A_631, %scatter3A_632] : memref<2x192x128xf32, #tpu.memory_space<vmem>> -> memref<1x192x128xf32, #tpu.memory_space<vmem>>
        %scatter3A_634 = tpu.memref_squeeze %scatter3A_633 : memref<1x192x128xf32, #tpu.memory_space<vmem>> -> memref<192x128xf32, #tpu.memory_space<vmem>>
        tpu.vector_store_idx %scatter3A_634[%add3A_622, %add3A_625], %gather3A_630 : memref<192x128xf32, #tpu.memory_space<vmem>>[vector<16xi32>, vector<16xi32>], vector<16xf32>,
        %add3A_635 = arith.constant 16 : i32
        %add3A_636 = vector.broadcast %add3A_635 : i32 to vector<16xi32>
        %add3A_637 = arith.addi %iota3A, %add3A_636 : vector<16xi32>
        %gather3A_638 = arith.constant 0 : i32
        %gather3A_639 = arith.constant 0 : i32
        %gather3A_640 = tpu.memref_slice %arg9[%rem3A_65, %gather3A_638, %gather3A_639] : memref<2x128x128xf32, #tpu.memory_space<vmem>> -> memref<1x128x128xf32, #tpu.memory_space<vmem>>
        %gather3A_641 = tpu.memref_squeeze %gather3A_640 : memref<1x128x128xf32, #tpu.memory_space<vmem>> -> memref<128x128xf32, #tpu.memory_space<vmem>>
        %gather3A_642 = tpu.vector_load_idx %gather3A_641[%add3A_637, %add3A_622] : memref<128x128xf32, #tpu.memory_space<vmem>>[vector<16xi32>, vector<16xi32>], vector<16xf32>,
        %scatter3A_643 = arith.constant 0 : i32
        %scatter3A_644 = arith.constant 0 : i32
        %scatter3A_645 = tpu.memref_slice %arg11[%rem3A_65, %scatter3A_643, %scatter3A_644] : memref<2x192x128xf32, #tpu.memory_space<vmem>> -> memref<1x192x128xf32, #tpu.memory_space<vmem>>
        %scatter3A_646 = tpu.memref_squeeze %scatter3A_645 : memref<1x192x128xf32, #tpu.memory_space<vmem>> -> memref<192x128xf32, #tpu.memory_space<vmem>>
        tpu.vector_store_idx %scatter3A_646[%add3A_622, %add3A_637], %gather3A_642 : memref<192x128xf32, #tpu.memory_space<vmem>>[vector<16xi32>, vector<16xi32>], vector<16xf32>,
        %add3A_647 = arith.constant 32 : i32
        %add3A_648 = vector.broadcast %add3A_647 : i32 to vector<16xi32>
        %add3A_649 = arith.addi %iota3A, %add3A_648 : vector<16xi32>
        %gather3A_650 = arith.constant 0 : i32
        %gather3A_651 = arith.constant 0 : i32
        %gather3A_652 = tpu.memref_slice %arg9[%rem3A_65, %gather3A_650, %gather3A_651] : memref<2x128x128xf32, #tpu.memory_space<vmem>> -> memref<1x128x128xf32, #tpu.memory_space<vmem>>
        %gather3A_653 = tpu.memref_squeeze %gather3A_652 : memref<1x128x128xf32, #tpu.memory_space<vmem>> -> memref<128x128xf32, #tpu.memory_space<vmem>>
        %gather3A_654 = tpu.vector_load_idx %gather3A_653[%add3A_649, %add3A_622] : memref<128x128xf32, #tpu.memory_space<vmem>>[vector<16xi32>, vector<16xi32>], vector<16xf32>,
        %scatter3A_655 = arith.constant 0 : i32
        %scatter3A_656 = arith.constant 0 : i32
        %scatter3A_657 = tpu.memref_slice %arg11[%rem3A_65, %scatter3A_655, %scatter3A_656] : memref<2x192x128xf32, #tpu.memory_space<vmem>> -> memref<1x192x128xf32, #tpu.memory_space<vmem>>
        %scatter3A_658 = tpu.memref_squeeze %scatter3A_657 : memref<1x192x128xf32, #tpu.memory_space<vmem>> -> memref<192x128xf32, #tpu.memory_space<vmem>>
        tpu.vector_store_idx %scatter3A_658[%add3A_622, %add3A_649], %gather3A_654 : memref<192x128xf32, #tpu.memory_space<vmem>>[vector<16xi32>, vector<16xi32>], vector<16xf32>,
        %add3A_659 = arith.constant 48 : i32
        %add3A_660 = vector.broadcast %add3A_659 : i32 to vector<16xi32>
        %add3A_661 = arith.addi %iota3A, %add3A_660 : vector<16xi32>
        %gather3A_662 = arith.constant 0 : i32
        %gather3A_663 = arith.constant 0 : i32
        %gather3A_664 = tpu.memref_slice %arg9[%rem3A_65, %gather3A_662, %gather3A_663] : memref<2x128x128xf32, #tpu.memory_space<vmem>> -> memref<1x128x128xf32, #tpu.memory_space<vmem>>
        %gather3A_665 = tpu.memref_squeeze %gather3A_664 : memref<1x128x128xf32, #tpu.memory_space<vmem>> -> memref<128x128xf32, #tpu.memory_space<vmem>>
        %gather3A_666 = tpu.vector_load_idx %gather3A_665[%add3A_661, %add3A_622] : memref<128x128xf32, #tpu.memory_space<vmem>>[vector<16xi32>, vector<16xi32>], vector<16xf32>,
        %scatter3A_667 = arith.constant 0 : i32
        %scatter3A_668 = arith.constant 0 : i32
        %scatter3A_669 = tpu.memref_slice %arg11[%rem3A_65, %scatter3A_667, %scatter3A_668] : memref<2x192x128xf32, #tpu.memory_space<vmem>> -> memref<1x192x128xf32, #tpu.memory_space<vmem>>
        %scatter3A_670 = tpu.memref_squeeze %scatter3A_669 : memref<1x192x128xf32, #tpu.memory_space<vmem>> -> memref<192x128xf32, #tpu.memory_space<vmem>>
        tpu.vector_store_idx %scatter3A_670[%add3A_622, %add3A_661], %gather3A_666 : memref<192x128xf32, #tpu.memory_space<vmem>>[vector<16xi32>, vector<16xi32>], vector<16xf32>,
        %add3A_671 = arith.constant 64 : i32
        %add3A_672 = vector.broadcast %add3A_671 : i32 to vector<16xi32>
        %add3A_673 = arith.addi %iota3A, %add3A_672 : vector<16xi32>
        %gather3A_674 = arith.constant 0 : i32
        %gather3A_675 = arith.constant 0 : i32
        %gather3A_676 = tpu.memref_slice %arg9[%rem3A_65, %gather3A_674, %gather3A_675] : memref<2x128x128xf32, #tpu.memory_space<vmem>> -> memref<1x128x128xf32, #tpu.memory_space<vmem>>
        %gather3A_677 = tpu.memref_squeeze %gather3A_676 : memref<1x128x128xf32, #tpu.memory_space<vmem>> -> memref<128x128xf32, #tpu.memory_space<vmem>>
        %gather3A_678 = tpu.vector_load_idx %gather3A_677[%add3A_673, %add3A_622] : memref<128x128xf32, #tpu.memory_space<vmem>>[vector<16xi32>, vector<16xi32>], vector<16xf32>,
        %scatter3A_679 = arith.constant 0 : i32
        %scatter3A_680 = arith.constant 0 : i32
        %scatter3A_681 = tpu.memref_slice %arg11[%rem3A_65, %scatter3A_679, %scatter3A_680] : memref<2x192x128xf32, #tpu.memory_space<vmem>> -> memref<1x192x128xf32, #tpu.memory_space<vmem>>
        %scatter3A_682 = tpu.memref_squeeze %scatter3A_681 : memref<1x192x128xf32, #tpu.memory_space<vmem>> -> memref<192x128xf32, #tpu.memory_space<vmem>>
        tpu.vector_store_idx %scatter3A_682[%add3A_622, %add3A_673], %gather3A_678 : memref<192x128xf32, #tpu.memory_space<vmem>>[vector<16xi32>, vector<16xi32>], vector<16xf32>,
        %add3A_683 = arith.constant 80 : i32
        %add3A_684 = vector.broadcast %add3A_683 : i32 to vector<16xi32>
        %add3A_685 = arith.addi %iota3A, %add3A_684 : vector<16xi32>
        %gather3A_686 = arith.constant 0 : i32
        %gather3A_687 = arith.constant 0 : i32
        %gather3A_688 = tpu.memref_slice %arg9[%rem3A_65, %gather3A_686, %gather3A_687] : memref<2x128x128xf32, #tpu.memory_space<vmem>> -> memref<1x128x128xf32, #tpu.memory_space<vmem>>
        %gather3A_689 = tpu.memref_squeeze %gather3A_688 : memref<1x128x128xf32, #tpu.memory_space<vmem>> -> memref<128x128xf32, #tpu.memory_space<vmem>>
        %gather3A_690 = tpu.vector_load_idx %gather3A_689[%add3A_685, %add3A_622] : memref<128x128xf32, #tpu.memory_space<vmem>>[vector<16xi32>, vector<16xi32>], vector<16xf32>,
        %scatter3A_691 = arith.constant 0 : i32
        %scatter3A_692 = arith.constant 0 : i32
        %scatter3A_693 = tpu.memref_slice %arg11[%rem3A_65, %scatter3A_691, %scatter3A_692] : memref<2x192x128xf32, #tpu.memory_space<vmem>> -> memref<1x192x128xf32, #tpu.memory_space<vmem>>
        %scatter3A_694 = tpu.memref_squeeze %scatter3A_693 : memref<1x192x128xf32, #tpu.memory_space<vmem>> -> memref<192x128xf32, #tpu.memory_space<vmem>>
        tpu.vector_store_idx %scatter3A_694[%add3A_622, %add3A_685], %gather3A_690 : memref<192x128xf32, #tpu.memory_space<vmem>>[vector<16xi32>, vector<16xi32>], vector<16xf32>,
        %add3A_695 = arith.constant 96 : i32
        %add3A_696 = vector.broadcast %add3A_695 : i32 to vector<16xi32>
        %add3A_697 = arith.addi %iota3A, %add3A_696 : vector<16xi32>
        %gather3A_698 = arith.constant 0 : i32
        %gather3A_699 = arith.constant 0 : i32
        %gather3A_700 = tpu.memref_slice %arg9[%rem3A_65, %gather3A_698, %gather3A_699] : memref<2x128x128xf32, #tpu.memory_space<vmem>> -> memref<1x128x128xf32, #tpu.memory_space<vmem>>
        %gather3A_701 = tpu.memref_squeeze %gather3A_700 : memref<1x128x128xf32, #tpu.memory_space<vmem>> -> memref<128x128xf32, #tpu.memory_space<vmem>>
        %gather3A_702 = tpu.vector_load_idx %gather3A_701[%add3A_697, %add3A_622] : memref<128x128xf32, #tpu.memory_space<vmem>>[vector<16xi32>, vector<16xi32>], vector<16xf32>,
        %scatter3A_703 = arith.constant 0 : i32
        %scatter3A_704 = arith.constant 0 : i32
        %scatter3A_705 = tpu.memref_slice %arg11[%rem3A_65, %scatter3A_703, %scatter3A_704] : memref<2x192x128xf32, #tpu.memory_space<vmem>> -> memref<1x192x128xf32, #tpu.memory_space<vmem>>
        %scatter3A_706 = tpu.memref_squeeze %scatter3A_705 : memref<1x192x128xf32, #tpu.memory_space<vmem>> -> memref<192x128xf32, #tpu.memory_space<vmem>>
        tpu.vector_store_idx %scatter3A_706[%add3A_622, %add3A_697], %gather3A_702 : memref<192x128xf32, #tpu.memory_space<vmem>>[vector<16xi32>, vector<16xi32>], vector<16xf32>,
        %add3A_707 = arith.constant 112 : i32
        %add3A_708 = vector.broadcast %add3A_707 : i32 to vector<16xi32>
        %add3A_709 = arith.addi %iota3A, %add3A_708 : vector<16xi32>
        %gather3A_710 = arith.constant 0 : i32
        %gather3A_711 = arith.constant 0 : i32
        %gather3A_712 = tpu.memref_slice %arg9[%rem3A_65, %gather3A_710, %gather3A_711] : memref<2x128x128xf32, #tpu.memory_space<vmem>> -> memref<1x128x128xf32, #tpu.memory_space<vmem>>
        %gather3A_713 = tpu.memref_squeeze %gather3A_712 : memref<1x128x128xf32, #tpu.memory_space<vmem>> -> memref<128x128xf32, #tpu.memory_space<vmem>>
        %gather3A_714 = tpu.vector_load_idx %gather3A_713[%add3A_709, %add3A_622] : memref<128x128xf32, #tpu.memory_space<vmem>>[vector<16xi32>, vector<16xi32>], vector<16xf32>,
        %scatter3A_715 = arith.constant 0 : i32
        %scatter3A_716 = arith.constant 0 : i32
        %scatter3A_717 = tpu.memref_slice %arg11[%rem3A_65, %scatter3A_715, %scatter3A_716] : memref<2x192x128xf32, #tpu.memory_space<vmem>> -> memref<1x192x128xf32, #tpu.memory_space<vmem>>
        %scatter3A_718 = tpu.memref_squeeze %scatter3A_717 : memref<1x192x128xf32, #tpu.memory_space<vmem>> -> memref<192x128xf32, #tpu.memory_space<vmem>>
        tpu.vector_store_idx %scatter3A_718[%add3A_622, %add3A_709], %gather3A_714 : memref<192x128xf32, #tpu.memory_space<vmem>>[vector<16xi32>, vector<16xi32>], vector<16xf32>,
        %add3A_719 = arith.constant 96 : i32
        %add3A_720 = vector.broadcast %add3A_719 : i32 to vector<16xi32>
        %add3A_721 = arith.addi %rem3A_126, %add3A_720 : vector<16xi32>
        %add3A_722 = arith.constant 0 : i32
        %add3A_723 = vector.broadcast %add3A_722 : i32 to vector<16xi32>
        %add3A_724 = arith.addi %iota3A, %add3A_723 : vector<16xi32>
        %gather3A_725 = arith.constant 0 : i32
        %gather3A_726 = arith.constant 0 : i32
        %gather3A_727 = tpu.memref_slice %arg9[%rem3A_65, %gather3A_725, %gather3A_726] : memref<2x128x128xf32, #tpu.memory_space<vmem>> -> memref<1x128x128xf32, #tpu.memory_space<vmem>>
        %gather3A_728 = tpu.memref_squeeze %gather3A_727 : memref<1x128x128xf32, #tpu.memory_space<vmem>> -> memref<128x128xf32, #tpu.memory_space<vmem>>
        %gather3A_729 = tpu.vector_load_idx %gather3A_728[%add3A_724, %add3A_721] : memref<128x128xf32, #tpu.memory_space<vmem>>[vector<16xi32>, vector<16xi32>], vector<16xf32>,
        %scatter3A_730 = arith.constant 0 : i32
        %scatter3A_731 = arith.constant 0 : i32
        %scatter3A_732 = tpu.memref_slice %arg11[%rem3A_65, %scatter3A_730, %scatter3A_731] : memref<2x192x128xf32, #tpu.memory_space<vmem>> -> memref<1x192x128xf32, #tpu.memory_space<vmem>>
        %scatter3A_733 = tpu.memref_squeeze %scatter3A_732 : memref<1x192x128xf32, #tpu.memory_space<vmem>> -> memref<192x128xf32, #tpu.memory_space<vmem>>
        tpu.vector_store_idx %scatter3A_733[%add3A_721, %add3A_724], %gather3A_729 : memref<192x128xf32, #tpu.memory_space<vmem>>[vector<16xi32>, vector<16xi32>], vector<16xf32>,
        %add3A_734 = arith.constant 16 : i32
        %add3A_735 = vector.broadcast %add3A_734 : i32 to vector<16xi32>
        %add3A_736 = arith.addi %iota3A, %add3A_735 : vector<16xi32>
        %gather3A_737 = arith.constant 0 : i32
        %gather3A_738 = arith.constant 0 : i32
        %gather3A_739 = tpu.memref_slice %arg9[%rem3A_65, %gather3A_737, %gather3A_738] : memref<2x128x128xf32, #tpu.memory_space<vmem>> -> memref<1x128x128xf32, #tpu.memory_space<vmem>>
        %gather3A_740 = tpu.memref_squeeze %gather3A_739 : memref<1x128x128xf32, #tpu.memory_space<vmem>> -> memref<128x128xf32, #tpu.memory_space<vmem>>
        %gather3A_741 = tpu.vector_load_idx %gather3A_740[%add3A_736, %add3A_721] : memref<128x128xf32, #tpu.memory_space<vmem>>[vector<16xi32>, vector<16xi32>], vector<16xf32>,
        %scatter3A_742 = arith.constant 0 : i32
        %scatter3A_743 = arith.constant 0 : i32
        %scatter3A_744 = tpu.memref_slice %arg11[%rem3A_65, %scatter3A_742, %scatter3A_743] : memref<2x192x128xf32, #tpu.memory_space<vmem>> -> memref<1x192x128xf32, #tpu.memory_space<vmem>>
        %scatter3A_745 = tpu.memref_squeeze %scatter3A_744 : memref<1x192x128xf32, #tpu.memory_space<vmem>> -> memref<192x128xf32, #tpu.memory_space<vmem>>
        tpu.vector_store_idx %scatter3A_745[%add3A_721, %add3A_736], %gather3A_741 : memref<192x128xf32, #tpu.memory_space<vmem>>[vector<16xi32>, vector<16xi32>], vector<16xf32>,
        %add3A_746 = arith.constant 32 : i32
        %add3A_747 = vector.broadcast %add3A_746 : i32 to vector<16xi32>
        %add3A_748 = arith.addi %iota3A, %add3A_747 : vector<16xi32>
        %gather3A_749 = arith.constant 0 : i32
        %gather3A_750 = arith.constant 0 : i32
        %gather3A_751 = tpu.memref_slice %arg9[%rem3A_65, %gather3A_749, %gather3A_750] : memref<2x128x128xf32, #tpu.memory_space<vmem>> -> memref<1x128x128xf32, #tpu.memory_space<vmem>>
        %gather3A_752 = tpu.memref_squeeze %gather3A_751 : memref<1x128x128xf32, #tpu.memory_space<vmem>> -> memref<128x128xf32, #tpu.memory_space<vmem>>
        %gather3A_753 = tpu.vector_load_idx %gather3A_752[%add3A_748, %add3A_721] : memref<128x128xf32, #tpu.memory_space<vmem>>[vector<16xi32>, vector<16xi32>], vector<16xf32>,
        %scatter3A_754 = arith.constant 0 : i32
        %scatter3A_755 = arith.constant 0 : i32
        %scatter3A_756 = tpu.memref_slice %arg11[%rem3A_65, %scatter3A_754, %scatter3A_755] : memref<2x192x128xf32, #tpu.memory_space<vmem>> -> memref<1x192x128xf32, #tpu.memory_space<vmem>>
        %scatter3A_757 = tpu.memref_squeeze %scatter3A_756 : memref<1x192x128xf32, #tpu.memory_space<vmem>> -> memref<192x128xf32, #tpu.memory_space<vmem>>
        tpu.vector_store_idx %scatter3A_757[%add3A_721, %add3A_748], %gather3A_753 : memref<192x128xf32, #tpu.memory_space<vmem>>[vector<16xi32>, vector<16xi32>], vector<16xf32>,
        %add3A_758 = arith.constant 48 : i32
        %add3A_759 = vector.broadcast %add3A_758 : i32 to vector<16xi32>
        %add3A_760 = arith.addi %iota3A, %add3A_759 : vector<16xi32>
        %gather3A_761 = arith.constant 0 : i32
        %gather3A_762 = arith.constant 0 : i32
        %gather3A_763 = tpu.memref_slice %arg9[%rem3A_65, %gather3A_761, %gather3A_762] : memref<2x128x128xf32, #tpu.memory_space<vmem>> -> memref<1x128x128xf32, #tpu.memory_space<vmem>>
        %gather3A_764 = tpu.memref_squeeze %gather3A_763 : memref<1x128x128xf32, #tpu.memory_space<vmem>> -> memref<128x128xf32, #tpu.memory_space<vmem>>
        %gather3A_765 = tpu.vector_load_idx %gather3A_764[%add3A_760, %add3A_721] : memref<128x128xf32, #tpu.memory_space<vmem>>[vector<16xi32>, vector<16xi32>], vector<16xf32>,
        %scatter3A_766 = arith.constant 0 : i32
        %scatter3A_767 = arith.constant 0 : i32
        %scatter3A_768 = tpu.memref_slice %arg11[%rem3A_65, %scatter3A_766, %scatter3A_767] : memref<2x192x128xf32, #tpu.memory_space<vmem>> -> memref<1x192x128xf32, #tpu.memory_space<vmem>>
        %scatter3A_769 = tpu.memref_squeeze %scatter3A_768 : memref<1x192x128xf32, #tpu.memory_space<vmem>> -> memref<192x128xf32, #tpu.memory_space<vmem>>
        tpu.vector_store_idx %scatter3A_769[%add3A_721, %add3A_760], %gather3A_765 : memref<192x128xf32, #tpu.memory_space<vmem>>[vector<16xi32>, vector<16xi32>], vector<16xf32>,
        %add3A_770 = arith.constant 64 : i32
        %add3A_771 = vector.broadcast %add3A_770 : i32 to vector<16xi32>
        %add3A_772 = arith.addi %iota3A, %add3A_771 : vector<16xi32>
        %gather3A_773 = arith.constant 0 : i32
        %gather3A_774 = arith.constant 0 : i32
        %gather3A_775 = tpu.memref_slice %arg9[%rem3A_65, %gather3A_773, %gather3A_774] : memref<2x128x128xf32, #tpu.memory_space<vmem>> -> memref<1x128x128xf32, #tpu.memory_space<vmem>>
        %gather3A_776 = tpu.memref_squeeze %gather3A_775 : memref<1x128x128xf32, #tpu.memory_space<vmem>> -> memref<128x128xf32, #tpu.memory_space<vmem>>
        %gather3A_777 = tpu.vector_load_idx %gather3A_776[%add3A_772, %add3A_721] : memref<128x128xf32, #tpu.memory_space<vmem>>[vector<16xi32>, vector<16xi32>], vector<16xf32>,
        %scatter3A_778 = arith.constant 0 : i32
        %scatter3A_779 = arith.constant 0 : i32
        %scatter3A_780 = tpu.memref_slice %arg11[%rem3A_65, %scatter3A_778, %scatter3A_779] : memref<2x192x128xf32, #tpu.memory_space<vmem>> -> memref<1x192x128xf32, #tpu.memory_space<vmem>>
        %scatter3A_781 = tpu.memref_squeeze %scatter3A_780 : memref<1x192x128xf32, #tpu.memory_space<vmem>> -> memref<192x128xf32, #tpu.memory_space<vmem>>
        tpu.vector_store_idx %scatter3A_781[%add3A_721, %add3A_772], %gather3A_777 : memref<192x128xf32, #tpu.memory_space<vmem>>[vector<16xi32>, vector<16xi32>], vector<16xf32>,
        %add3A_782 = arith.constant 80 : i32
        %add3A_783 = vector.broadcast %add3A_782 : i32 to vector<16xi32>
        %add3A_784 = arith.addi %iota3A, %add3A_783 : vector<16xi32>
        %gather3A_785 = arith.constant 0 : i32
        %gather3A_786 = arith.constant 0 : i32
        %gather3A_787 = tpu.memref_slice %arg9[%rem3A_65, %gather3A_785, %gather3A_786] : memref<2x128x128xf32, #tpu.memory_space<vmem>> -> memref<1x128x128xf32, #tpu.memory_space<vmem>>
        %gather3A_788 = tpu.memref_squeeze %gather3A_787 : memref<1x128x128xf32, #tpu.memory_space<vmem>> -> memref<128x128xf32, #tpu.memory_space<vmem>>
        %gather3A_789 = tpu.vector_load_idx %gather3A_788[%add3A_784, %add3A_721] : memref<128x128xf32, #tpu.memory_space<vmem>>[vector<16xi32>, vector<16xi32>], vector<16xf32>,
        %scatter3A_790 = arith.constant 0 : i32
        %scatter3A_791 = arith.constant 0 : i32
        %scatter3A_792 = tpu.memref_slice %arg11[%rem3A_65, %scatter3A_790, %scatter3A_791] : memref<2x192x128xf32, #tpu.memory_space<vmem>> -> memref<1x192x128xf32, #tpu.memory_space<vmem>>
        %scatter3A_793 = tpu.memref_squeeze %scatter3A_792 : memref<1x192x128xf32, #tpu.memory_space<vmem>> -> memref<192x128xf32, #tpu.memory_space<vmem>>
        tpu.vector_store_idx %scatter3A_793[%add3A_721, %add3A_784], %gather3A_789 : memref<192x128xf32, #tpu.memory_space<vmem>>[vector<16xi32>, vector<16xi32>], vector<16xf32>,
        %add3A_794 = arith.constant 96 : i32
        %add3A_795 = vector.broadcast %add3A_794 : i32 to vector<16xi32>
        %add3A_796 = arith.addi %iota3A, %add3A_795 : vector<16xi32>
        %gather3A_797 = arith.constant 0 : i32
        %gather3A_798 = arith.constant 0 : i32
        %gather3A_799 = tpu.memref_slice %arg9[%rem3A_65, %gather3A_797, %gather3A_798] : memref<2x128x128xf32, #tpu.memory_space<vmem>> -> memref<1x128x128xf32, #tpu.memory_space<vmem>>
        %gather3A_800 = tpu.memref_squeeze %gather3A_799 : memref<1x128x128xf32, #tpu.memory_space<vmem>> -> memref<128x128xf32, #tpu.memory_space<vmem>>
        %gather3A_801 = tpu.vector_load_idx %gather3A_800[%add3A_796, %add3A_721] : memref<128x128xf32, #tpu.memory_space<vmem>>[vector<16xi32>, vector<16xi32>], vector<16xf32>,
        %scatter3A_802 = arith.constant 0 : i32
        %scatter3A_803 = arith.constant 0 : i32
        %scatter3A_804 = tpu.memref_slice %arg11[%rem3A_65, %scatter3A_802, %scatter3A_803] : memref<2x192x128xf32, #tpu.memory_space<vmem>> -> memref<1x192x128xf32, #tpu.memory_space<vmem>>
        %scatter3A_805 = tpu.memref_squeeze %scatter3A_804 : memref<1x192x128xf32, #tpu.memory_space<vmem>> -> memref<192x128xf32, #tpu.memory_space<vmem>>
        tpu.vector_store_idx %scatter3A_805[%add3A_721, %add3A_796], %gather3A_801 : memref<192x128xf32, #tpu.memory_space<vmem>>[vector<16xi32>, vector<16xi32>], vector<16xf32>,
        %add3A_806 = arith.constant 112 : i32
        %add3A_807 = vector.broadcast %add3A_806 : i32 to vector<16xi32>
        %add3A_808 = arith.addi %iota3A, %add3A_807 : vector<16xi32>
        %gather3A_809 = arith.constant 0 : i32
        %gather3A_810 = arith.constant 0 : i32
        %gather3A_811 = tpu.memref_slice %arg9[%rem3A_65, %gather3A_809, %gather3A_810] : memref<2x128x128xf32, #tpu.memory_space<vmem>> -> memref<1x128x128xf32, #tpu.memory_space<vmem>>
        %gather3A_812 = tpu.memref_squeeze %gather3A_811 : memref<1x128x128xf32, #tpu.memory_space<vmem>> -> memref<128x128xf32, #tpu.memory_space<vmem>>
        %gather3A_813 = tpu.vector_load_idx %gather3A_812[%add3A_808, %add3A_721] : memref<128x128xf32, #tpu.memory_space<vmem>>[vector<16xi32>, vector<16xi32>], vector<16xf32>,
        %scatter3A_814 = arith.constant 0 : i32
        %scatter3A_815 = arith.constant 0 : i32
        %scatter3A_816 = tpu.memref_slice %arg11[%rem3A_65, %scatter3A_814, %scatter3A_815] : memref<2x192x128xf32, #tpu.memory_space<vmem>> -> memref<1x192x128xf32, #tpu.memory_space<vmem>>
        %scatter3A_817 = tpu.memref_squeeze %scatter3A_816 : memref<1x192x128xf32, #tpu.memory_space<vmem>> -> memref<192x128xf32, #tpu.memory_space<vmem>>
        tpu.vector_store_idx %scatter3A_817[%add3A_721, %add3A_808], %gather3A_813 : memref<192x128xf32, #tpu.memory_space<vmem>>[vector<16xi32>, vector<16xi32>], vector<16xf32>,
        %add3A_818 = arith.constant 112 : i32
        %add3A_819 = vector.broadcast %add3A_818 : i32 to vector<16xi32>
        %add3A_820 = arith.addi %rem3A_126, %add3A_819 : vector<16xi32>
        %add3A_821 = arith.constant 0 : i32
        %add3A_822 = vector.broadcast %add3A_821 : i32 to vector<16xi32>
        %add3A_823 = arith.addi %iota3A, %add3A_822 : vector<16xi32>
        %gather3A_824 = arith.constant 0 : i32
        %gather3A_825 = arith.constant 0 : i32
        %gather3A_826 = tpu.memref_slice %arg9[%rem3A_65, %gather3A_824, %gather3A_825] : memref<2x128x128xf32, #tpu.memory_space<vmem>> -> memref<1x128x128xf32, #tpu.memory_space<vmem>>
        %gather3A_827 = tpu.memref_squeeze %gather3A_826 : memref<1x128x128xf32, #tpu.memory_space<vmem>> -> memref<128x128xf32, #tpu.memory_space<vmem>>
        %gather3A_828 = tpu.vector_load_idx %gather3A_827[%add3A_823, %add3A_820] : memref<128x128xf32, #tpu.memory_space<vmem>>[vector<16xi32>, vector<16xi32>], vector<16xf32>,
        %scatter3A_829 = arith.constant 0 : i32
        %scatter3A_830 = arith.constant 0 : i32
        %scatter3A_831 = tpu.memref_slice %arg11[%rem3A_65, %scatter3A_829, %scatter3A_830] : memref<2x192x128xf32, #tpu.memory_space<vmem>> -> memref<1x192x128xf32, #tpu.memory_space<vmem>>
        %scatter3A_832 = tpu.memref_squeeze %scatter3A_831 : memref<1x192x128xf32, #tpu.memory_space<vmem>> -> memref<192x128xf32, #tpu.memory_space<vmem>>
        tpu.vector_store_idx %scatter3A_832[%add3A_820, %add3A_823], %gather3A_828 : memref<192x128xf32, #tpu.memory_space<vmem>>[vector<16xi32>, vector<16xi32>], vector<16xf32>,
        %add3A_833 = arith.constant 16 : i32
        %add3A_834 = vector.broadcast %add3A_833 : i32 to vector<16xi32>
        %add3A_835 = arith.addi %iota3A, %add3A_834 : vector<16xi32>
        %gather3A_836 = arith.constant 0 : i32
        %gather3A_837 = arith.constant 0 : i32
        %gather3A_838 = tpu.memref_slice %arg9[%rem3A_65, %gather3A_836, %gather3A_837] : memref<2x128x128xf32, #tpu.memory_space<vmem>> -> memref<1x128x128xf32, #tpu.memory_space<vmem>>
        %gather3A_839 = tpu.memref_squeeze %gather3A_838 : memref<1x128x128xf32, #tpu.memory_space<vmem>> -> memref<128x128xf32, #tpu.memory_space<vmem>>
        %gather3A_840 = tpu.vector_load_idx %gather3A_839[%add3A_835, %add3A_820] : memref<128x128xf32, #tpu.memory_space<vmem>>[vector<16xi32>, vector<16xi32>], vector<16xf32>,
        %scatter3A_841 = arith.constant 0 : i32
        %scatter3A_842 = arith.constant 0 : i32
        %scatter3A_843 = tpu.memref_slice %arg11[%rem3A_65, %scatter3A_841, %scatter3A_842] : memref<2x192x128xf32, #tpu.memory_space<vmem>> -> memref<1x192x128xf32, #tpu.memory_space<vmem>>
        %scatter3A_844 = tpu.memref_squeeze %scatter3A_843 : memref<1x192x128xf32, #tpu.memory_space<vmem>> -> memref<192x128xf32, #tpu.memory_space<vmem>>
        tpu.vector_store_idx %scatter3A_844[%add3A_820, %add3A_835], %gather3A_840 : memref<192x128xf32, #tpu.memory_space<vmem>>[vector<16xi32>, vector<16xi32>], vector<16xf32>,
        %add3A_845 = arith.constant 32 : i32
        %add3A_846 = vector.broadcast %add3A_845 : i32 to vector<16xi32>
        %add3A_847 = arith.addi %iota3A, %add3A_846 : vector<16xi32>
        %gather3A_848 = arith.constant 0 : i32
        %gather3A_849 = arith.constant 0 : i32
        %gather3A_850 = tpu.memref_slice %arg9[%rem3A_65, %gather3A_848, %gather3A_849] : memref<2x128x128xf32, #tpu.memory_space<vmem>> -> memref<1x128x128xf32, #tpu.memory_space<vmem>>
        %gather3A_851 = tpu.memref_squeeze %gather3A_850 : memref<1x128x128xf32, #tpu.memory_space<vmem>> -> memref<128x128xf32, #tpu.memory_space<vmem>>
        %gather3A_852 = tpu.vector_load_idx %gather3A_851[%add3A_847, %add3A_820] : memref<128x128xf32, #tpu.memory_space<vmem>>[vector<16xi32>, vector<16xi32>], vector<16xf32>,
        %scatter3A_853 = arith.constant 0 : i32
        %scatter3A_854 = arith.constant 0 : i32
        %scatter3A_855 = tpu.memref_slice %arg11[%rem3A_65, %scatter3A_853, %scatter3A_854] : memref<2x192x128xf32, #tpu.memory_space<vmem>> -> memref<1x192x128xf32, #tpu.memory_space<vmem>>
        %scatter3A_856 = tpu.memref_squeeze %scatter3A_855 : memref<1x192x128xf32, #tpu.memory_space<vmem>> -> memref<192x128xf32, #tpu.memory_space<vmem>>
        tpu.vector_store_idx %scatter3A_856[%add3A_820, %add3A_847], %gather3A_852 : memref<192x128xf32, #tpu.memory_space<vmem>>[vector<16xi32>, vector<16xi32>], vector<16xf32>,
        %add3A_857 = arith.constant 48 : i32
        %add3A_858 = vector.broadcast %add3A_857 : i32 to vector<16xi32>
        %add3A_859 = arith.addi %iota3A, %add3A_858 : vector<16xi32>
        %gather3A_860 = arith.constant 0 : i32
        %gather3A_861 = arith.constant 0 : i32
        %gather3A_862 = tpu.memref_slice %arg9[%rem3A_65, %gather3A_860, %gather3A_861] : memref<2x128x128xf32, #tpu.memory_space<vmem>> -> memref<1x128x128xf32, #tpu.memory_space<vmem>>
        %gather3A_863 = tpu.memref_squeeze %gather3A_862 : memref<1x128x128xf32, #tpu.memory_space<vmem>> -> memref<128x128xf32, #tpu.memory_space<vmem>>
        %gather3A_864 = tpu.vector_load_idx %gather3A_863[%add3A_859, %add3A_820] : memref<128x128xf32, #tpu.memory_space<vmem>>[vector<16xi32>, vector<16xi32>], vector<16xf32>,
        %scatter3A_865 = arith.constant 0 : i32
        %scatter3A_866 = arith.constant 0 : i32
        %scatter3A_867 = tpu.memref_slice %arg11[%rem3A_65, %scatter3A_865, %scatter3A_866] : memref<2x192x128xf32, #tpu.memory_space<vmem>> -> memref<1x192x128xf32, #tpu.memory_space<vmem>>
        %scatter3A_868 = tpu.memref_squeeze %scatter3A_867 : memref<1x192x128xf32, #tpu.memory_space<vmem>> -> memref<192x128xf32, #tpu.memory_space<vmem>>
        tpu.vector_store_idx %scatter3A_868[%add3A_820, %add3A_859], %gather3A_864 : memref<192x128xf32, #tpu.memory_space<vmem>>[vector<16xi32>, vector<16xi32>], vector<16xf32>,
        %add3A_869 = arith.constant 64 : i32
        %add3A_870 = vector.broadcast %add3A_869 : i32 to vector<16xi32>
        %add3A_871 = arith.addi %iota3A, %add3A_870 : vector<16xi32>
        %gather3A_872 = arith.constant 0 : i32
        %gather3A_873 = arith.constant 0 : i32
        %gather3A_874 = tpu.memref_slice %arg9[%rem3A_65, %gather3A_872, %gather3A_873] : memref<2x128x128xf32, #tpu.memory_space<vmem>> -> memref<1x128x128xf32, #tpu.memory_space<vmem>>
        %gather3A_875 = tpu.memref_squeeze %gather3A_874 : memref<1x128x128xf32, #tpu.memory_space<vmem>> -> memref<128x128xf32, #tpu.memory_space<vmem>>
        %gather3A_876 = tpu.vector_load_idx %gather3A_875[%add3A_871, %add3A_820] : memref<128x128xf32, #tpu.memory_space<vmem>>[vector<16xi32>, vector<16xi32>], vector<16xf32>,
        %scatter3A_877 = arith.constant 0 : i32
        %scatter3A_878 = arith.constant 0 : i32
        %scatter3A_879 = tpu.memref_slice %arg11[%rem3A_65, %scatter3A_877, %scatter3A_878] : memref<2x192x128xf32, #tpu.memory_space<vmem>> -> memref<1x192x128xf32, #tpu.memory_space<vmem>>
        %scatter3A_880 = tpu.memref_squeeze %scatter3A_879 : memref<1x192x128xf32, #tpu.memory_space<vmem>> -> memref<192x128xf32, #tpu.memory_space<vmem>>
        tpu.vector_store_idx %scatter3A_880[%add3A_820, %add3A_871], %gather3A_876 : memref<192x128xf32, #tpu.memory_space<vmem>>[vector<16xi32>, vector<16xi32>], vector<16xf32>,
        %add3A_881 = arith.constant 80 : i32
        %add3A_882 = vector.broadcast %add3A_881 : i32 to vector<16xi32>
        %add3A_883 = arith.addi %iota3A, %add3A_882 : vector<16xi32>
        %gather3A_884 = arith.constant 0 : i32
        %gather3A_885 = arith.constant 0 : i32
        %gather3A_886 = tpu.memref_slice %arg9[%rem3A_65, %gather3A_884, %gather3A_885] : memref<2x128x128xf32, #tpu.memory_space<vmem>> -> memref<1x128x128xf32, #tpu.memory_space<vmem>>
        %gather3A_887 = tpu.memref_squeeze %gather3A_886 : memref<1x128x128xf32, #tpu.memory_space<vmem>> -> memref<128x128xf32, #tpu.memory_space<vmem>>
        %gather3A_888 = tpu.vector_load_idx %gather3A_887[%add3A_883, %add3A_820] : memref<128x128xf32, #tpu.memory_space<vmem>>[vector<16xi32>, vector<16xi32>], vector<16xf32>,
        %scatter3A_889 = arith.constant 0 : i32
        %scatter3A_890 = arith.constant 0 : i32
        %scatter3A_891 = tpu.memref_slice %arg11[%rem3A_65, %scatter3A_889, %scatter3A_890] : memref<2x192x128xf32, #tpu.memory_space<vmem>> -> memref<1x192x128xf32, #tpu.memory_space<vmem>>
        %scatter3A_892 = tpu.memref_squeeze %scatter3A_891 : memref<1x192x128xf32, #tpu.memory_space<vmem>> -> memref<192x128xf32, #tpu.memory_space<vmem>>
        tpu.vector_store_idx %scatter3A_892[%add3A_820, %add3A_883], %gather3A_888 : memref<192x128xf32, #tpu.memory_space<vmem>>[vector<16xi32>, vector<16xi32>], vector<16xf32>,
        %add3A_893 = arith.constant 96 : i32
        %add3A_894 = vector.broadcast %add3A_893 : i32 to vector<16xi32>
        %add3A_895 = arith.addi %iota3A, %add3A_894 : vector<16xi32>
        %gather3A_896 = arith.constant 0 : i32
        %gather3A_897 = arith.constant 0 : i32
        %gather3A_898 = tpu.memref_slice %arg9[%rem3A_65, %gather3A_896, %gather3A_897] : memref<2x128x128xf32, #tpu.memory_space<vmem>> -> memref<1x128x128xf32, #tpu.memory_space<vmem>>
        %gather3A_899 = tpu.memref_squeeze %gather3A_898 : memref<1x128x128xf32, #tpu.memory_space<vmem>> -> memref<128x128xf32, #tpu.memory_space<vmem>>
        %gather3A_900 = tpu.vector_load_idx %gather3A_899[%add3A_895, %add3A_820] : memref<128x128xf32, #tpu.memory_space<vmem>>[vector<16xi32>, vector<16xi32>], vector<16xf32>,
        %scatter3A_901 = arith.constant 0 : i32
        %scatter3A_902 = arith.constant 0 : i32
        %scatter3A_903 = tpu.memref_slice %arg11[%rem3A_65, %scatter3A_901, %scatter3A_902] : memref<2x192x128xf32, #tpu.memory_space<vmem>> -> memref<1x192x128xf32, #tpu.memory_space<vmem>>
        %scatter3A_904 = tpu.memref_squeeze %scatter3A_903 : memref<1x192x128xf32, #tpu.memory_space<vmem>> -> memref<192x128xf32, #tpu.memory_space<vmem>>
        tpu.vector_store_idx %scatter3A_904[%add3A_820, %add3A_895], %gather3A_900 : memref<192x128xf32, #tpu.memory_space<vmem>>[vector<16xi32>, vector<16xi32>], vector<16xf32>,
        %add3A_905 = arith.constant 112 : i32
        %add3A_906 = vector.broadcast %add3A_905 : i32 to vector<16xi32>
        %add3A_907 = arith.addi %iota3A, %add3A_906 : vector<16xi32>
        %gather3A_908 = arith.constant 0 : i32
        %gather3A_909 = arith.constant 0 : i32
        %gather3A_910 = tpu.memref_slice %arg9[%rem3A_65, %gather3A_908, %gather3A_909] : memref<2x128x128xf32, #tpu.memory_space<vmem>> -> memref<1x128x128xf32, #tpu.memory_space<vmem>>
        %gather3A_911 = tpu.memref_squeeze %gather3A_910 : memref<1x128x128xf32, #tpu.memory_space<vmem>> -> memref<128x128xf32, #tpu.memory_space<vmem>>
        %gather3A_912 = tpu.vector_load_idx %gather3A_911[%add3A_907, %add3A_820] : memref<128x128xf32, #tpu.memory_space<vmem>>[vector<16xi32>, vector<16xi32>], vector<16xf32>,
        %scatter3A_913 = arith.constant 0 : i32
        %scatter3A_914 = arith.constant 0 : i32
        %scatter3A_915 = tpu.memref_slice %arg11[%rem3A_65, %scatter3A_913, %scatter3A_914] : memref<2x192x128xf32, #tpu.memory_space<vmem>> -> memref<1x192x128xf32, #tpu.memory_space<vmem>>
        %scatter3A_916 = tpu.memref_squeeze %scatter3A_915 : memref<1x192x128xf32, #tpu.memory_space<vmem>> -> memref<192x128xf32, #tpu.memory_space<vmem>>
        tpu.vector_store_idx %scatter3A_916[%add3A_820, %add3A_907], %gather3A_912 : memref<192x128xf32, #tpu.memory_space<vmem>>[vector<16xi32>, vector<16xi32>], vector<16xf32>,
        %add3A_917 = arith.constant 0 : i32
        %add3A_918 = vector.broadcast %add3A_917 : i32 to vector<16xi32>
        %add3A_919 = arith.addi %rem3A_126, %add3A_918 : vector<16xi32>
        %add3A_920 = arith.constant 128 : i32
        %add3A_921 = vector.broadcast %add3A_920 : i32 to vector<16xi32>
        %add3A_922 = arith.addi %add3A_919, %add3A_921 : vector<16xi32>
        %add3A_923 = arith.constant 0 : i32
        %add3A_924 = vector.broadcast %add3A_923 : i32 to vector<16xi32>
        %add3A_925 = arith.addi %iota3A, %add3A_924 : vector<16xi32>
        %gather3A_926 = arith.constant 0 : i32
        %gather3A_927 = arith.constant 0 : i32
        %gather3A_928 = tpu.memref_slice %arg10[%rem3A_65, %gather3A_926, %gather3A_927] : memref<2x128x128xf32, #tpu.memory_space<vmem>> -> memref<1x128x128xf32, #tpu.memory_space<vmem>>
        %gather3A_929 = tpu.memref_squeeze %gather3A_928 : memref<1x128x128xf32, #tpu.memory_space<vmem>> -> memref<128x128xf32, #tpu.memory_space<vmem>>
        %gather3A_930 = tpu.vector_load_idx %gather3A_929[%add3A_925, %add3A_919] : memref<128x128xf32, #tpu.memory_space<vmem>>[vector<16xi32>, vector<16xi32>], vector<16xf32>,
        %scatter3A_931 = arith.constant 0 : i32
        %scatter3A_932 = arith.constant 0 : i32
        %scatter3A_933 = tpu.memref_slice %arg11[%rem3A_65, %scatter3A_931, %scatter3A_932] : memref<2x192x128xf32, #tpu.memory_space<vmem>> -> memref<1x192x128xf32, #tpu.memory_space<vmem>>
        %scatter3A_934 = tpu.memref_squeeze %scatter3A_933 : memref<1x192x128xf32, #tpu.memory_space<vmem>> -> memref<192x128xf32, #tpu.memory_space<vmem>>
        tpu.vector_store_idx %scatter3A_934[%add3A_922, %add3A_925], %gather3A_930 : memref<192x128xf32, #tpu.memory_space<vmem>>[vector<16xi32>, vector<16xi32>], vector<16xf32>,
        %add3A_935 = arith.constant 16 : i32
        %add3A_936 = vector.broadcast %add3A_935 : i32 to vector<16xi32>
        %add3A_937 = arith.addi %iota3A, %add3A_936 : vector<16xi32>
        %gather3A_938 = arith.constant 0 : i32
        %gather3A_939 = arith.constant 0 : i32
        %gather3A_940 = tpu.memref_slice %arg10[%rem3A_65, %gather3A_938, %gather3A_939] : memref<2x128x128xf32, #tpu.memory_space<vmem>> -> memref<1x128x128xf32, #tpu.memory_space<vmem>>
        %gather3A_941 = tpu.memref_squeeze %gather3A_940 : memref<1x128x128xf32, #tpu.memory_space<vmem>> -> memref<128x128xf32, #tpu.memory_space<vmem>>
        %gather3A_942 = tpu.vector_load_idx %gather3A_941[%add3A_937, %add3A_919] : memref<128x128xf32, #tpu.memory_space<vmem>>[vector<16xi32>, vector<16xi32>], vector<16xf32>,
        %scatter3A_943 = arith.constant 0 : i32
        %scatter3A_944 = arith.constant 0 : i32
        %scatter3A_945 = tpu.memref_slice %arg11[%rem3A_65, %scatter3A_943, %scatter3A_944] : memref<2x192x128xf32, #tpu.memory_space<vmem>> -> memref<1x192x128xf32, #tpu.memory_space<vmem>>
        %scatter3A_946 = tpu.memref_squeeze %scatter3A_945 : memref<1x192x128xf32, #tpu.memory_space<vmem>> -> memref<192x128xf32, #tpu.memory_space<vmem>>
        tpu.vector_store_idx %scatter3A_946[%add3A_922, %add3A_937], %gather3A_942 : memref<192x128xf32, #tpu.memory_space<vmem>>[vector<16xi32>, vector<16xi32>], vector<16xf32>,
        %add3A_947 = arith.constant 32 : i32
        %add3A_948 = vector.broadcast %add3A_947 : i32 to vector<16xi32>
        %add3A_949 = arith.addi %iota3A, %add3A_948 : vector<16xi32>
        %gather3A_950 = arith.constant 0 : i32
        %gather3A_951 = arith.constant 0 : i32
        %gather3A_952 = tpu.memref_slice %arg10[%rem3A_65, %gather3A_950, %gather3A_951] : memref<2x128x128xf32, #tpu.memory_space<vmem>> -> memref<1x128x128xf32, #tpu.memory_space<vmem>>
        %gather3A_953 = tpu.memref_squeeze %gather3A_952 : memref<1x128x128xf32, #tpu.memory_space<vmem>> -> memref<128x128xf32, #tpu.memory_space<vmem>>
        %gather3A_954 = tpu.vector_load_idx %gather3A_953[%add3A_949, %add3A_919] : memref<128x128xf32, #tpu.memory_space<vmem>>[vector<16xi32>, vector<16xi32>], vector<16xf32>,
        %scatter3A_955 = arith.constant 0 : i32
        %scatter3A_956 = arith.constant 0 : i32
        %scatter3A_957 = tpu.memref_slice %arg11[%rem3A_65, %scatter3A_955, %scatter3A_956] : memref<2x192x128xf32, #tpu.memory_space<vmem>> -> memref<1x192x128xf32, #tpu.memory_space<vmem>>
        %scatter3A_958 = tpu.memref_squeeze %scatter3A_957 : memref<1x192x128xf32, #tpu.memory_space<vmem>> -> memref<192x128xf32, #tpu.memory_space<vmem>>
        tpu.vector_store_idx %scatter3A_958[%add3A_922, %add3A_949], %gather3A_954 : memref<192x128xf32, #tpu.memory_space<vmem>>[vector<16xi32>, vector<16xi32>], vector<16xf32>,
        %add3A_959 = arith.constant 48 : i32
        %add3A_960 = vector.broadcast %add3A_959 : i32 to vector<16xi32>
        %add3A_961 = arith.addi %iota3A, %add3A_960 : vector<16xi32>
        %gather3A_962 = arith.constant 0 : i32
        %gather3A_963 = arith.constant 0 : i32
        %gather3A_964 = tpu.memref_slice %arg10[%rem3A_65, %gather3A_962, %gather3A_963] : memref<2x128x128xf32, #tpu.memory_space<vmem>> -> memref<1x128x128xf32, #tpu.memory_space<vmem>>
        %gather3A_965 = tpu.memref_squeeze %gather3A_964 : memref<1x128x128xf32, #tpu.memory_space<vmem>> -> memref<128x128xf32, #tpu.memory_space<vmem>>
        %gather3A_966 = tpu.vector_load_idx %gather3A_965[%add3A_961, %add3A_919] : memref<128x128xf32, #tpu.memory_space<vmem>>[vector<16xi32>, vector<16xi32>], vector<16xf32>,
        %scatter3A_967 = arith.constant 0 : i32
        %scatter3A_968 = arith.constant 0 : i32
        %scatter3A_969 = tpu.memref_slice %arg11[%rem3A_65, %scatter3A_967, %scatter3A_968] : memref<2x192x128xf32, #tpu.memory_space<vmem>> -> memref<1x192x128xf32, #tpu.memory_space<vmem>>
        %scatter3A_970 = tpu.memref_squeeze %scatter3A_969 : memref<1x192x128xf32, #tpu.memory_space<vmem>> -> memref<192x128xf32, #tpu.memory_space<vmem>>
        tpu.vector_store_idx %scatter3A_970[%add3A_922, %add3A_961], %gather3A_966 : memref<192x128xf32, #tpu.memory_space<vmem>>[vector<16xi32>, vector<16xi32>], vector<16xf32>,
        %add3A_971 = arith.constant 64 : i32
        %add3A_972 = vector.broadcast %add3A_971 : i32 to vector<16xi32>
        %add3A_973 = arith.addi %iota3A, %add3A_972 : vector<16xi32>
        %gather3A_974 = arith.constant 0 : i32
        %gather3A_975 = arith.constant 0 : i32
        %gather3A_976 = tpu.memref_slice %arg10[%rem3A_65, %gather3A_974, %gather3A_975] : memref<2x128x128xf32, #tpu.memory_space<vmem>> -> memref<1x128x128xf32, #tpu.memory_space<vmem>>
        %gather3A_977 = tpu.memref_squeeze %gather3A_976 : memref<1x128x128xf32, #tpu.memory_space<vmem>> -> memref<128x128xf32, #tpu.memory_space<vmem>>
        %gather3A_978 = tpu.vector_load_idx %gather3A_977[%add3A_973, %add3A_919] : memref<128x128xf32, #tpu.memory_space<vmem>>[vector<16xi32>, vector<16xi32>], vector<16xf32>,
        %scatter3A_979 = arith.constant 0 : i32
        %scatter3A_980 = arith.constant 0 : i32
        %scatter3A_981 = tpu.memref_slice %arg11[%rem3A_65, %scatter3A_979, %scatter3A_980] : memref<2x192x128xf32, #tpu.memory_space<vmem>> -> memref<1x192x128xf32, #tpu.memory_space<vmem>>
        %scatter3A_982 = tpu.memref_squeeze %scatter3A_981 : memref<1x192x128xf32, #tpu.memory_space<vmem>> -> memref<192x128xf32, #tpu.memory_space<vmem>>
        tpu.vector_store_idx %scatter3A_982[%add3A_922, %add3A_973], %gather3A_978 : memref<192x128xf32, #tpu.memory_space<vmem>>[vector<16xi32>, vector<16xi32>], vector<16xf32>,
        %add3A_983 = arith.constant 80 : i32
        %add3A_984 = vector.broadcast %add3A_983 : i32 to vector<16xi32>
        %add3A_985 = arith.addi %iota3A, %add3A_984 : vector<16xi32>
        %gather3A_986 = arith.constant 0 : i32
        %gather3A_987 = arith.constant 0 : i32
        %gather3A_988 = tpu.memref_slice %arg10[%rem3A_65, %gather3A_986, %gather3A_987] : memref<2x128x128xf32, #tpu.memory_space<vmem>> -> memref<1x128x128xf32, #tpu.memory_space<vmem>>
        %gather3A_989 = tpu.memref_squeeze %gather3A_988 : memref<1x128x128xf32, #tpu.memory_space<vmem>> -> memref<128x128xf32, #tpu.memory_space<vmem>>
        %gather3A_990 = tpu.vector_load_idx %gather3A_989[%add3A_985, %add3A_919] : memref<128x128xf32, #tpu.memory_space<vmem>>[vector<16xi32>, vector<16xi32>], vector<16xf32>,
        %scatter3A_991 = arith.constant 0 : i32
        %scatter3A_992 = arith.constant 0 : i32
        %scatter3A_993 = tpu.memref_slice %arg11[%rem3A_65, %scatter3A_991, %scatter3A_992] : memref<2x192x128xf32, #tpu.memory_space<vmem>> -> memref<1x192x128xf32, #tpu.memory_space<vmem>>
        %scatter3A_994 = tpu.memref_squeeze %scatter3A_993 : memref<1x192x128xf32, #tpu.memory_space<vmem>> -> memref<192x128xf32, #tpu.memory_space<vmem>>
        tpu.vector_store_idx %scatter3A_994[%add3A_922, %add3A_985], %gather3A_990 : memref<192x128xf32, #tpu.memory_space<vmem>>[vector<16xi32>, vector<16xi32>], vector<16xf32>,
        %add3A_995 = arith.constant 96 : i32
        %add3A_996 = vector.broadcast %add3A_995 : i32 to vector<16xi32>
        %add3A_997 = arith.addi %iota3A, %add3A_996 : vector<16xi32>
        %gather3A_998 = arith.constant 0 : i32
        %gather3A_999 = arith.constant 0 : i32
        %gather3A_1000 = tpu.memref_slice %arg10[%rem3A_65, %gather3A_998, %gather3A_999] : memref<2x128x128xf32, #tpu.memory_space<vmem>> -> memref<1x128x128xf32, #tpu.memory_space<vmem>>
        %gather3A_1001 = tpu.memref_squeeze %gather3A_1000 : memref<1x128x128xf32, #tpu.memory_space<vmem>> -> memref<128x128xf32, #tpu.memory_space<vmem>>
        %gather3A_1002 = tpu.vector_load_idx %gather3A_1001[%add3A_997, %add3A_919] : memref<128x128xf32, #tpu.memory_space<vmem>>[vector<16xi32>, vector<16xi32>], vector<16xf32>,
        %scatter3A_1003 = arith.constant 0 : i32
        %scatter3A_1004 = arith.constant 0 : i32
        %scatter3A_1005 = tpu.memref_slice %arg11[%rem3A_65, %scatter3A_1003, %scatter3A_1004] : memref<2x192x128xf32, #tpu.memory_space<vmem>> -> memref<1x192x128xf32, #tpu.memory_space<vmem>>
        %scatter3A_1006 = tpu.memref_squeeze %scatter3A_1005 : memref<1x192x128xf32, #tpu.memory_space<vmem>> -> memref<192x128xf32, #tpu.memory_space<vmem>>
        tpu.vector_store_idx %scatter3A_1006[%add3A_922, %add3A_997], %gather3A_1002 : memref<192x128xf32, #tpu.memory_space<vmem>>[vector<16xi32>, vector<16xi32>], vector<16xf32>,
        %add3A_1007 = arith.constant 112 : i32
        %add3A_1008 = vector.broadcast %add3A_1007 : i32 to vector<16xi32>
        %add3A_1009 = arith.addi %iota3A, %add3A_1008 : vector<16xi32>
        %gather3A_1010 = arith.constant 0 : i32
        %gather3A_1011 = arith.constant 0 : i32
        %gather3A_1012 = tpu.memref_slice %arg10[%rem3A_65, %gather3A_1010, %gather3A_1011] : memref<2x128x128xf32, #tpu.memory_space<vmem>> -> memref<1x128x128xf32, #tpu.memory_space<vmem>>
        %gather3A_1013 = tpu.memref_squeeze %gather3A_1012 : memref<1x128x128xf32, #tpu.memory_space<vmem>> -> memref<128x128xf32, #tpu.memory_space<vmem>>
        %gather3A_1014 = tpu.vector_load_idx %gather3A_1013[%add3A_1009, %add3A_919] : memref<128x128xf32, #tpu.memory_space<vmem>>[vector<16xi32>, vector<16xi32>], vector<16xf32>,
        %scatter3A_1015 = arith.constant 0 : i32
        %scatter3A_1016 = arith.constant 0 : i32
        %scatter3A_1017 = tpu.memref_slice %arg11[%rem3A_65, %scatter3A_1015, %scatter3A_1016] : memref<2x192x128xf32, #tpu.memory_space<vmem>> -> memref<1x192x128xf32, #tpu.memory_space<vmem>>
        %scatter3A_1018 = tpu.memref_squeeze %scatter3A_1017 : memref<1x192x128xf32, #tpu.memory_space<vmem>> -> memref<192x128xf32, #tpu.memory_space<vmem>>
        tpu.vector_store_idx %scatter3A_1018[%add3A_922, %add3A_1009], %gather3A_1014 : memref<192x128xf32, #tpu.memory_space<vmem>>[vector<16xi32>, vector<16xi32>], vector<16xf32>,
        %add3A_1019 = arith.constant 16 : i32
        %add3A_1020 = vector.broadcast %add3A_1019 : i32 to vector<16xi32>
        %add3A_1021 = arith.addi %rem3A_126, %add3A_1020 : vector<16xi32>
        %add3A_1022 = arith.constant 128 : i32
        %add3A_1023 = vector.broadcast %add3A_1022 : i32 to vector<16xi32>
        %add3A_1024 = arith.addi %add3A_1021, %add3A_1023 : vector<16xi32>
        %add3A_1025 = arith.constant 0 : i32
        %add3A_1026 = vector.broadcast %add3A_1025 : i32 to vector<16xi32>
        %add3A_1027 = arith.addi %iota3A, %add3A_1026 : vector<16xi32>
        %gather3A_1028 = arith.constant 0 : i32
        %gather3A_1029 = arith.constant 0 : i32
        %gather3A_1030 = tpu.memref_slice %arg10[%rem3A_65, %gather3A_1028, %gather3A_1029] : memref<2x128x128xf32, #tpu.memory_space<vmem>> -> memref<1x128x128xf32, #tpu.memory_space<vmem>>
        %gather3A_1031 = tpu.memref_squeeze %gather3A_1030 : memref<1x128x128xf32, #tpu.memory_space<vmem>> -> memref<128x128xf32, #tpu.memory_space<vmem>>
        %gather3A_1032 = tpu.vector_load_idx %gather3A_1031[%add3A_1027, %add3A_1021] : memref<128x128xf32, #tpu.memory_space<vmem>>[vector<16xi32>, vector<16xi32>], vector<16xf32>,
        %scatter3A_1033 = arith.constant 0 : i32
        %scatter3A_1034 = arith.constant 0 : i32
        %scatter3A_1035 = tpu.memref_slice %arg11[%rem3A_65, %scatter3A_1033, %scatter3A_1034] : memref<2x192x128xf32, #tpu.memory_space<vmem>> -> memref<1x192x128xf32, #tpu.memory_space<vmem>>
        %scatter3A_1036 = tpu.memref_squeeze %scatter3A_1035 : memref<1x192x128xf32, #tpu.memory_space<vmem>> -> memref<192x128xf32, #tpu.memory_space<vmem>>
        tpu.vector_store_idx %scatter3A_1036[%add3A_1024, %add3A_1027], %gather3A_1032 : memref<192x128xf32, #tpu.memory_space<vmem>>[vector<16xi32>, vector<16xi32>], vector<16xf32>,
        %add3A_1037 = arith.constant 16 : i32
        %add3A_1038 = vector.broadcast %add3A_1037 : i32 to vector<16xi32>
        %add3A_1039 = arith.addi %iota3A, %add3A_1038 : vector<16xi32>
        %gather3A_1040 = arith.constant 0 : i32
        %gather3A_1041 = arith.constant 0 : i32
        %gather3A_1042 = tpu.memref_slice %arg10[%rem3A_65, %gather3A_1040, %gather3A_1041] : memref<2x128x128xf32, #tpu.memory_space<vmem>> -> memref<1x128x128xf32, #tpu.memory_space<vmem>>
        %gather3A_1043 = tpu.memref_squeeze %gather3A_1042 : memref<1x128x128xf32, #tpu.memory_space<vmem>> -> memref<128x128xf32, #tpu.memory_space<vmem>>
        %gather3A_1044 = tpu.vector_load_idx %gather3A_1043[%add3A_1039, %add3A_1021] : memref<128x128xf32, #tpu.memory_space<vmem>>[vector<16xi32>, vector<16xi32>], vector<16xf32>,
        %scatter3A_1045 = arith.constant 0 : i32
        %scatter3A_1046 = arith.constant 0 : i32
        %scatter3A_1047 = tpu.memref_slice %arg11[%rem3A_65, %scatter3A_1045, %scatter3A_1046] : memref<2x192x128xf32, #tpu.memory_space<vmem>> -> memref<1x192x128xf32, #tpu.memory_space<vmem>>
        %scatter3A_1048 = tpu.memref_squeeze %scatter3A_1047 : memref<1x192x128xf32, #tpu.memory_space<vmem>> -> memref<192x128xf32, #tpu.memory_space<vmem>>
        tpu.vector_store_idx %scatter3A_1048[%add3A_1024, %add3A_1039], %gather3A_1044 : memref<192x128xf32, #tpu.memory_space<vmem>>[vector<16xi32>, vector<16xi32>], vector<16xf32>,
        %add3A_1049 = arith.constant 32 : i32
        %add3A_1050 = vector.broadcast %add3A_1049 : i32 to vector<16xi32>
        %add3A_1051 = arith.addi %iota3A, %add3A_1050 : vector<16xi32>
        %gather3A_1052 = arith.constant 0 : i32
        %gather3A_1053 = arith.constant 0 : i32
        %gather3A_1054 = tpu.memref_slice %arg10[%rem3A_65, %gather3A_1052, %gather3A_1053] : memref<2x128x128xf32, #tpu.memory_space<vmem>> -> memref<1x128x128xf32, #tpu.memory_space<vmem>>
        %gather3A_1055 = tpu.memref_squeeze %gather3A_1054 : memref<1x128x128xf32, #tpu.memory_space<vmem>> -> memref<128x128xf32, #tpu.memory_space<vmem>>
        %gather3A_1056 = tpu.vector_load_idx %gather3A_1055[%add3A_1051, %add3A_1021] : memref<128x128xf32, #tpu.memory_space<vmem>>[vector<16xi32>, vector<16xi32>], vector<16xf32>,
        %scatter3A_1057 = arith.constant 0 : i32
        %scatter3A_1058 = arith.constant 0 : i32
        %scatter3A_1059 = tpu.memref_slice %arg11[%rem3A_65, %scatter3A_1057, %scatter3A_1058] : memref<2x192x128xf32, #tpu.memory_space<vmem>> -> memref<1x192x128xf32, #tpu.memory_space<vmem>>
        %scatter3A_1060 = tpu.memref_squeeze %scatter3A_1059 : memref<1x192x128xf32, #tpu.memory_space<vmem>> -> memref<192x128xf32, #tpu.memory_space<vmem>>
        tpu.vector_store_idx %scatter3A_1060[%add3A_1024, %add3A_1051], %gather3A_1056 : memref<192x128xf32, #tpu.memory_space<vmem>>[vector<16xi32>, vector<16xi32>], vector<16xf32>,
        %add3A_1061 = arith.constant 48 : i32
        %add3A_1062 = vector.broadcast %add3A_1061 : i32 to vector<16xi32>
        %add3A_1063 = arith.addi %iota3A, %add3A_1062 : vector<16xi32>
        %gather3A_1064 = arith.constant 0 : i32
        %gather3A_1065 = arith.constant 0 : i32
        %gather3A_1066 = tpu.memref_slice %arg10[%rem3A_65, %gather3A_1064, %gather3A_1065] : memref<2x128x128xf32, #tpu.memory_space<vmem>> -> memref<1x128x128xf32, #tpu.memory_space<vmem>>
        %gather3A_1067 = tpu.memref_squeeze %gather3A_1066 : memref<1x128x128xf32, #tpu.memory_space<vmem>> -> memref<128x128xf32, #tpu.memory_space<vmem>>
        %gather3A_1068 = tpu.vector_load_idx %gather3A_1067[%add3A_1063, %add3A_1021] : memref<128x128xf32, #tpu.memory_space<vmem>>[vector<16xi32>, vector<16xi32>], vector<16xf32>,
        %scatter3A_1069 = arith.constant 0 : i32
        %scatter3A_1070 = arith.constant 0 : i32
        %scatter3A_1071 = tpu.memref_slice %arg11[%rem3A_65, %scatter3A_1069, %scatter3A_1070] : memref<2x192x128xf32, #tpu.memory_space<vmem>> -> memref<1x192x128xf32, #tpu.memory_space<vmem>>
        %scatter3A_1072 = tpu.memref_squeeze %scatter3A_1071 : memref<1x192x128xf32, #tpu.memory_space<vmem>> -> memref<192x128xf32, #tpu.memory_space<vmem>>
        tpu.vector_store_idx %scatter3A_1072[%add3A_1024, %add3A_1063], %gather3A_1068 : memref<192x128xf32, #tpu.memory_space<vmem>>[vector<16xi32>, vector<16xi32>], vector<16xf32>,
        %add3A_1073 = arith.constant 64 : i32
        %add3A_1074 = vector.broadcast %add3A_1073 : i32 to vector<16xi32>
        %add3A_1075 = arith.addi %iota3A, %add3A_1074 : vector<16xi32>
        %gather3A_1076 = arith.constant 0 : i32
        %gather3A_1077 = arith.constant 0 : i32
        %gather3A_1078 = tpu.memref_slice %arg10[%rem3A_65, %gather3A_1076, %gather3A_1077] : memref<2x128x128xf32, #tpu.memory_space<vmem>> -> memref<1x128x128xf32, #tpu.memory_space<vmem>>
        %gather3A_1079 = tpu.memref_squeeze %gather3A_1078 : memref<1x128x128xf32, #tpu.memory_space<vmem>> -> memref<128x128xf32, #tpu.memory_space<vmem>>
        %gather3A_1080 = tpu.vector_load_idx %gather3A_1079[%add3A_1075, %add3A_1021] : memref<128x128xf32, #tpu.memory_space<vmem>>[vector<16xi32>, vector<16xi32>], vector<16xf32>,
        %scatter3A_1081 = arith.constant 0 : i32
        %scatter3A_1082 = arith.constant 0 : i32
        %scatter3A_1083 = tpu.memref_slice %arg11[%rem3A_65, %scatter3A_1081, %scatter3A_1082] : memref<2x192x128xf32, #tpu.memory_space<vmem>> -> memref<1x192x128xf32, #tpu.memory_space<vmem>>
        %scatter3A_1084 = tpu.memref_squeeze %scatter3A_1083 : memref<1x192x128xf32, #tpu.memory_space<vmem>> -> memref<192x128xf32, #tpu.memory_space<vmem>>
        tpu.vector_store_idx %scatter3A_1084[%add3A_1024, %add3A_1075], %gather3A_1080 : memref<192x128xf32, #tpu.memory_space<vmem>>[vector<16xi32>, vector<16xi32>], vector<16xf32>,
        %add3A_1085 = arith.constant 80 : i32
        %add3A_1086 = vector.broadcast %add3A_1085 : i32 to vector<16xi32>
        %add3A_1087 = arith.addi %iota3A, %add3A_1086 : vector<16xi32>
        %gather3A_1088 = arith.constant 0 : i32
        %gather3A_1089 = arith.constant 0 : i32
        %gather3A_1090 = tpu.memref_slice %arg10[%rem3A_65, %gather3A_1088, %gather3A_1089] : memref<2x128x128xf32, #tpu.memory_space<vmem>> -> memref<1x128x128xf32, #tpu.memory_space<vmem>>
        %gather3A_1091 = tpu.memref_squeeze %gather3A_1090 : memref<1x128x128xf32, #tpu.memory_space<vmem>> -> memref<128x128xf32, #tpu.memory_space<vmem>>
        %gather3A_1092 = tpu.vector_load_idx %gather3A_1091[%add3A_1087, %add3A_1021] : memref<128x128xf32, #tpu.memory_space<vmem>>[vector<16xi32>, vector<16xi32>], vector<16xf32>,
        %scatter3A_1093 = arith.constant 0 : i32
        %scatter3A_1094 = arith.constant 0 : i32
        %scatter3A_1095 = tpu.memref_slice %arg11[%rem3A_65, %scatter3A_1093, %scatter3A_1094] : memref<2x192x128xf32, #tpu.memory_space<vmem>> -> memref<1x192x128xf32, #tpu.memory_space<vmem>>
        %scatter3A_1096 = tpu.memref_squeeze %scatter3A_1095 : memref<1x192x128xf32, #tpu.memory_space<vmem>> -> memref<192x128xf32, #tpu.memory_space<vmem>>
        tpu.vector_store_idx %scatter3A_1096[%add3A_1024, %add3A_1087], %gather3A_1092 : memref<192x128xf32, #tpu.memory_space<vmem>>[vector<16xi32>, vector<16xi32>], vector<16xf32>,
        %add3A_1097 = arith.constant 96 : i32
        %add3A_1098 = vector.broadcast %add3A_1097 : i32 to vector<16xi32>
        %add3A_1099 = arith.addi %iota3A, %add3A_1098 : vector<16xi32>
        %gather3A_1100 = arith.constant 0 : i32
        %gather3A_1101 = arith.constant 0 : i32
        %gather3A_1102 = tpu.memref_slice %arg10[%rem3A_65, %gather3A_1100, %gather3A_1101] : memref<2x128x128xf32, #tpu.memory_space<vmem>> -> memref<1x128x128xf32, #tpu.memory_space<vmem>>
        %gather3A_1103 = tpu.memref_squeeze %gather3A_1102 : memref<1x128x128xf32, #tpu.memory_space<vmem>> -> memref<128x128xf32, #tpu.memory_space<vmem>>
        %gather3A_1104 = tpu.vector_load_idx %gather3A_1103[%add3A_1099, %add3A_1021] : memref<128x128xf32, #tpu.memory_space<vmem>>[vector<16xi32>, vector<16xi32>], vector<16xf32>,
        %scatter3A_1105 = arith.constant 0 : i32
        %scatter3A_1106 = arith.constant 0 : i32
        %scatter3A_1107 = tpu.memref_slice %arg11[%rem3A_65, %scatter3A_1105, %scatter3A_1106] : memref<2x192x128xf32, #tpu.memory_space<vmem>> -> memref<1x192x128xf32, #tpu.memory_space<vmem>>
        %scatter3A_1108 = tpu.memref_squeeze %scatter3A_1107 : memref<1x192x128xf32, #tpu.memory_space<vmem>> -> memref<192x128xf32, #tpu.memory_space<vmem>>
        tpu.vector_store_idx %scatter3A_1108[%add3A_1024, %add3A_1099], %gather3A_1104 : memref<192x128xf32, #tpu.memory_space<vmem>>[vector<16xi32>, vector<16xi32>], vector<16xf32>,
        %add3A_1109 = arith.constant 112 : i32
        %add3A_1110 = vector.broadcast %add3A_1109 : i32 to vector<16xi32>
        %add3A_1111 = arith.addi %iota3A, %add3A_1110 : vector<16xi32>
        %gather3A_1112 = arith.constant 0 : i32
        %gather3A_1113 = arith.constant 0 : i32
        %gather3A_1114 = tpu.memref_slice %arg10[%rem3A_65, %gather3A_1112, %gather3A_1113] : memref<2x128x128xf32, #tpu.memory_space<vmem>> -> memref<1x128x128xf32, #tpu.memory_space<vmem>>
        %gather3A_1115 = tpu.memref_squeeze %gather3A_1114 : memref<1x128x128xf32, #tpu.memory_space<vmem>> -> memref<128x128xf32, #tpu.memory_space<vmem>>
        %gather3A_1116 = tpu.vector_load_idx %gather3A_1115[%add3A_1111, %add3A_1021] : memref<128x128xf32, #tpu.memory_space<vmem>>[vector<16xi32>, vector<16xi32>], vector<16xf32>,
        %scatter3A_1117 = arith.constant 0 : i32
        %scatter3A_1118 = arith.constant 0 : i32
        %scatter3A_1119 = tpu.memref_slice %arg11[%rem3A_65, %scatter3A_1117, %scatter3A_1118] : memref<2x192x128xf32, #tpu.memory_space<vmem>> -> memref<1x192x128xf32, #tpu.memory_space<vmem>>
        %scatter3A_1120 = tpu.memref_squeeze %scatter3A_1119 : memref<1x192x128xf32, #tpu.memory_space<vmem>> -> memref<192x128xf32, #tpu.memory_space<vmem>>
        tpu.vector_store_idx %scatter3A_1120[%add3A_1024, %add3A_1111], %gather3A_1116 : memref<192x128xf32, #tpu.memory_space<vmem>>[vector<16xi32>, vector<16xi32>], vector<16xf32>,
        %add3A_1121 = arith.constant 32 : i32
        %add3A_1122 = vector.broadcast %add3A_1121 : i32 to vector<16xi32>
        %add3A_1123 = arith.addi %rem3A_126, %add3A_1122 : vector<16xi32>
        %add3A_1124 = arith.constant 128 : i32
        %add3A_1125 = vector.broadcast %add3A_1124 : i32 to vector<16xi32>
        %add3A_1126 = arith.addi %add3A_1123, %add3A_1125 : vector<16xi32>
        %add3A_1127 = arith.constant 0 : i32
        %add3A_1128 = vector.broadcast %add3A_1127 : i32 to vector<16xi32>
        %add3A_1129 = arith.addi %iota3A, %add3A_1128 : vector<16xi32>
        %gather3A_1130 = arith.constant 0 : i32
        %gather3A_1131 = arith.constant 0 : i32
        %gather3A_1132 = tpu.memref_slice %arg10[%rem3A_65, %gather3A_1130, %gather3A_1131] : memref<2x128x128xf32, #tpu.memory_space<vmem>> -> memref<1x128x128xf32, #tpu.memory_space<vmem>>
        %gather3A_1133 = tpu.memref_squeeze %gather3A_1132 : memref<1x128x128xf32, #tpu.memory_space<vmem>> -> memref<128x128xf32, #tpu.memory_space<vmem>>
        %gather3A_1134 = tpu.vector_load_idx %gather3A_1133[%add3A_1129, %add3A_1123] : memref<128x128xf32, #tpu.memory_space<vmem>>[vector<16xi32>, vector<16xi32>], vector<16xf32>,
        %scatter3A_1135 = arith.constant 0 : i32
        %scatter3A_1136 = arith.constant 0 : i32
        %scatter3A_1137 = tpu.memref_slice %arg11[%rem3A_65, %scatter3A_1135, %scatter3A_1136] : memref<2x192x128xf32, #tpu.memory_space<vmem>> -> memref<1x192x128xf32, #tpu.memory_space<vmem>>
        %scatter3A_1138 = tpu.memref_squeeze %scatter3A_1137 : memref<1x192x128xf32, #tpu.memory_space<vmem>> -> memref<192x128xf32, #tpu.memory_space<vmem>>
        tpu.vector_store_idx %scatter3A_1138[%add3A_1126, %add3A_1129], %gather3A_1134 : memref<192x128xf32, #tpu.memory_space<vmem>>[vector<16xi32>, vector<16xi32>], vector<16xf32>,
        %add3A_1139 = arith.constant 16 : i32
        %add3A_1140 = vector.broadcast %add3A_1139 : i32 to vector<16xi32>
        %add3A_1141 = arith.addi %iota3A, %add3A_1140 : vector<16xi32>
        %gather3A_1142 = arith.constant 0 : i32
        %gather3A_1143 = arith.constant 0 : i32
        %gather3A_1144 = tpu.memref_slice %arg10[%rem3A_65, %gather3A_1142, %gather3A_1143] : memref<2x128x128xf32, #tpu.memory_space<vmem>> -> memref<1x128x128xf32, #tpu.memory_space<vmem>>
        %gather3A_1145 = tpu.memref_squeeze %gather3A_1144 : memref<1x128x128xf32, #tpu.memory_space<vmem>> -> memref<128x128xf32, #tpu.memory_space<vmem>>
        %gather3A_1146 = tpu.vector_load_idx %gather3A_1145[%add3A_1141, %add3A_1123] : memref<128x128xf32, #tpu.memory_space<vmem>>[vector<16xi32>, vector<16xi32>], vector<16xf32>,
        %scatter3A_1147 = arith.constant 0 : i32
        %scatter3A_1148 = arith.constant 0 : i32
        %scatter3A_1149 = tpu.memref_slice %arg11[%rem3A_65, %scatter3A_1147, %scatter3A_1148] : memref<2x192x128xf32, #tpu.memory_space<vmem>> -> memref<1x192x128xf32, #tpu.memory_space<vmem>>
        %scatter3A_1150 = tpu.memref_squeeze %scatter3A_1149 : memref<1x192x128xf32, #tpu.memory_space<vmem>> -> memref<192x128xf32, #tpu.memory_space<vmem>>
        tpu.vector_store_idx %scatter3A_1150[%add3A_1126, %add3A_1141], %gather3A_1146 : memref<192x128xf32, #tpu.memory_space<vmem>>[vector<16xi32>, vector<16xi32>], vector<16xf32>,
        %add3A_1151 = arith.constant 32 : i32
        %add3A_1152 = vector.broadcast %add3A_1151 : i32 to vector<16xi32>
        %add3A_1153 = arith.addi %iota3A, %add3A_1152 : vector<16xi32>
        %gather3A_1154 = arith.constant 0 : i32
        %gather3A_1155 = arith.constant 0 : i32
        %gather3A_1156 = tpu.memref_slice %arg10[%rem3A_65, %gather3A_1154, %gather3A_1155] : memref<2x128x128xf32, #tpu.memory_space<vmem>> -> memref<1x128x128xf32, #tpu.memory_space<vmem>>
        %gather3A_1157 = tpu.memref_squeeze %gather3A_1156 : memref<1x128x128xf32, #tpu.memory_space<vmem>> -> memref<128x128xf32, #tpu.memory_space<vmem>>
        %gather3A_1158 = tpu.vector_load_idx %gather3A_1157[%add3A_1153, %add3A_1123] : memref<128x128xf32, #tpu.memory_space<vmem>>[vector<16xi32>, vector<16xi32>], vector<16xf32>,
        %scatter3A_1159 = arith.constant 0 : i32
        %scatter3A_1160 = arith.constant 0 : i32
        %scatter3A_1161 = tpu.memref_slice %arg11[%rem3A_65, %scatter3A_1159, %scatter3A_1160] : memref<2x192x128xf32, #tpu.memory_space<vmem>> -> memref<1x192x128xf32, #tpu.memory_space<vmem>>
        %scatter3A_1162 = tpu.memref_squeeze %scatter3A_1161 : memref<1x192x128xf32, #tpu.memory_space<vmem>> -> memref<192x128xf32, #tpu.memory_space<vmem>>
        tpu.vector_store_idx %scatter3A_1162[%add3A_1126, %add3A_1153], %gather3A_1158 : memref<192x128xf32, #tpu.memory_space<vmem>>[vector<16xi32>, vector<16xi32>], vector<16xf32>,
        %add3A_1163 = arith.constant 48 : i32
        %add3A_1164 = vector.broadcast %add3A_1163 : i32 to vector<16xi32>
        %add3A_1165 = arith.addi %iota3A, %add3A_1164 : vector<16xi32>
        %gather3A_1166 = arith.constant 0 : i32
        %gather3A_1167 = arith.constant 0 : i32
        %gather3A_1168 = tpu.memref_slice %arg10[%rem3A_65, %gather3A_1166, %gather3A_1167] : memref<2x128x128xf32, #tpu.memory_space<vmem>> -> memref<1x128x128xf32, #tpu.memory_space<vmem>>
        %gather3A_1169 = tpu.memref_squeeze %gather3A_1168 : memref<1x128x128xf32, #tpu.memory_space<vmem>> -> memref<128x128xf32, #tpu.memory_space<vmem>>
        %gather3A_1170 = tpu.vector_load_idx %gather3A_1169[%add3A_1165, %add3A_1123] : memref<128x128xf32, #tpu.memory_space<vmem>>[vector<16xi32>, vector<16xi32>], vector<16xf32>,
        %scatter3A_1171 = arith.constant 0 : i32
        %scatter3A_1172 = arith.constant 0 : i32
        %scatter3A_1173 = tpu.memref_slice %arg11[%rem3A_65, %scatter3A_1171, %scatter3A_1172] : memref<2x192x128xf32, #tpu.memory_space<vmem>> -> memref<1x192x128xf32, #tpu.memory_space<vmem>>
        %scatter3A_1174 = tpu.memref_squeeze %scatter3A_1173 : memref<1x192x128xf32, #tpu.memory_space<vmem>> -> memref<192x128xf32, #tpu.memory_space<vmem>>
        tpu.vector_store_idx %scatter3A_1174[%add3A_1126, %add3A_1165], %gather3A_1170 : memref<192x128xf32, #tpu.memory_space<vmem>>[vector<16xi32>, vector<16xi32>], vector<16xf32>,
        %add3A_1175 = arith.constant 64 : i32
        %add3A_1176 = vector.broadcast %add3A_1175 : i32 to vector<16xi32>
        %add3A_1177 = arith.addi %iota3A, %add3A_1176 : vector<16xi32>
        %gather3A_1178 = arith.constant 0 : i32
        %gather3A_1179 = arith.constant 0 : i32
        %gather3A_1180 = tpu.memref_slice %arg10[%rem3A_65, %gather3A_1178, %gather3A_1179] : memref<2x128x128xf32, #tpu.memory_space<vmem>> -> memref<1x128x128xf32, #tpu.memory_space<vmem>>
        %gather3A_1181 = tpu.memref_squeeze %gather3A_1180 : memref<1x128x128xf32, #tpu.memory_space<vmem>> -> memref<128x128xf32, #tpu.memory_space<vmem>>
        %gather3A_1182 = tpu.vector_load_idx %gather3A_1181[%add3A_1177, %add3A_1123] : memref<128x128xf32, #tpu.memory_space<vmem>>[vector<16xi32>, vector<16xi32>], vector<16xf32>,
        %scatter3A_1183 = arith.constant 0 : i32
        %scatter3A_1184 = arith.constant 0 : i32
        %scatter3A_1185 = tpu.memref_slice %arg11[%rem3A_65, %scatter3A_1183, %scatter3A_1184] : memref<2x192x128xf32, #tpu.memory_space<vmem>> -> memref<1x192x128xf32, #tpu.memory_space<vmem>>
        %scatter3A_1186 = tpu.memref_squeeze %scatter3A_1185 : memref<1x192x128xf32, #tpu.memory_space<vmem>> -> memref<192x128xf32, #tpu.memory_space<vmem>>
        tpu.vector_store_idx %scatter3A_1186[%add3A_1126, %add3A_1177], %gather3A_1182 : memref<192x128xf32, #tpu.memory_space<vmem>>[vector<16xi32>, vector<16xi32>], vector<16xf32>,
        %add3A_1187 = arith.constant 80 : i32
        %add3A_1188 = vector.broadcast %add3A_1187 : i32 to vector<16xi32>
        %add3A_1189 = arith.addi %iota3A, %add3A_1188 : vector<16xi32>
        %gather3A_1190 = arith.constant 0 : i32
        %gather3A_1191 = arith.constant 0 : i32
        %gather3A_1192 = tpu.memref_slice %arg10[%rem3A_65, %gather3A_1190, %gather3A_1191] : memref<2x128x128xf32, #tpu.memory_space<vmem>> -> memref<1x128x128xf32, #tpu.memory_space<vmem>>
        %gather3A_1193 = tpu.memref_squeeze %gather3A_1192 : memref<1x128x128xf32, #tpu.memory_space<vmem>> -> memref<128x128xf32, #tpu.memory_space<vmem>>
        %gather3A_1194 = tpu.vector_load_idx %gather3A_1193[%add3A_1189, %add3A_1123] : memref<128x128xf32, #tpu.memory_space<vmem>>[vector<16xi32>, vector<16xi32>], vector<16xf32>,
        %scatter3A_1195 = arith.constant 0 : i32
        %scatter3A_1196 = arith.constant 0 : i32
        %scatter3A_1197 = tpu.memref_slice %arg11[%rem3A_65, %scatter3A_1195, %scatter3A_1196] : memref<2x192x128xf32, #tpu.memory_space<vmem>> -> memref<1x192x128xf32, #tpu.memory_space<vmem>>
        %scatter3A_1198 = tpu.memref_squeeze %scatter3A_1197 : memref<1x192x128xf32, #tpu.memory_space<vmem>> -> memref<192x128xf32, #tpu.memory_space<vmem>>
        tpu.vector_store_idx %scatter3A_1198[%add3A_1126, %add3A_1189], %gather3A_1194 : memref<192x128xf32, #tpu.memory_space<vmem>>[vector<16xi32>, vector<16xi32>], vector<16xf32>,
        %add3A_1199 = arith.constant 96 : i32
        %add3A_1200 = vector.broadcast %add3A_1199 : i32 to vector<16xi32>
        %add3A_1201 = arith.addi %iota3A, %add3A_1200 : vector<16xi32>
        %gather3A_1202 = arith.constant 0 : i32
        %gather3A_1203 = arith.constant 0 : i32
        %gather3A_1204 = tpu.memref_slice %arg10[%rem3A_65, %gather3A_1202, %gather3A_1203] : memref<2x128x128xf32, #tpu.memory_space<vmem>> -> memref<1x128x128xf32, #tpu.memory_space<vmem>>
        %gather3A_1205 = tpu.memref_squeeze %gather3A_1204 : memref<1x128x128xf32, #tpu.memory_space<vmem>> -> memref<128x128xf32, #tpu.memory_space<vmem>>
        %gather3A_1206 = tpu.vector_load_idx %gather3A_1205[%add3A_1201, %add3A_1123] : memref<128x128xf32, #tpu.memory_space<vmem>>[vector<16xi32>, vector<16xi32>], vector<16xf32>,
        %scatter3A_1207 = arith.constant 0 : i32
        %scatter3A_1208 = arith.constant 0 : i32
        %scatter3A_1209 = tpu.memref_slice %arg11[%rem3A_65, %scatter3A_1207, %scatter3A_1208] : memref<2x192x128xf32, #tpu.memory_space<vmem>> -> memref<1x192x128xf32, #tpu.memory_space<vmem>>
        %scatter3A_1210 = tpu.memref_squeeze %scatter3A_1209 : memref<1x192x128xf32, #tpu.memory_space<vmem>> -> memref<192x128xf32, #tpu.memory_space<vmem>>
        tpu.vector_store_idx %scatter3A_1210[%add3A_1126, %add3A_1201], %gather3A_1206 : memref<192x128xf32, #tpu.memory_space<vmem>>[vector<16xi32>, vector<16xi32>], vector<16xf32>,
        %add3A_1211 = arith.constant 112 : i32
        %add3A_1212 = vector.broadcast %add3A_1211 : i32 to vector<16xi32>
        %add3A_1213 = arith.addi %iota3A, %add3A_1212 : vector<16xi32>
        %gather3A_1214 = arith.constant 0 : i32
        %gather3A_1215 = arith.constant 0 : i32
        %gather3A_1216 = tpu.memref_slice %arg10[%rem3A_65, %gather3A_1214, %gather3A_1215] : memref<2x128x128xf32, #tpu.memory_space<vmem>> -> memref<1x128x128xf32, #tpu.memory_space<vmem>>
        %gather3A_1217 = tpu.memref_squeeze %gather3A_1216 : memref<1x128x128xf32, #tpu.memory_space<vmem>> -> memref<128x128xf32, #tpu.memory_space<vmem>>
        %gather3A_1218 = tpu.vector_load_idx %gather3A_1217[%add3A_1213, %add3A_1123] : memref<128x128xf32, #tpu.memory_space<vmem>>[vector<16xi32>, vector<16xi32>], vector<16xf32>,
        %scatter3A_1219 = arith.constant 0 : i32
        %scatter3A_1220 = arith.constant 0 : i32
        %scatter3A_1221 = tpu.memref_slice %arg11[%rem3A_65, %scatter3A_1219, %scatter3A_1220] : memref<2x192x128xf32, #tpu.memory_space<vmem>> -> memref<1x192x128xf32, #tpu.memory_space<vmem>>
        %scatter3A_1222 = tpu.memref_squeeze %scatter3A_1221 : memref<1x192x128xf32, #tpu.memory_space<vmem>> -> memref<192x128xf32, #tpu.memory_space<vmem>>
        tpu.vector_store_idx %scatter3A_1222[%add3A_1126, %add3A_1213], %gather3A_1218 : memref<192x128xf32, #tpu.memory_space<vmem>>[vector<16xi32>, vector<16xi32>], vector<16xf32>,
        %add3A_1223 = arith.constant 48 : i32
        %add3A_1224 = vector.broadcast %add3A_1223 : i32 to vector<16xi32>
        %add3A_1225 = arith.addi %rem3A_126, %add3A_1224 : vector<16xi32>
        %add3A_1226 = arith.constant 128 : i32
        %add3A_1227 = vector.broadcast %add3A_1226 : i32 to vector<16xi32>
        %add3A_1228 = arith.addi %add3A_1225, %add3A_1227 : vector<16xi32>
        %add3A_1229 = arith.constant 0 : i32
        %add3A_1230 = vector.broadcast %add3A_1229 : i32 to vector<16xi32>
        %add3A_1231 = arith.addi %iota3A, %add3A_1230 : vector<16xi32>
        %gather3A_1232 = arith.constant 0 : i32
        %gather3A_1233 = arith.constant 0 : i32
        %gather3A_1234 = tpu.memref_slice %arg10[%rem3A_65, %gather3A_1232, %gather3A_1233] : memref<2x128x128xf32, #tpu.memory_space<vmem>> -> memref<1x128x128xf32, #tpu.memory_space<vmem>>
        %gather3A_1235 = tpu.memref_squeeze %gather3A_1234 : memref<1x128x128xf32, #tpu.memory_space<vmem>> -> memref<128x128xf32, #tpu.memory_space<vmem>>
        %gather3A_1236 = tpu.vector_load_idx %gather3A_1235[%add3A_1231, %add3A_1225] : memref<128x128xf32, #tpu.memory_space<vmem>>[vector<16xi32>, vector<16xi32>], vector<16xf32>,
        %scatter3A_1237 = arith.constant 0 : i32
        %scatter3A_1238 = arith.constant 0 : i32
        %scatter3A_1239 = tpu.memref_slice %arg11[%rem3A_65, %scatter3A_1237, %scatter3A_1238] : memref<2x192x128xf32, #tpu.memory_space<vmem>> -> memref<1x192x128xf32, #tpu.memory_space<vmem>>
        %scatter3A_1240 = tpu.memref_squeeze %scatter3A_1239 : memref<1x192x128xf32, #tpu.memory_space<vmem>> -> memref<192x128xf32, #tpu.memory_space<vmem>>
        tpu.vector_store_idx %scatter3A_1240[%add3A_1228, %add3A_1231], %gather3A_1236 : memref<192x128xf32, #tpu.memory_space<vmem>>[vector<16xi32>, vector<16xi32>], vector<16xf32>,
        %add3A_1241 = arith.constant 16 : i32
        %add3A_1242 = vector.broadcast %add3A_1241 : i32 to vector<16xi32>
        %add3A_1243 = arith.addi %iota3A, %add3A_1242 : vector<16xi32>
        %gather3A_1244 = arith.constant 0 : i32
        %gather3A_1245 = arith.constant 0 : i32
        %gather3A_1246 = tpu.memref_slice %arg10[%rem3A_65, %gather3A_1244, %gather3A_1245] : memref<2x128x128xf32, #tpu.memory_space<vmem>> -> memref<1x128x128xf32, #tpu.memory_space<vmem>>
        %gather3A_1247 = tpu.memref_squeeze %gather3A_1246 : memref<1x128x128xf32, #tpu.memory_space<vmem>> -> memref<128x128xf32, #tpu.memory_space<vmem>>
        %gather3A_1248 = tpu.vector_load_idx %gather3A_1247[%add3A_1243, %add3A_1225] : memref<128x128xf32, #tpu.memory_space<vmem>>[vector<16xi32>, vector<16xi32>], vector<16xf32>,
        %scatter3A_1249 = arith.constant 0 : i32
        %scatter3A_1250 = arith.constant 0 : i32
        %scatter3A_1251 = tpu.memref_slice %arg11[%rem3A_65, %scatter3A_1249, %scatter3A_1250] : memref<2x192x128xf32, #tpu.memory_space<vmem>> -> memref<1x192x128xf32, #tpu.memory_space<vmem>>
        %scatter3A_1252 = tpu.memref_squeeze %scatter3A_1251 : memref<1x192x128xf32, #tpu.memory_space<vmem>> -> memref<192x128xf32, #tpu.memory_space<vmem>>
        tpu.vector_store_idx %scatter3A_1252[%add3A_1228, %add3A_1243], %gather3A_1248 : memref<192x128xf32, #tpu.memory_space<vmem>>[vector<16xi32>, vector<16xi32>], vector<16xf32>,
        %add3A_1253 = arith.constant 32 : i32
        %add3A_1254 = vector.broadcast %add3A_1253 : i32 to vector<16xi32>
        %add3A_1255 = arith.addi %iota3A, %add3A_1254 : vector<16xi32>
        %gather3A_1256 = arith.constant 0 : i32
        %gather3A_1257 = arith.constant 0 : i32
        %gather3A_1258 = tpu.memref_slice %arg10[%rem3A_65, %gather3A_1256, %gather3A_1257] : memref<2x128x128xf32, #tpu.memory_space<vmem>> -> memref<1x128x128xf32, #tpu.memory_space<vmem>>
        %gather3A_1259 = tpu.memref_squeeze %gather3A_1258 : memref<1x128x128xf32, #tpu.memory_space<vmem>> -> memref<128x128xf32, #tpu.memory_space<vmem>>
        %gather3A_1260 = tpu.vector_load_idx %gather3A_1259[%add3A_1255, %add3A_1225] : memref<128x128xf32, #tpu.memory_space<vmem>>[vector<16xi32>, vector<16xi32>], vector<16xf32>,
        %scatter3A_1261 = arith.constant 0 : i32
        %scatter3A_1262 = arith.constant 0 : i32
        %scatter3A_1263 = tpu.memref_slice %arg11[%rem3A_65, %scatter3A_1261, %scatter3A_1262] : memref<2x192x128xf32, #tpu.memory_space<vmem>> -> memref<1x192x128xf32, #tpu.memory_space<vmem>>
        %scatter3A_1264 = tpu.memref_squeeze %scatter3A_1263 : memref<1x192x128xf32, #tpu.memory_space<vmem>> -> memref<192x128xf32, #tpu.memory_space<vmem>>
        tpu.vector_store_idx %scatter3A_1264[%add3A_1228, %add3A_1255], %gather3A_1260 : memref<192x128xf32, #tpu.memory_space<vmem>>[vector<16xi32>, vector<16xi32>], vector<16xf32>,
        %add3A_1265 = arith.constant 48 : i32
        %add3A_1266 = vector.broadcast %add3A_1265 : i32 to vector<16xi32>
        %add3A_1267 = arith.addi %iota3A, %add3A_1266 : vector<16xi32>
        %gather3A_1268 = arith.constant 0 : i32
        %gather3A_1269 = arith.constant 0 : i32
        %gather3A_1270 = tpu.memref_slice %arg10[%rem3A_65, %gather3A_1268, %gather3A_1269] : memref<2x128x128xf32, #tpu.memory_space<vmem>> -> memref<1x128x128xf32, #tpu.memory_space<vmem>>
        %gather3A_1271 = tpu.memref_squeeze %gather3A_1270 : memref<1x128x128xf32, #tpu.memory_space<vmem>> -> memref<128x128xf32, #tpu.memory_space<vmem>>
        %gather3A_1272 = tpu.vector_load_idx %gather3A_1271[%add3A_1267, %add3A_1225] : memref<128x128xf32, #tpu.memory_space<vmem>>[vector<16xi32>, vector<16xi32>], vector<16xf32>,
        %scatter3A_1273 = arith.constant 0 : i32
        %scatter3A_1274 = arith.constant 0 : i32
        %scatter3A_1275 = tpu.memref_slice %arg11[%rem3A_65, %scatter3A_1273, %scatter3A_1274] : memref<2x192x128xf32, #tpu.memory_space<vmem>> -> memref<1x192x128xf32, #tpu.memory_space<vmem>>
        %scatter3A_1276 = tpu.memref_squeeze %scatter3A_1275 : memref<1x192x128xf32, #tpu.memory_space<vmem>> -> memref<192x128xf32, #tpu.memory_space<vmem>>
        tpu.vector_store_idx %scatter3A_1276[%add3A_1228, %add3A_1267], %gather3A_1272 : memref<192x128xf32, #tpu.memory_space<vmem>>[vector<16xi32>, vector<16xi32>], vector<16xf32>,
        %add3A_1277 = arith.constant 64 : i32
        %add3A_1278 = vector.broadcast %add3A_1277 : i32 to vector<16xi32>
        %add3A_1279 = arith.addi %iota3A, %add3A_1278 : vector<16xi32>
        %gather3A_1280 = arith.constant 0 : i32
        %gather3A_1281 = arith.constant 0 : i32
        %gather3A_1282 = tpu.memref_slice %arg10[%rem3A_65, %gather3A_1280, %gather3A_1281] : memref<2x128x128xf32, #tpu.memory_space<vmem>> -> memref<1x128x128xf32, #tpu.memory_space<vmem>>
        %gather3A_1283 = tpu.memref_squeeze %gather3A_1282 : memref<1x128x128xf32, #tpu.memory_space<vmem>> -> memref<128x128xf32, #tpu.memory_space<vmem>>
        %gather3A_1284 = tpu.vector_load_idx %gather3A_1283[%add3A_1279, %add3A_1225] : memref<128x128xf32, #tpu.memory_space<vmem>>[vector<16xi32>, vector<16xi32>], vector<16xf32>,
        %scatter3A_1285 = arith.constant 0 : i32
        %scatter3A_1286 = arith.constant 0 : i32
        %scatter3A_1287 = tpu.memref_slice %arg11[%rem3A_65, %scatter3A_1285, %scatter3A_1286] : memref<2x192x128xf32, #tpu.memory_space<vmem>> -> memref<1x192x128xf32, #tpu.memory_space<vmem>>
        %scatter3A_1288 = tpu.memref_squeeze %scatter3A_1287 : memref<1x192x128xf32, #tpu.memory_space<vmem>> -> memref<192x128xf32, #tpu.memory_space<vmem>>
        tpu.vector_store_idx %scatter3A_1288[%add3A_1228, %add3A_1279], %gather3A_1284 : memref<192x128xf32, #tpu.memory_space<vmem>>[vector<16xi32>, vector<16xi32>], vector<16xf32>,
        %add3A_1289 = arith.constant 80 : i32
        %add3A_1290 = vector.broadcast %add3A_1289 : i32 to vector<16xi32>
        %add3A_1291 = arith.addi %iota3A, %add3A_1290 : vector<16xi32>
        %gather3A_1292 = arith.constant 0 : i32
        %gather3A_1293 = arith.constant 0 : i32
        %gather3A_1294 = tpu.memref_slice %arg10[%rem3A_65, %gather3A_1292, %gather3A_1293] : memref<2x128x128xf32, #tpu.memory_space<vmem>> -> memref<1x128x128xf32, #tpu.memory_space<vmem>>
        %gather3A_1295 = tpu.memref_squeeze %gather3A_1294 : memref<1x128x128xf32, #tpu.memory_space<vmem>> -> memref<128x128xf32, #tpu.memory_space<vmem>>
        %gather3A_1296 = tpu.vector_load_idx %gather3A_1295[%add3A_1291, %add3A_1225] : memref<128x128xf32, #tpu.memory_space<vmem>>[vector<16xi32>, vector<16xi32>], vector<16xf32>,
        %scatter3A_1297 = arith.constant 0 : i32
        %scatter3A_1298 = arith.constant 0 : i32
        %scatter3A_1299 = tpu.memref_slice %arg11[%rem3A_65, %scatter3A_1297, %scatter3A_1298] : memref<2x192x128xf32, #tpu.memory_space<vmem>> -> memref<1x192x128xf32, #tpu.memory_space<vmem>>
        %scatter3A_1300 = tpu.memref_squeeze %scatter3A_1299 : memref<1x192x128xf32, #tpu.memory_space<vmem>> -> memref<192x128xf32, #tpu.memory_space<vmem>>
        tpu.vector_store_idx %scatter3A_1300[%add3A_1228, %add3A_1291], %gather3A_1296 : memref<192x128xf32, #tpu.memory_space<vmem>>[vector<16xi32>, vector<16xi32>], vector<16xf32>,
        %add3A_1301 = arith.constant 96 : i32
        %add3A_1302 = vector.broadcast %add3A_1301 : i32 to vector<16xi32>
        %add3A_1303 = arith.addi %iota3A, %add3A_1302 : vector<16xi32>
        %gather3A_1304 = arith.constant 0 : i32
        %gather3A_1305 = arith.constant 0 : i32
        %gather3A_1306 = tpu.memref_slice %arg10[%rem3A_65, %gather3A_1304, %gather3A_1305] : memref<2x128x128xf32, #tpu.memory_space<vmem>> -> memref<1x128x128xf32, #tpu.memory_space<vmem>>
        %gather3A_1307 = tpu.memref_squeeze %gather3A_1306 : memref<1x128x128xf32, #tpu.memory_space<vmem>> -> memref<128x128xf32, #tpu.memory_space<vmem>>
        %gather3A_1308 = tpu.vector_load_idx %gather3A_1307[%add3A_1303, %add3A_1225] : memref<128x128xf32, #tpu.memory_space<vmem>>[vector<16xi32>, vector<16xi32>], vector<16xf32>,
        %scatter3A_1309 = arith.constant 0 : i32
        %scatter3A_1310 = arith.constant 0 : i32
        %scatter3A_1311 = tpu.memref_slice %arg11[%rem3A_65, %scatter3A_1309, %scatter3A_1310] : memref<2x192x128xf32, #tpu.memory_space<vmem>> -> memref<1x192x128xf32, #tpu.memory_space<vmem>>
        %scatter3A_1312 = tpu.memref_squeeze %scatter3A_1311 : memref<1x192x128xf32, #tpu.memory_space<vmem>> -> memref<192x128xf32, #tpu.memory_space<vmem>>
        tpu.vector_store_idx %scatter3A_1312[%add3A_1228, %add3A_1303], %gather3A_1308 : memref<192x128xf32, #tpu.memory_space<vmem>>[vector<16xi32>, vector<16xi32>], vector<16xf32>,
        %add3A_1313 = arith.constant 112 : i32
        %add3A_1314 = vector.broadcast %add3A_1313 : i32 to vector<16xi32>
        %add3A_1315 = arith.addi %iota3A, %add3A_1314 : vector<16xi32>
        %gather3A_1316 = arith.constant 0 : i32
        %gather3A_1317 = arith.constant 0 : i32
        %gather3A_1318 = tpu.memref_slice %arg10[%rem3A_65, %gather3A_1316, %gather3A_1317] : memref<2x128x128xf32, #tpu.memory_space<vmem>> -> memref<1x128x128xf32, #tpu.memory_space<vmem>>
        %gather3A_1319 = tpu.memref_squeeze %gather3A_1318 : memref<1x128x128xf32, #tpu.memory_space<vmem>> -> memref<128x128xf32, #tpu.memory_space<vmem>>
        %gather3A_1320 = tpu.vector_load_idx %gather3A_1319[%add3A_1315, %add3A_1225] : memref<128x128xf32, #tpu.memory_space<vmem>>[vector<16xi32>, vector<16xi32>], vector<16xf32>,
        %scatter3A_1321 = arith.constant 0 : i32
        %scatter3A_1322 = arith.constant 0 : i32
        %scatter3A_1323 = tpu.memref_slice %arg11[%rem3A_65, %scatter3A_1321, %scatter3A_1322] : memref<2x192x128xf32, #tpu.memory_space<vmem>> -> memref<1x192x128xf32, #tpu.memory_space<vmem>>
        %scatter3A_1324 = tpu.memref_squeeze %scatter3A_1323 : memref<1x192x128xf32, #tpu.memory_space<vmem>> -> memref<192x128xf32, #tpu.memory_space<vmem>>
        tpu.vector_store_idx %scatter3A_1324[%add3A_1228, %add3A_1315], %gather3A_1320 : memref<192x128xf32, #tpu.memory_space<vmem>>[vector<16xi32>, vector<16xi32>], vector<16xf32>,
      }
      %scan3A_103 = arith.constant 16 : i32
      %mul3A_104 = arith.constant 128 : i32
      %mul3A_105 = arith.muli %scan3A_64, %mul3A_104 : i32
      %add3A_106 = arith.addi %mul3A_2, %mul3A_105 : i32
      %dma_start3A_107 = arith.constant 0 : i32
      %dma_start3A_108 = arith.constant 0 : i32
      %dma_start3A_109 = tpu.memref_slice %arg11[%rem3A_65, %dma_start3A_107, %dma_start3A_108] : memref<2x192x128xf32, #tpu.memory_space<vmem>> -> memref<1x192x128xf32, #tpu.memory_space<vmem>>
      %dma_start3A_110 = tpu.memref_squeeze %dma_start3A_109 : memref<1x192x128xf32, #tpu.memory_space<vmem>> -> memref<192x128xf32, #tpu.memory_space<vmem>>
      %dma_start3A_111 = arith.constant 0 : i32
      %dma_start3A_112 = tpu.memref_slice %arg6[%dma_start3A_111, %add3A_106] : memref<192x16384xf32, #tpu.memory_space<hbm>> -> memref<192x128xf32, #tpu.memory_space<hbm>>
      %dma_start3A_113 = tpu.memref_slice %arg14[%rem3A_65] : memref<2x!tpu.dma_semaphore, #tpu.memory_space<semaphore_mem>> -> memref<1x!tpu.dma_semaphore, #tpu.memory_space<semaphore_mem>>
      %dma_start3A_114 = tpu.memref_squeeze %dma_start3A_113 : memref<1x!tpu.dma_semaphore, #tpu.memory_space<semaphore_mem>> -> memref<!tpu.dma_semaphore, #tpu.memory_space<semaphore_mem>>
      %dma_start3A_115 = arith.constant 0 : i32
      %dma_start3A_116 = tpu.memref_slice %arg6[%dma_start3A_115, %add3A_106] : memref<192x16384xf32, #tpu.memory_space<hbm>> -> memref<192x128xf32, #tpu.memory_space<hbm>>
      %dma_start3A_117 = arith.constant 0 : i32
      %dma_start3A_118 = arith.constant 0 : i32
      %dma_start3A_119 = tpu.memref_slice %arg11[%rem3A_65, %dma_start3A_117, %dma_start3A_118] : memref<2x192x128xf32, #tpu.memory_space<vmem>> -> memref<1x192x128xf32, #tpu.memory_space<vmem>>
      %dma_start3A_120 = tpu.memref_squeeze %dma_start3A_119 : memref<1x192x128xf32, #tpu.memory_space<vmem>> -> memref<192x128xf32, #tpu.memory_space<vmem>>
      tpu.enqueue_dma source(%dma_start3A_120 : memref<192x128xf32, #tpu.memory_space<vmem>>) target(%dma_start3A_116 : memref<192x128xf32, #tpu.memory_space<hbm>>) target_semaphore(%dma_start3A_114 : memref<!tpu.dma_semaphore, #tpu.memory_space<semaphore_mem>>)
    }
    %scan3A_32 = arith.constant 4 : i32
    %dma_wait3A = arith.constant 0 : i32
    %dma_wait3A_33 = arith.constant 0 : i32
    %dma_wait3A_34 = arith.constant 0 : i32
    %dma_wait3A_35 = arith.constant 0 : i32
    %dma_wait3A_36 = tpu.memref_slice %arg11[%dma_wait3A, %dma_wait3A_34, %dma_wait3A_35] : memref<2x192x128xf32, #tpu.memory_space<vmem>> -> memref<1x192x128xf32, #tpu.memory_space<vmem>>
    %dma_wait3A_37 = tpu.memref_squeeze %dma_wait3A_36 : memref<1x192x128xf32, #tpu.memory_space<vmem>> -> memref<192x128xf32, #tpu.memory_space<vmem>>
    %dma_wait3A_38 = arith.constant 0 : i32
    %dma_wait3A_39 = tpu.memref_slice %arg6[%dma_wait3A_38, %mul3A_2] : memref<192x16384xf32, #tpu.memory_space<hbm>> -> memref<192x128xf32, #tpu.memory_space<hbm>>
    %dma_wait3A_40 = tpu.memref_slice %arg14[%dma_wait3A_33] : memref<2x!tpu.dma_semaphore, #tpu.memory_space<semaphore_mem>> -> memref<1x!tpu.dma_semaphore, #tpu.memory_space<semaphore_mem>>
    %dma_wait3A_41 = tpu.memref_squeeze %dma_wait3A_40 : memref<1x!tpu.dma_semaphore, #tpu.memory_space<semaphore_mem>> -> memref<!tpu.dma_semaphore, #tpu.memory_space<semaphore_mem>>
    %dma_wait3A_42 = arith.constant 0 : i32
    %dma_wait3A_43 = tpu.memref_slice %arg6[%dma_wait3A_42, %mul3A_2] : memref<192x16384xf32, #tpu.memory_space<hbm>> -> memref<192x128xf32, #tpu.memory_space<hbm>>
    %dma_wait3A_44 = arith.constant 0 : i32
    %dma_wait3A_45 = arith.constant 0 : i32
    %dma_wait3A_46 = tpu.memref_slice %arg11[%dma_wait3A, %dma_wait3A_44, %dma_wait3A_45] : memref<2x192x128xf32, #tpu.memory_space<vmem>> -> memref<1x192x128xf32, #tpu.memory_space<vmem>>
    %dma_wait3A_47 = tpu.memref_squeeze %dma_wait3A_46 : memref<1x192x128xf32, #tpu.memory_space<vmem>> -> memref<192x128xf32, #tpu.memory_space<vmem>>
    tpu.wait_dma2 semaphore(%dma_wait3A_41 : memref<!tpu.dma_semaphore, #tpu.memory_space<semaphore_mem>>) src(%dma_wait3A_47 : memref<192x128xf32, #tpu.memory_space<vmem>>) dst(%dma_wait3A_43 : memref<192x128xf32, #tpu.memory_space<hbm>>)
    %dma_wait3A_48 = arith.constant 1 : i32
    %dma_wait3A_49 = arith.constant 1 : i32
    %dma_wait3A_50 = arith.constant 0 : i32
    %dma_wait3A_51 = arith.constant 0 : i32
    %dma_wait3A_52 = tpu.memref_slice %arg11[%dma_wait3A_48, %dma_wait3A_50, %dma_wait3A_51] : memref<2x192x128xf32, #tpu.memory_space<vmem>> -> memref<1x192x128xf32, #tpu.memory_space<vmem>>
    %dma_wait3A_53 = tpu.memref_squeeze %dma_wait3A_52 : memref<1x192x128xf32, #tpu.memory_space<vmem>> -> memref<192x128xf32, #tpu.memory_space<vmem>>
    %dma_wait3A_54 = arith.constant 0 : i32
    %dma_wait3A_55 = tpu.memref_slice %arg6[%dma_wait3A_54, %mul3A_2] : memref<192x16384xf32, #tpu.memory_space<hbm>> -> memref<192x128xf32, #tpu.memory_space<hbm>>
    %dma_wait3A_56 = tpu.memref_slice %arg14[%dma_wait3A_49] : memref<2x!tpu.dma_semaphore, #tpu.memory_space<semaphore_mem>> -> memref<1x!tpu.dma_semaphore, #tpu.memory_space<semaphore_mem>>
    %dma_wait3A_57 = tpu.memref_squeeze %dma_wait3A_56 : memref<1x!tpu.dma_semaphore, #tpu.memory_space<semaphore_mem>> -> memref<!tpu.dma_semaphore, #tpu.memory_space<semaphore_mem>>
    %dma_wait3A_58 = arith.constant 0 : i32
    %dma_wait3A_59 = tpu.memref_slice %arg6[%dma_wait3A_58, %mul3A_2] : memref<192x16384xf32, #tpu.memory_space<hbm>> -> memref<192x128xf32, #tpu.memory_space<hbm>>
    %dma_wait3A_60 = arith.constant 0 : i32
    %dma_wait3A_61 = arith.constant 0 : i32
    %dma_wait3A_62 = tpu.memref_slice %arg11[%dma_wait3A_48, %dma_wait3A_60, %dma_wait3A_61] : memref<2x192x128xf32, #tpu.memory_space<vmem>> -> memref<1x192x128xf32, #tpu.memory_space<vmem>>
    %dma_wait3A_63 = tpu.memref_squeeze %dma_wait3A_62 : memref<1x192x128xf32, #tpu.memory_space<vmem>> -> memref<192x128xf32, #tpu.memory_space<vmem>>
    tpu.wait_dma2 semaphore(%dma_wait3A_57 : memref<!tpu.dma_semaphore, #tpu.memory_space<semaphore_mem>>) src(%dma_wait3A_63 : memref<192x128xf32, #tpu.memory_space<vmem>>) dst(%dma_wait3A_59 : memref<192x128xf32, #tpu.memory_space<hbm>>)
    return
  }
}

</mosaic_0001>

<sc_bundles>
// kernel: kernel.3.cloned.1.call-start
scs
__scs_entry_jumppad:
0x0: {  	(pc) =	sbr.rel $0x88, $3  }
0x1: {  	(tag) =	ssettag $0x0;
	lr =	simm.s32 $0x1  }
0x2: {  	[smem:$0x3F9D] =	sst lr;
	_ =	strace $0xD0000000  }
0x3: {  	_ = 	snop  }
0x4: {  	_ = 	snop  }
0x5: {  	_ = 	snop  }
0x6: {  	_ = 	snop  }
0x7: {  	_ = 	snop  }
__scs_overlays_trampoline_lowered:
0x8: {  	[smem:$0x3FAC] =	sst s0  }
0x9: {  	[smem:$0x3FAD] =	sst s1  }
0xa: {  	[smem:$0x3FAE] =	sst s2  }
0xb: {  	[smem:$0x3FAF] =	sst s3  }
0xc: {  	[smem:$0x3FB0] =	sst s4  }
0xd: {  	[smem:$0x3FB1] =	sst s5  }
0xe: {  	[smem:$0x3FB2] =	sst s6  }
0xf: {  	[smem:$0x3FB3] =	sst s7  }
0x10: {  	[smem:$0x3FB4] =	sst s8  }
0x11: {  	[smem:$0x3FB5] =	sst s9;
	s0 =	simm.s32 @!p0 $0x0  }
0x12: {  	s1 =	sld [smem:$0x3F9B];
	s0 =	simm.s32 @p0 $0x1  }
0x13: {  	[smem:$0x3FB6] =	sst s0;
	s0 =	simm.s32 @!p1 $0x0  }
0x14: {  	s2 =	sld [smem:$0x3F9A];
	s0 =	simm.s32 @p1 $0x1  }
0x15: {  	[smem:$0x3FB7] =	sst s0;
	s0 =	simm.s32 @!p2 $0x0  }
0x16: {  	s3 =	sld [smem:$0x3FDB];
	s0 =	simm.s32 @p2 $0x1  }
0x17: {  	s4 =	simm.s32 $0x1BF5;
	[smem:$0x3FB9] =	sst s0  }
0x18: {  	s0 =	sld [smem:$0x3F9C];
	_ =	swait.ge [sflag:s4], $0x0  }
0x19: {  	s7 =	sld [smem:$0x3F9D]  }
0x1a: {  	s8 =	sadd.s32 $0xFFFFE003, lr  }
0x1b: {  	s9 =	sadd.s32 $0xFFFFFEF7, lr;
	s5 =	simm.s32 $0xFFFFFFFF;
	p2 =	slt.u32 s8, $0xFFFFF086  }
0x1c: {  	p1 =	slt.u32 s9, $0xF7A;
	s5 =	simm.s32 @!p2 $0x0  }
0x1d: {  	s5 =	simm.s32 @p1 $0x1;
	p0 =	seq.s32 s7, s2  }
0x1e: {  	s7 =	smul.u32 @!p0 $0xF7A, s2;
	p2 =	seq.s32 @!p0 s5, $0x0  }
0x1f: {  	s9 =	smul.u32 $0xF7A, s1;
	s8 =	simm.s32 @!p0 $0x1BF5;
	p2 =	por !p2, p0  }
0x20: {  	[sflag:s8] =	ssyncset.s32 @!p0 $0xFFFFF086;
	s6 =	sadd.s32 @!p0 s3, s7;
	s7 =	simm.s32 @!p0 $0x108  }
0x21: {  	s3 =	sadd.s32 s3, s9;
	s6 =	sadd.s32 @!p0 $0x88, s6;
	s7 =	simm.s32 @p2 $0x1082  }
0x22: {  	[simem:s7], [sflag:s8] =	dma.local @!p0 [hbm:s6], $0xF7A  }
0x23: {  	s9 =	sor.u32 $0xD0000000, s2;
	s6 =	simm.s32 $0x108;
	_ =	swait.ge @!p0 [sflag:s8], $0x0  }
0x24: {  	s3 =	sadd.s32 $0x88, s3;
	s6 =	simm.s32 @!p1 $0x1082;
	[sflag:s4] =	ssyncset.s32 $0xFFFFF086  }
0x25: {  	[simem:s6], [sflag:s4] =	dma.local [hbm:s3], $0xF7A  }
0x26: {  	[smem:$0x3F9D] =	sst s1;
	(tag) =	ssettag s2;
	_ =	strace s9  }
0x27: {  	s1 =	sld [smem:$0x3FAD]  }
0x28: {  	s2 =	sld [smem:$0x3FAE]  }
0x29: {  	s4 =	sld [smem:$0x3FB0]  }
0x2a: {  	p0 =	seq.s32 s5, $0x0;
	s5 =	sld [smem:$0x3FB1]  }
0x2b: {  	s6 =	sld [smem:$0x3FB2]  }
0x2c: {  	s7 =	sld [smem:$0x3FB3]  }
0x2d: {  	s3 =	simm.s32 $0x108;
	s8 =	sld [smem:$0x3FB4]  }
0x2e: {  	s3 =	simm.s32 @!p0 $0x1082;
	s9 =	sld [smem:$0x3FB5]  }
0x2f: {  	lr =	sadd.s32 s0, s3;
	s0 =	sld [smem:$0x3FAC]  }
0x30: {  	s3 =	sld [smem:$0x3FAF]  }
0x31: {  	[smem:$0x3FB8] =	sst s10  }
0x32: {  	s10 =	sld [smem:$0x3FB6];
	_ =	sdelay $0x3  }
0x33: {  	p0 =	seq.s32 s10, $0x1;
	s10 =	sld [smem:$0x3FB8];
	_ =	sdelay $0x3  }
0x34: {  	[smem:$0x3FB8] =	sst s10  }
0x35: {  	s10 =	sld [smem:$0x3FB7];
	_ =	sdelay $0x3  }
0x36: {  	p1 =	seq.s32 s10, $0x1;
	s10 =	sld [smem:$0x3FB8];
	_ =	sdelay $0x3  }
0x37: {  	[smem:$0x3FB8] =	sst s10  }
0x38: {  	s10 =	sld [smem:$0x3FB9]  }
0x39: {  	_ = 	snop;
	(pc) =	sbr.ind lr, $3  }
0x3a: {  	_ = 	snop  }
0x3b: {  	_ = 	snop  }
0x3c: {  	p2 =	seq.s32 s10, $0x1;
	s10 =	sld [smem:$0x3FB8]  }
0x3d: {  	_ =	shalt  }
0x3e: {  	_ =	shalt  }
0x3f: {  	_ =	shalt  }
0x40: {  	_ =	shalt  }
0x41: {  	_ =	shalt  }
0x42: {  	_ =	shalt  }
0x43: {  	_ =	shalt  }
0x44: {  	_ =	shalt  }
0x45: {  	_ =	shalt  }
0x46: {  	_ =	shalt  }
0x47: {  	_ =	shalt  }
0x48: {  	_ =	shalt  }
0x49: {  	_ =	shalt  }
0x4a: {  	_ =	shalt  }
0x4b: {  	_ =	shalt  }
0x4c: {  	_ =	shalt  }
0x4d: {  	_ =	shalt  }
0x4e: {  	_ =	shalt  }
0x4f: {  	_ =	shalt  }
0x50: {  	_ =	shalt  }
0x51: {  	_ =	shalt  }
0x52: {  	_ =	shalt  }
0x53: {  	_ =	shalt  }
0x54: {  	_ =	shalt  }
0x55: {  	_ =	shalt  }
0x56: {  	_ =	shalt  }
0x57: {  	_ =	shalt  }
0x58: {  	_ =	shalt  }
0x59: {  	_ =	shalt  }
0x5a: {  	_ =	shalt  }
0x5b: {  	_ =	shalt  }
0x5c: {  	_ =	shalt  }
0x5d: {  	_ =	shalt  }
0x5e: {  	_ =	shalt  }
0x5f: {  	_ =	shalt  }
0x60: {  	_ =	shalt  }
0x61: {  	_ =	shalt  }
0x62: {  	_ =	shalt  }
0x63: {  	_ =	shalt  }
0x64: {  	_ =	shalt  }
0x65: {  	_ =	shalt  }
0x66: {  	_ =	shalt  }
0x67: {  	_ =	shalt  }
0x68: {  	_ =	shalt  }
0x69: {  	_ =	shalt  }
0x6a: {  	_ =	shalt  }
0x6b: {  	_ =	shalt  }
0x6c: {  	_ =	shalt  }
0x6d: {  	_ =	shalt  }
0x6e: {  	_ =	shalt  }
0x6f: {  	_ =	shalt  }
0x70: {  	_ =	shalt  }
0x71: {  	_ =	shalt  }
0x72: {  	_ =	shalt  }
0x73: {  	_ =	shalt  }
0x74: {  	_ =	shalt  }
0x75: {  	_ =	shalt  }
0x76: {  	_ =	shalt  }
0x77: {  	_ =	shalt  }
0x78: {  	_ =	shalt  }
0x79: {  	_ =	shalt  }
0x7a: {  	_ =	shalt  }
0x7b: {  	_ =	shalt  }
0x7c: {  	_ =	shalt  }
0x7d: {  	_ =	shalt  }
0x7e: {  	_ =	shalt  }
0x7f: {  	_ =	shalt  }
0x80: {  	_ =	shalt  }
0x81: {  	_ =	shalt  }
0x82: {  	_ =	shalt  }
0x83: {  	_ =	shalt  }
0x84: {  	_ =	shalt  }
0x85: {  	_ =	shalt  }
0x86: {  	_ =	shalt  }
0x87: {  	_ =	shalt  }
.Lfunc_end0:
.L_simem_size_0:
called_computation_lowered:
.L_overlay_start_0:
0x88: {  	s2 =	sld [smem:$0x3FD9]  }
0x89: {  	s3 =	sld [smem:$0x3FFE];
	_ =	sdelay $0x1  }
0x8a: {  	s1 =	srdreg.scid  }
0x8b: {  	s0 =	sand.u32 $0x1, s1  }
0x8c: {  	s17 =	sshll.u32 s0, $0xA;
	s2 =	sadd.s32 s3, s2  }
0x8d: {  	s2 =	sadd.s32 s2, s17  }
0x8e: {  	[smem:$0x3FC4] =	sst s2  }
0x8f: {  	_ = 	snop  }
0x90: {  	s2 =	sld [smem:$0x3FC9]  }
0x91: {  	s18 =	sld [smem:$0x3FC8]  }
0x92: {  	s4 =	sld [smem:$0x3FC7]  }
0x93: {  	s5 =	sld [smem:$0x3FD0];
	(tm) =	ssettm $0x1  }
0x94: {  	s6 =	sld [smem:$0x3FFB];
	_ =	sdelay $0x3  }
0x95: {  	_ =	strace s6  }
0x96: {  	s6 =	sld [smem:$0x3FFC];
	_ =	sdelay $0x3  }
0x97: {  	_ =	strace s6  }
0x98: {  	s6 =	sld [smem:$0x3FFD];
	_ =	sdelay $0x3  }
0x99: {  	_ =	strace s6  }
0x9a: {  	_ =	strace $0x8FFFFFFF  }
0x9b: {  	s19 =	sld [smem:$0x3FDB];
	_ =	sdelay $0x1  }
0x9c: {  	s7 =	simm.s32 $_scs_section_size  }
0x9d: {  	s8 =	simm.s32 $_size__tile_overlayer_lowered;
	s9 =	simm.s32 $_tile_overlayer_lowered  }
0x9e: {  	s22 =	simm.s32 $0x1BFF;
	s21 =	sshll.u32 s9, $0x1;
	s6 =	sadd.s32 s7, s19  }
0x9f: {  	s10 =	simm.s32 $0x0;
	s20 =	sshll.u32 s8, $0x1;
	s8 =	sadd.s32 s21, s6  }
0xa0: {  	[timem:s10], [sflag:s22] =	dma.local [hbm:s8], s20  }
0xa1: {  	_ =	swait.ge [sflag:s22], s20  }
0xa2: {  	s7 =	ssub.s32 $0x0, s20;
	[sflag:s22] =	ssyncset.done $0x0  }
0xa3: {  	[sflag:s22] =	ssyncadd.s32 s7;
	_ =	sdelay $0x1  }
0xa4: {  	s23 =	simm.s32 $0x1B8B  }
0xa5: {  	_ =	swait.ge [sflag:s23], $0x1  }
0xa6: {  	[sflag:s23] =	ssyncset.done $0x0  }
0xa7: {  	s25 =	simm.s32 $0x1B8E;
	s24 =	sld [smem:$0x3FFE];
	[sflag:s23] =	ssyncadd.s32 $0xFFFFFFFF  }
0xa8: {  	s26 =	simm.s32 $execute0_lowered;
	[smem:$0x3FD2] =	sst s25  }
0xa9: {  	s8 =	sshll.u32 s26, $0x1;
	_ =	strace $0x80000046;
	[dreg:$0x1] =	wrdreg $0xFFFFFFFF  }
0xaa: {  	s28 =	simm.s32 $_size_execute0_lowered;
	s6 =	sadd.s32 s6, s8;
	[dreg:$0x0] =	wrdreg $0x0  }
0xab: {  	s8 =	sshll.u32 s28, $0x1;
	[dreg:$0x2] =	wrdreg s6  }
0xac: {  	[dreg:$0x3] =	wrdreg s8  }
0xad: {  	[dreg:$0x4] =	wrdreg $0xC0  }
0xae: {  	_ =	task [dreg:s10], $0x5FFFF  }
0xaf: {  	[dreg:$0x1] =	wrdreg $0xFFFFFFFF  }
0xb0: {  	[dreg:$0x0] =	wrdreg $0x60  }
0xb1: {  	[dreg:$0x2] =	wrdreg s2  }
0xb2: {  	[dreg:$0x3] =	wrdreg s18  }
0xb3: {  	[dreg:$0x4] =	wrdreg s4  }
0xb4: {  	[dreg:$0x5] =	wrdreg s24  }
0xb5: {  	[dreg:$0x6] =	wrdreg s5  }
0xb6: {  	[dreg:$0x7] =	wrdreg $0x9  }
0xb7: {  	_ =	task.clear_ibuf [dreg:s10], $0x8FFFF;
	_ =	strace $0x90000046  }
0xb8: {  	s29 =	simm.s32 $0x9;
	_ =	strace $0x80000048  }
0xb9: {  	_ =	swait.ge [sflag:s29], $0x1  }
0xba: {  	[sflag:s29] =	ssyncadd.s32 $0xFFFFFFFF  }
0xbb: {  	_ =	strace $0x90000048  }
0xbc: {  	_ =	sfence  }
0xbd: {  	s30 =	sld [smem:$0x0];
	_ =	sdelay $0x2  }
0xbe: {  	s31 =	sshll.u32 s1, $0xD;
	s1 =	sshrl.u32 s1, $0x2  }
0xbf: {  	s3 =	sand.u32 $0x4000, s31;
	s1 =	sadd.s32 s1, s30  }
0xc0: {  	s0 =	sor.u32 s3, s0;
	s1 =	sshll.u32 s1, $0x11  }
0xc1: {  	s0 =	sor.u32 s1, s0  }
0xc2: {  	s0 =	sadd.s32 $0x8F2B, s0  }
0xc3: {  	[sflag:s0] =	ssyncadd.remote.s32 $0x1  }
0xc4: {  	_ =	sfence.sel $0xFFFF  }
0xc5: {  	[dreg:$0x0] =	wrdreg $0xFFFFFFFF;
	(pc) =	sbr.abs _section_cstart, $3  }
0xc6: {  	[dreg:$0x1] =	wrdreg $0xFFFFFFFF  }
0xc7: {  	_ =	task.clear_ibuf [dreg:s10], $0x2FFFF;
	_ =	strace $0x9FFFFFFF  }
0xc8: {  	(tm) =	ssettm $0x7FFFFFFF  }
0xc9: {  	_ =	shalt  }
tec
execute0_lowered:
.L_overlay_start_1:
0x0: {  	(tag) =	ssettag $0x1  }
0x1: {  	s5 =	rddreg [dreg:$0x0]  }
0x2: {  	s6 =	rddreg [dreg:$0x1]  }
0x3: {  	s0 =	rddreg [dreg:$0x2]  }
0x4: {  	s4 =	rddreg [dreg:$0x3];
	s3 =	srdreg.scid  }
0x5: {  	v0 =	vlaneseq.u32;
	s7 =	rddreg [dreg:$0x4];
	s8 =	sand.u32 $0x1, s3;
	s3 =	simm.s32 $0x0  }
0x6: {  	v2 =	vor.u32 $0x1070, v0;
	[smem:$0x7FF] =	sst s3  }
0x7: {  	s1 =	rddreg [dreg:$0x5];
	v21 =	vor.u32 $0x860, v0;
	_ =	strace $0x80000047;
	[tilespmem:$0x1FDB0] =	vst v2  }
0x8: {  	v23 =	vor.u32 $0x870, v0;
	[tilespmem:$0x1FF00] =	vst v21  }
0x9: {  	v25 =	vor.u32 $0x1000, v0;
	[tilespmem:$0x1FF20] =	vst v23  }
0xa: {  	v27 =	vor.u32 $0x1010, v0;
	[tilespmem:$0x1FF40] =	vst v25  }
0xb: {  	v29 =	vor.u32 $0x1020, v0;
	[tilespmem:$0x1FF60] =	vst v27  }
0xc: {  	v31 =	vor.u32 $0x1030, v0;
	[tilespmem:$0x1FF80] =	vst v29  }
0xd: {  	v1 =	vmul.u32 $0x80, v0;
	v33 =	vor.u32 $0x1040, v0;
	[tilespmem:$0x1FFA0] =	vst v31  }
0xe: {  	v5 =	vor.u32 $0x10, v0;
	[tilespmem:$0x1FFC0] =	vst v33  }
0xf: {  	v2 =	vor.u32 $0x30, v1;
	[tilespmem:$0x1FFF0] =	vst v5  }
0x10: {  	v4 =	vor.u32 $0x800, v1;
	[tilespmem:$0x1FDC0] =	vst v2  }
0x11: {  	v12 =	vor.u32 $0x3000, v1;
	[tilespmem:$0x1FEC0] =	vst v4  }
0x12: {  	v19 =	vor.u32 $0x2810, v1;
	[tilespmem:$0x1FED0] =	vst v12  }
0x13: {  	v20 =	vor.u32 $0x3010, v1;
	[tilespmem:$0x1FEE0] =	vst v19  }
0x14: {  	v22 =	vor.u32 $0x3810, v1;
	[tilespmem:$0x1FEF0] =	vst v20  }
0x15: {  	v24 =	vor.u32 $0x20, v1;
	[tilespmem:$0x1FF10] =	vst v22  }
0x16: {  	v26 =	vor.u32 $0x820, v1;
	[tilespmem:$0x1FF30] =	vst v24  }
0x17: {  	v28 =	vor.u32 $0x1020, v1;
	[tilespmem:$0x1FF50] =	vst v26  }
0x18: {  	v30 =	vor.u32 $0x1820, v1;
	[tilespmem:$0x1FF70] =	vst v28  }
0x19: {  	v32 =	vor.u32 $0x2020, v1;
	[tilespmem:$0x1FF90] =	vst v30  }
0x1a: {  	v34 =	vor.u32 $0x2820, v1;
	[tilespmem:$0x1FFB0] =	vst v32  }
0x1b: {  	v3 =	vor.u32 $0x3020, v1;
	[tilespmem:$0x1FFD0] =	vst v34  }
0x1c: {  	v2 =	vor.u32 $0x1800, v0;
	[tilespmem:$0x1FFE0] =	vst v3  }
0x1d: {  	[tilespmem:$0x1FDD0] =	vst v2;
	v2 =	vor.u32 $0x830, v1  }
0x1e: {  	[tilespmem:$0x1FDE0] =	vst v2;
	v2 =	vor.u32 $0x1810, v0  }
0x1f: {  	[tilespmem:$0x1FDF0] =	vst v2;
	v2 =	vor.u32 $0x1030, v1  }
0x20: {  	v44 =	vor.u32 $0x20, v0;
	v46 =	vor.u32 $0x30, v0;
	[tilespmem:$0x1FE00] =	vst v2;
	v2 =	vor.u32 $0x1820, v0  }
0x21: {  	v48 =	vor.u32 $0x40, v0;
	v50 =	vor.u32 $0x50, v0;
	[tilespmem:$0x1FE10] =	vst v2;
	v2 =	vor.u32 $0x1830, v1  }
0x22: {  	v52 =	vor.u32 $0x60, v0;
	v54 =	vor.u32 $0x70, v0;
	[tilespmem:$0x1FE20] =	vst v2;
	v2 =	vor.u32 $0x1830, v0  }
0x23: {  	v56 =	vor.u32 $0x800, v0;
	v58 =	vor.u32 $0x810, v0;
	[tilespmem:$0x1FE30] =	vst v2;
	v2 =	vor.u32 $0x2030, v1  }
0x24: {  	s12 =	simm.s32 $0x400;
	v60 =	vor.u32 $0x820, v0;
	v62 =	vor.u32 $0x830, v0;
	[tilespmem:$0x1FE40] =	vst v2;
	v2 =	vor.u32 $0x1840, v0  }
0x25: {  	s2 =	stileid.u32;
	s13 =	simm.s32 $0x8400;
	s14 =	simm.s32 $0x20000;
	v41 =	vor.u32 $0x840, v0;
	v51 =	vor.u32 $0x850, v0;
	[tilespmem:$0x1FE50] =	vst v2;
	v2 =	vor.u32 $0x2830, v1  }
0x26: {  	s15 =	simm.s32 $0x5;
	s16 =	simm.s32 $0x6;
	s17 =	simm.s32 $0x0;
	v38 =	vor.u32 $0x1050, v0;
	v39 =	vor.u32 $0x1060, v0;
	[tilespmem:$0x1FE60] =	vst v2;
	v2 =	vor.u32 $0x1850, v0  }
0x27: {  	s9 =	sshll.u32 s2, $0xA;
	s10 =	sshll.u32 s8, $0x9;
	s8 =	ssub.s32 $0x2, s8;
	v43 =	vor.u32 $0x1000, v1;
	v45 =	vor.u32 $0x1800, v1;
	[tilespmem:$0x1FE70] =	vst v2;
	v2 =	vor.u32 $0x3030, v1  }
0x28: {  	s4 =	sadd.s32 $0x400, s4;
	v47 =	vor.u32 $0x2000, v1;
	v49 =	vor.u32 $0x2800, v1;
	s9 =	sor.u32 s10, s9;
	s31 =	sshrl.u32 s8, $0x1;
	[tilespmem:$0x1FE80] =	vst v2;
	v2 =	vor.u32 $0x1860, v0  }
0x29: {  	v53 =	vor.u32 $0x3800, v1;
	v55 =	vor.u32 $0x10, v1;
	s10 =	simm.s32 $0x200;
	s11 =	sshrl.u32 s9, $0x3;
	s8 =	ssub.s32 s8, s31;
	[tilespmem:$0x1FE90] =	vst v2;
	v2 =	vor.u32 $0x3830, v1  }
0x2a: {  	v57 =	vor.u32 $0x810, v1;
	v59 =	vor.u32 $0x1010, v1;
	s7 =	sadd.s32 s7, s9;
	s9 =	simm.s32 $0x7;
	s5 =	sadd.s32 s5, s11;
	[tilespmem:$0x1FEA0] =	vst v2;
	v2 =	vor.u32 $0x1870, v0  }
0x2b: {  	v61 =	vor.u32 $0x1810, v1;
	v63 =	vor.u32 $0x2010, v1;
	v40 =	vor.u32 $0x3820, v1;
	s6 =	sadd.s32 s6, s11;
	s8 =	smax.u32 s8, $0x1;
	s11 =	simm.s32 $0x80;
	[tilespmem:$0x1FEB0] =	vst v2  }
.LBB2_1:
0x2c: {  	[tilespmem:s3], [sflag:$0x7] =	stream.linear.gather [hbm4b:s5+s3], $0x200, $0x38;
	[tilespmem:$0x1C400] =	vst v63  }
0x2d: {  	_ =	swait.ge [sflag:s9], $0x200  }
0x2e: {  	[sflag:s9] =	ssyncset.done $0x0  }
0x2f: {  	[sflag:s9] =	ssyncadd.s32 $0xFFFFFE00  }
0x30: {  	[tilespmem:s10], [sflag:$0x7] =	stream.linear.gather [hbm4b:s6+s3], $0x200, $0x38;
	[tilespmem:$0x1C400] =	vst v63  }
0x31: {  	_ =	swait.ge [sflag:s9], $0x200  }
0x32: {  	[sflag:s9] =	ssyncset.done $0x0  }
0x33: {  	[sflag:s9] =	ssyncadd.s32 $0xFFFFFE00  }
0x34: {  	[tilespmem:s12], [sflag:$0x1] =	stream.indirect.gather [hbm4b:s0+s11], $0x80, s3, s11, $0xb8;
	[tilespmem:$0x1C400] =	vst v63  }
0x35: {  	s19 =	simm.s32 $0x0  }
0x36: {  	[tilespmem:s13], [sflag:$0x3] =	stream.indirect.gather [hbm4b:s4+s11], $0x80, s10, s11, $0xb8;
	[tilespmem:$0x1C400] =	vst v63  }
.LBB2_2:
0x37: {  	s18 =	sadd.s32 $0x1, s19;
	p0 =	seq.s32 s19, $0x3  }
0x38: {  	s21 =	sand.u32 @!p0 $0x1, s18  }
0x39: {  	s20 =	sand.u32 $0x1, s19;
	s24 =	sshll.u32 @!p0 s18, $0x7;
	s22 =	sshll.u32 @!p0 s21, $0xE  }
0x3a: {  	s26 =	simm.s32 @!p0 $0x80;
	s25 =	sadd.s32 @!p0 $0x1, s21;
	s23 =	sor.u32 @!p0 $0x400, s22  }
0x3b: {  	[tilespmem:s23], [sflag:s25] =	stream.indirect.gather @!p0 [hbm4b:s0+s26], $0x80, s24, s26, $0xb8;
	[tilespmem:$0x1C400] =	vst v63  }
0x3c: {  	s21 =	sadd.s32 @!p0 $0x3, s21;
	s22 =	sor.u32 @!p0 $0x8400, s22;
	s23 =	sadd.s32 @!p0 $0x200, s24  }
0x3d: {  	[tilespmem:s22], [sflag:s21] =	stream.indirect.gather @!p0 [hbm4b:s4+s26], $0x80, s23, s26, $0xb8;
	[tilespmem:$0x1C400] =	vst v63  }
0x3e: {  	s26 =	sadd.s32 $0x1, s20  }
0x3f: {  	_ =	swait.ge [sflag:s26], $0x4000  }
0x40: {  	[sflag:s26] =	ssyncset.done $0x0  }
0x41: {  	s28 =	sadd.s32 $0x3, s20;
	[sflag:s26] =	ssyncadd.s32 $0xFFFFC000  }
0x42: {  	_ =	swait.ge [sflag:s28], $0x4000  }
0x43: {  	s29 =	smul.u32 $0x18000, s20;
	p0 =	slt.u32 s19, $0x2;
	[sflag:s28] =	ssyncset.done $0x0  }
0x44: {  	s21 =	sadd.s32 @!p0 $0x5, s20;
	[sflag:s28] =	ssyncadd.s32 $0xFFFFC000  }
0x45: {  	s30 =	sshll.u32 s20, $0xE;
	s31 =	sshrl.u32 s29, $0x2;
	_ =	swait.ge @!p0 [sflag:s21], $0x6000  }
0x46: {  	s24 =	simm.s32 $0x0;
	s22 =	sor.u32 $0x400, s30;
	[sflag:s21] =	ssyncset.done @!p0 $0x0  }
0x47: {  	s23 =	sor.u32 $0x8400, s30;
	[sflag:s21] =	ssyncadd.s32 @!p0 $0xFFFFA000;
	s21 =	sor.u32 $0x10400, s31  }
.LBB2_3:
0x48: {  	v35 =	vadd.s32 s24, v0  }
0x49: {  	v37 =	vand.u32 $0xF, v35  }
0x4a: {  	v4 =	vor.u32 v1, v37;
	_ =	sdelay $0x4  }
0x4b: {  	v5 =	vld.idx.msk [tilespmem:v4+s22+$0x0], $0xffff  }
0x4c: {  	[tilespmem:$0x1FD90] =	vst v4;
	v4 =	vld [tilespmem:$0x1FEC0];
	_ =	sdelay $0x2  }
0x4d: {  	v2 =	vshll.u32 v37, $0x7  }
0x4e: {  	v6 =	vor.u32 v0, v2  }
0x4f: {  	v4 =	vor.u32 v4, v37;
	_ =	sdelay $0x3  }
0x50: {  	[tilespmem:v6+s21+$0x0] =	vst.idx.msk $0xffff, v5  }
0x51: {  	v6 =	vld.idx.msk [tilespmem:v4+s22+$0x0], $0xffff  }
0x52: {  	[tilespmem:$0x1FDA0] =	vst v4;
	v4 =	vld [tilespmem:$0x1FFF0];
	_ =	sdelay $0x4  }
0x53: {  	v7 =	vor.u32 v4, v2  }
0x54: {  	v42 =	vor.u32 v43, v37;
	_ =	sdelay $0x3  }
0x55: {  	[tilespmem:v7+s21+$0x0] =	vst.idx.msk $0xffff, v6  }
0x56: {  	v8 =	vor.u32 v44, v2;
	v7 =	vld.idx.msk [tilespmem:v42+s22+$0x0], $0xffff  }
0x57: {  	v6 =	vor.u32 v45, v37;
	_ =	sdelay $0x3  }
0x58: {  	[tilespmem:v8+s21+$0x0] =	vst.idx.msk $0xffff, v7  }
0x59: {  	v9 =	vor.u32 v46, v2;
	v8 =	vld.idx.msk [tilespmem:v6+s22+$0x0], $0xffff  }
0x5a: {  	v7 =	vor.u32 v47, v37;
	_ =	sdelay $0x3  }
0x5b: {  	[tilespmem:v9+s21+$0x0] =	vst.idx.msk $0xffff, v8  }
0x5c: {  	v10 =	vor.u32 v48, v2;
	v9 =	vld.idx.msk [tilespmem:v7+s22+$0x0], $0xffff  }
0x5d: {  	v8 =	vor.u32 v49, v37;
	_ =	sdelay $0x3  }
0x5e: {  	[tilespmem:v10+s21+$0x0] =	vst.idx.msk $0xffff, v9  }
0x5f: {  	v11 =	vor.u32 v50, v2;
	v10 =	vld.idx.msk [tilespmem:v8+s22+$0x0], $0xffff  }
0x60: {  	v9 =	vor.u32 v12, v37;
	_ =	sdelay $0x3  }
0x61: {  	[tilespmem:v11+s21+$0x0] =	vst.idx.msk $0xffff, v10  }
0x62: {  	v12 =	vor.u32 v52, v2;
	v11 =	vld.idx.msk [tilespmem:v9+s22+$0x0], $0xffff  }
0x63: {  	v10 =	vor.u32 v53, v37;
	_ =	sdelay $0x3  }
0x64: {  	[tilespmem:v12+s21+$0x0] =	vst.idx.msk $0xffff, v11  }
0x65: {  	v13 =	vor.u32 v54, v2;
	v12 =	vld.idx.msk [tilespmem:v10+s22+$0x0], $0xffff  }
0x66: {  	v11 =	vor.u32 v55, v35;
	_ =	sdelay $0x3  }
0x67: {  	v36 =	vshll.u32 v35, $0x7;
	[tilespmem:v13+s21+$0x0] =	vst.idx.msk $0xffff, v12  }
0x68: {  	v14 =	vor.u32 v56, v36;
	v12 =	vld.idx.msk [tilespmem:v11+s22+$0x0], $0xffff  }
0x69: {  	v13 =	vor.u32 v57, v35;
	_ =	sdelay $0x3  }
0x6a: {  	[tilespmem:v14+s21+$0x0] =	vst.idx.msk $0xffff, v12  }
0x6b: {  	v15 =	vor.u32 v58, v36;
	v12 =	vld.idx.msk [tilespmem:v13+s22+$0x0], $0xffff  }
0x6c: {  	v14 =	vor.u32 v59, v35;
	_ =	sdelay $0x3  }
0x6d: {  	[tilespmem:v15+s21+$0x0] =	vst.idx.msk $0xffff, v12  }
0x6e: {  	v16 =	vor.u32 v60, v36;
	v12 =	vld.idx.msk [tilespmem:v14+s22+$0x0], $0xffff  }
0x6f: {  	v15 =	vor.u32 v61, v35;
	_ =	sdelay $0x3  }
0x70: {  	[tilespmem:v16+s21+$0x0] =	vst.idx.msk $0xffff, v12  }
0x71: {  	v17 =	vor.u32 v62, v36;
	v12 =	vld.idx.msk [tilespmem:v15+s22+$0x0], $0xffff  }
0x72: {  	v16 =	vor.u32 v63, v35;
	_ =	sdelay $0x3  }
0x73: {  	[tilespmem:v17+s21+$0x0] =	vst.idx.msk $0xffff, v12  }
0x74: {  	v18 =	vor.u32 v41, v36;
	v12 =	vld.idx.msk [tilespmem:v16+s22+$0x0], $0xffff  }
0x75: {  	v17 =	vor.u32 v19, v35;
	_ =	sdelay $0x3  }
0x76: {  	[tilespmem:v18+s21+$0x0] =	vst.idx.msk $0xffff, v12  }
0x77: {  	v19 =	vor.u32 v51, v36;
	v12 =	vld.idx.msk [tilespmem:v17+s22+$0x0], $0xffff  }
0x78: {  	v18 =	vor.u32 v20, v35;
	_ =	sdelay $0x3  }
0x79: {  	[tilespmem:v19+s21+$0x0] =	vst.idx.msk $0xffff, v12  }
0x7a: {  	v20 =	vor.u32 v21, v36;
	v12 =	vld.idx.msk [tilespmem:v18+s22+$0x0], $0xffff  }
0x7b: {  	v19 =	vor.u32 v22, v35;
	_ =	sdelay $0x3  }
0x7c: {  	[tilespmem:v20+s21+$0x0] =	vst.idx.msk $0xffff, v12  }
0x7d: {  	v21 =	vor.u32 v23, v36;
	v12 =	vld.idx.msk [tilespmem:v19+s22+$0x0], $0xffff  }
0x7e: {  	v20 =	vor.u32 v24, v37;
	_ =	sdelay $0x3  }
0x7f: {  	[tilespmem:v21+s21+$0x0] =	vst.idx.msk $0xffff, v12  }
0x80: {  	v22 =	vor.u32 v25, v2;
	v12 =	vld.idx.msk [tilespmem:v20+s22+$0x0], $0xffff  }
0x81: {  	v21 =	vor.u32 v26, v37;
	_ =	sdelay $0x3  }
0x82: {  	[tilespmem:v22+s21+$0x0] =	vst.idx.msk $0xffff, v12  }
0x83: {  	v23 =	vor.u32 v27, v2;
	v12 =	vld.idx.msk [tilespmem:v21+s22+$0x0], $0xffff  }
0x84: {  	v22 =	vor.u32 v28, v37;
	_ =	sdelay $0x3  }
0x85: {  	[tilespmem:v23+s21+$0x0] =	vst.idx.msk $0xffff, v12  }
0x86: {  	v24 =	vor.u32 v29, v2;
	v12 =	vld.idx.msk [tilespmem:v22+s22+$0x0], $0xffff  }
0x87: {  	v23 =	vor.u32 v30, v37;
	_ =	sdelay $0x3  }
0x88: {  	[tilespmem:v24+s21+$0x0] =	vst.idx.msk $0xffff, v12  }
0x89: {  	v25 =	vor.u32 v31, v2;
	v12 =	vld.idx.msk [tilespmem:v23+s22+$0x0], $0xffff  }
0x8a: {  	v24 =	vor.u32 v32, v37;
	_ =	sdelay $0x3  }
0x8b: {  	[tilespmem:v25+s21+$0x0] =	vst.idx.msk $0xffff, v12  }
0x8c: {  	v26 =	vor.u32 v33, v2;
	v12 =	vld.idx.msk [tilespmem:v24+s22+$0x0], $0xffff  }
0x8d: {  	v25 =	vor.u32 v34, v37;
	_ =	sdelay $0x3  }
0x8e: {  	[tilespmem:v26+s21+$0x0] =	vst.idx.msk $0xffff, v12;
	v26 =	vor.u32 v3, v37;
	v3 =	vld [tilespmem:$0x1FDB0]  }
0x8f: {  	v27 =	vor.u32 v38, v2;
	v12 =	vld.idx.msk [tilespmem:v25+s22+$0x0], $0xffff;
	_ =	sdelay $0x4  }
0x90: {  	v29 =	vor.u32 v3, v2;
	v3 =	vld [tilespmem:$0x1FDC0];
	[tilespmem:v27+s21+$0x0] =	vst.idx.msk $0xffff, v12  }
0x91: {  	v28 =	vor.u32 v39, v2;
	v12 =	vld.idx.msk [tilespmem:v26+s22+$0x0], $0xffff;
	_ =	sdelay $0x3  }
0x92: {  	v27 =	vor.u32 v40, v37  }
0x93: {  	[tilespmem:v28+s21+$0x0] =	vst.idx.msk $0xffff, v12;
	v28 =	vor.u32 v3, v35;
	v3 =	vld [tilespmem:$0x1FDD0];
	_ =	sdelay $0x3  }
0x94: {  	v12 =	vld.idx.msk [tilespmem:v27+s22+$0x0], $0xffff  }
0x95: {  	v30 =	vor.u32 v3, v36;
	v3 =	vld [tilespmem:$0x1FDE0];
	_ =	sdelay $0x4  }
0x96: {  	[tilespmem:v29+s21+$0x0] =	vst.idx.msk $0xffff, v12;
	v29 =	vor.u32 v3, v35;
	v3 =	vld [tilespmem:$0x1FDF0];
	_ =	sdelay $0x3  }
0x97: {  	v12 =	vld.idx.msk [tilespmem:v28+s22+$0x0], $0xffff  }
0x98: {  	v31 =	vor.u32 v3, v36;
	v3 =	vld [tilespmem:$0x1FE00];
	_ =	sdelay $0x4  }
0x99: {  	[tilespmem:v30+s21+$0x0] =	vst.idx.msk $0xffff, v12;
	v30 =	vor.u32 v3, v35;
	v3 =	vld [tilespmem:$0x1FE10];
	_ =	sdelay $0x3  }
0x9a: {  	v12 =	vld.idx.msk [tilespmem:v29+s22+$0x0], $0xffff  }
0x9b: {  	v32 =	vor.u32 v3, v36;
	v3 =	vld [tilespmem:$0x1FE20];
	_ =	sdelay $0x4  }
0x9c: {  	[tilespmem:v31+s21+$0x0] =	vst.idx.msk $0xffff, v12;
	v31 =	vor.u32 v3, v35;
	v3 =	vld [tilespmem:$0x1FE30];
	_ =	sdelay $0x3  }
0x9d: {  	v12 =	vld.idx.msk [tilespmem:v30+s22+$0x0], $0xffff  }
0x9e: {  	v33 =	vor.u32 v3, v36;
	v3 =	vld [tilespmem:$0x1FE40];
	_ =	sdelay $0x4  }
0x9f: {  	[tilespmem:v32+s21+$0x0] =	vst.idx.msk $0xffff, v12;
	v32 =	vor.u32 v3, v35;
	v3 =	vld [tilespmem:$0x1FE50];
	_ =	sdelay $0x3  }
0xa0: {  	v12 =	vld.idx.msk [tilespmem:v31+s22+$0x0], $0xffff  }
0xa1: {  	v34 =	vor.u32 v3, v36;
	v3 =	vld [tilespmem:$0x1FE60];
	_ =	sdelay $0x4  }
0xa2: {  	[tilespmem:v33+s21+$0x0] =	vst.idx.msk $0xffff, v12;
	v33 =	vor.u32 v3, v35;
	v3 =	vld [tilespmem:$0x1FE70];
	_ =	sdelay $0x3  }
0xa3: {  	v12 =	vld.idx.msk [tilespmem:v32+s22+$0x0], $0xffff  }
0xa4: {  	v5 =	vmov v38;
	v38 =	vor.u32 v3, v36;
	v3 =	vld [tilespmem:$0x1FE80];
	_ =	sdelay $0x4  }
0xa5: {  	[tilespmem:v34+s21+$0x0] =	vst.idx.msk $0xffff, v12;
	v34 =	vor.u32 v3, v35;
	v3 =	vld [tilespmem:$0x1FE90];
	_ =	sdelay $0x2  }
0xa6: {  	v12 =	vld.idx.msk [tilespmem:v33+s22+$0x0], $0xffff;
	_ =	sdelay $0x1  }
0xa7: {  	v4 =	vmov v39;
	v39 =	vor.u32 v3, v36;
	v3 =	vld [tilespmem:$0x1FEA0];
	_ =	sdelay $0x2  }
0xa8: {  	[tilespmem:v38+s21+$0x0] =	vst.idx.msk $0xffff, v12  }
0xa9: {  	v38 =	vld.idx.msk [tilespmem:v34+s22+$0x0], $0xffff  }
0xaa: {  	v12 =	vor.u32 v3, v35;
	v3 =	vld [tilespmem:$0x1FEB0];
	_ =	sdelay $0x3  }
0xab: {  	[tilespmem:v39+s21+$0x0] =	vst.idx.msk $0xffff, v38  }
0xac: {  	v38 =	vld.idx.msk [tilespmem:v12+s22+$0x0], $0xffff;
	v39 =	vor.u32 v3, v36;
	v3 =	vmov v40;
	v40 =	vor.u32 $0x40, v1  }
0xad: {  	v40 =	vor.u32 v40, v37;
	_ =	sdelay $0x3  }
0xae: {  	[tilespmem:v39+s21+$0x0] =	vst.idx.msk $0xffff, v38;
	v38 =	vor.u32 $0x2000, v0  }
0xaf: {  	v39 =	vld.idx.msk [tilespmem:v40+s22+$0x0], $0xffff;
	v38 =	vor.u32 v38, v2;
	v40 =	vor.u32 $0x840, v1  }
0xb0: {  	v40 =	vor.u32 v40, v37;
	_ =	sdelay $0x3  }
0xb1: {  	[tilespmem:v38+s21+$0x0] =	vst.idx.msk $0xffff, v39;
	v38 =	vor.u32 $0x2010, v0  }
0xb2: {  	v39 =	vld.idx.msk [tilespmem:v40+s22+$0x0], $0xffff;
	v38 =	vor.u32 v38, v2;
	v40 =	vor.u32 $0x1040, v1  }
0xb3: {  	v40 =	vor.u32 v40, v37;
	_ =	sdelay $0x3  }
0xb4: {  	[tilespmem:v38+s21+$0x0] =	vst.idx.msk $0xffff, v39;
	v38 =	vor.u32 $0x2020, v0  }
0xb5: {  	v39 =	vld.idx.msk [tilespmem:v40+s22+$0x0], $0xffff;
	v38 =	vor.u32 v38, v2;
	v40 =	vor.u32 $0x1840, v1  }
0xb6: {  	v40 =	vor.u32 v40, v37;
	_ =	sdelay $0x3  }
0xb7: {  	[tilespmem:v38+s21+$0x0] =	vst.idx.msk $0xffff, v39;
	v38 =	vor.u32 $0x2030, v0  }
0xb8: {  	v39 =	vld.idx.msk [tilespmem:v40+s22+$0x0], $0xffff;
	v38 =	vor.u32 v38, v2;
	v40 =	vor.u32 $0x2040, v1  }
0xb9: {  	v40 =	vor.u32 v40, v37;
	_ =	sdelay $0x3  }
0xba: {  	[tilespmem:v38+s21+$0x0] =	vst.idx.msk $0xffff, v39;
	v38 =	vor.u32 $0x2040, v0  }
0xbb: {  	v39 =	vld.idx.msk [tilespmem:v40+s22+$0x0], $0xffff;
	v38 =	vor.u32 v38, v2;
	v40 =	vor.u32 $0x2840, v1  }
0xbc: {  	v40 =	vor.u32 v40, v37;
	_ =	sdelay $0x3  }
0xbd: {  	[tilespmem:v38+s21+$0x0] =	vst.idx.msk $0xffff, v39;
	v38 =	vor.u32 $0x2050, v0  }
0xbe: {  	v39 =	vld.idx.msk [tilespmem:v40+s22+$0x0], $0xffff;
	v38 =	vor.u32 v38, v2;
	v40 =	vor.u32 $0x3040, v1  }
0xbf: {  	v40 =	vor.u32 v40, v37;
	_ =	sdelay $0x3  }
0xc0: {  	[tilespmem:v38+s21+$0x0] =	vst.idx.msk $0xffff, v39;
	v38 =	vor.u32 $0x2060, v0  }
0xc1: {  	v39 =	vld.idx.msk [tilespmem:v40+s22+$0x0], $0xffff;
	v38 =	vor.u32 v38, v2;
	v40 =	vor.u32 $0x3840, v1  }
0xc2: {  	v40 =	vor.u32 v40, v37;
	_ =	sdelay $0x3  }
0xc3: {  	[tilespmem:v38+s21+$0x0] =	vst.idx.msk $0xffff, v39;
	v38 =	vor.u32 $0x2070, v0  }
0xc4: {  	v39 =	vld.idx.msk [tilespmem:v40+s22+$0x0], $0xffff;
	v38 =	vor.u32 v38, v2;
	v40 =	vor.u32 $0x50, v1  }
0xc5: {  	v40 =	vor.u32 v40, v35;
	_ =	sdelay $0x3  }
0xc6: {  	[tilespmem:v38+s21+$0x0] =	vst.idx.msk $0xffff, v39;
	v38 =	vor.u32 $0x2800, v0  }
0xc7: {  	v39 =	vld.idx.msk [tilespmem:v40+s22+$0x0], $0xffff;
	v38 =	vor.u32 v38, v36;
	v40 =	vor.u32 $0x850, v1  }
0xc8: {  	v40 =	vor.u32 v40, v35;
	_ =	sdelay $0x3  }
0xc9: {  	[tilespmem:v38+s21+$0x0] =	vst.idx.msk $0xffff, v39;
	v38 =	vor.u32 $0x2810, v0  }
0xca: {  	v39 =	vld.idx.msk [tilespmem:v40+s22+$0x0], $0xffff;
	v38 =	vor.u32 v38, v36;
	v40 =	vor.u32 $0x1050, v1  }
0xcb: {  	v40 =	vor.u32 v40, v35;
	_ =	sdelay $0x3  }
0xcc: {  	[tilespmem:v38+s21+$0x0] =	vst.idx.msk $0xffff, v39;
	v38 =	vor.u32 $0x2820, v0  }
0xcd: {  	v39 =	vld.idx.msk [tilespmem:v40+s22+$0x0], $0xffff;
	v38 =	vor.u32 v38, v36;
	v40 =	vor.u32 $0x1850, v1  }
0xce: {  	v40 =	vor.u32 v40, v35;
	_ =	sdelay $0x3  }
0xcf: {  	[tilespmem:v38+s21+$0x0] =	vst.idx.msk $0xffff, v39;
	v38 =	vor.u32 $0x2830, v0  }
0xd0: {  	v39 =	vld.idx.msk [tilespmem:v40+s22+$0x0], $0xffff;
	v38 =	vor.u32 v38, v36;
	v40 =	vor.u32 $0x2050, v1  }
0xd1: {  	v40 =	vor.u32 v40, v35;
	_ =	sdelay $0x3  }
0xd2: {  	[tilespmem:v38+s21+$0x0] =	vst.idx.msk $0xffff, v39;
	v38 =	vor.u32 $0x2840, v0  }
0xd3: {  	v39 =	vld.idx.msk [tilespmem:v40+s22+$0x0], $0xffff;
	v38 =	vor.u32 v38, v36;
	v40 =	vor.u32 $0x2850, v1  }
0xd4: {  	v40 =	vor.u32 v40, v35;
	_ =	sdelay $0x3  }
0xd5: {  	[tilespmem:v38+s21+$0x0] =	vst.idx.msk $0xffff, v39;
	v38 =	vor.u32 $0x2850, v0  }
0xd6: {  	v39 =	vld.idx.msk [tilespmem:v40+s22+$0x0], $0xffff;
	v38 =	vor.u32 v38, v36;
	v40 =	vor.u32 $0x3050, v1  }
0xd7: {  	v40 =	vor.u32 v40, v35;
	_ =	sdelay $0x3  }
0xd8: {  	[tilespmem:v38+s21+$0x0] =	vst.idx.msk $0xffff, v39;
	v38 =	vor.u32 $0x2860, v0  }
0xd9: {  	v39 =	vld.idx.msk [tilespmem:v40+s22+$0x0], $0xffff;
	v38 =	vor.u32 v38, v36;
	v40 =	vor.u32 $0x3850, v1  }
0xda: {  	v40 =	vor.u32 v40, v35;
	_ =	sdelay $0x3  }
0xdb: {  	[tilespmem:v38+s21+$0x0] =	vst.idx.msk $0xffff, v39;
	v38 =	vor.u32 $0x2870, v0  }
0xdc: {  	v39 =	vld.idx.msk [tilespmem:v40+s22+$0x0], $0xffff;
	v38 =	vor.u32 v38, v36;
	v40 =	vor.u32 $0x60, v1  }
0xdd: {  	v40 =	vor.u32 v40, v37;
	_ =	sdelay $0x3  }
0xde: {  	[tilespmem:v38+s21+$0x0] =	vst.idx.msk $0xffff, v39;
	v38 =	vor.u32 $0x3000, v0  }
0xdf: {  	v39 =	vld.idx.msk [tilespmem:v40+s22+$0x0], $0xffff;
	v38 =	vor.u32 v38, v2;
	v40 =	vor.u32 $0x860, v1  }
0xe0: {  	v40 =	vor.u32 v40, v37;
	_ =	sdelay $0x3  }
0xe1: {  	[tilespmem:v38+s21+$0x0] =	vst.idx.msk $0xffff, v39;
	v38 =	vor.u32 $0x3010, v0  }
0xe2: {  	v39 =	vld.idx.msk [tilespmem:v40+s22+$0x0], $0xffff;
	v38 =	vor.u32 v38, v2;
	v40 =	vor.u32 $0x1060, v1  }
0xe3: {  	v40 =	vor.u32 v40, v37;
	_ =	sdelay $0x3  }
0xe4: {  	[tilespmem:v38+s21+$0x0] =	vst.idx.msk $0xffff, v39;
	v38 =	vor.u32 $0x3020, v0  }
0xe5: {  	v39 =	vld.idx.msk [tilespmem:v40+s22+$0x0], $0xffff;
	v38 =	vor.u32 v38, v2;
	v40 =	vor.u32 $0x1860, v1  }
0xe6: {  	v40 =	vor.u32 v40, v37;
	_ =	sdelay $0x3  }
0xe7: {  	[tilespmem:v38+s21+$0x0] =	vst.idx.msk $0xffff, v39;
	v38 =	vor.u32 $0x3030, v0  }
0xe8: {  	v39 =	vld.idx.msk [tilespmem:v40+s22+$0x0], $0xffff;
	v38 =	vor.u32 v38, v2;
	v40 =	vor.u32 $0x2060, v1  }
0xe9: {  	v40 =	vor.u32 v40, v37;
	_ =	sdelay $0x3  }
0xea: {  	[tilespmem:v38+s21+$0x0] =	vst.idx.msk $0xffff, v39;
	v38 =	vor.u32 $0x3040, v0  }
0xeb: {  	v39 =	vld.idx.msk [tilespmem:v40+s22+$0x0], $0xffff;
	v38 =	vor.u32 v38, v2;
	v40 =	vor.u32 $0x2860, v1  }
0xec: {  	v40 =	vor.u32 v40, v37;
	_ =	sdelay $0x3  }
0xed: {  	[tilespmem:v38+s21+$0x0] =	vst.idx.msk $0xffff, v39;
	v38 =	vor.u32 $0x3050, v0  }
0xee: {  	v39 =	vld.idx.msk [tilespmem:v40+s22+$0x0], $0xffff;
	v38 =	vor.u32 v38, v2;
	v40 =	vor.u32 $0x3060, v1  }
0xef: {  	v40 =	vor.u32 v40, v37;
	_ =	sdelay $0x3  }
0xf0: {  	[tilespmem:v38+s21+$0x0] =	vst.idx.msk $0xffff, v39;
	v38 =	vor.u32 $0x3060, v0  }
0xf1: {  	v39 =	vld.idx.msk [tilespmem:v40+s22+$0x0], $0xffff;
	v38 =	vor.u32 v38, v2;
	v40 =	vor.u32 $0x3860, v1  }
0xf2: {  	v37 =	vor.u32 v40, v37;
	_ =	sdelay $0x3  }
0xf3: {  	[tilespmem:v38+s21+$0x0] =	vst.idx.msk $0xffff, v39;
	v38 =	vor.u32 $0x3070, v0  }
0xf4: {  	v39 =	vor.u32 $0x70, v1;
	v37 =	vld.idx.msk [tilespmem:v37+s22+$0x0], $0xffff;
	v38 =	vor.u32 v38, v2  }
0xf5: {  	v39 =	vor.u32 v39, v35;
	_ =	sdelay $0x3  }
0xf6: {  	[tilespmem:v38+s21+$0x0] =	vst.idx.msk $0xffff, v37;
	v37 =	vor.u32 $0x3800, v0  }
0xf7: {  	v38 =	vld.idx.msk [tilespmem:v39+s22+$0x0], $0xffff;
	v37 =	vor.u32 v37, v36;
	v39 =	vor.u32 $0x870, v1  }
0xf8: {  	v39 =	vor.u32 v39, v35;
	_ =	sdelay $0x3  }
0xf9: {  	[tilespmem:v37+s21+$0x0] =	vst.idx.msk $0xffff, v38;
	v37 =	vor.u32 $0x3810, v0  }
0xfa: {  	v38 =	vld.idx.msk [tilespmem:v39+s22+$0x0], $0xffff;
	v37 =	vor.u32 v37, v36;
	v39 =	vor.u32 $0x1070, v1  }
0xfb: {  	v39 =	vor.u32 v39, v35;
	_ =	sdelay $0x3  }
0xfc: {  	[tilespmem:v37+s21+$0x0] =	vst.idx.msk $0xffff, v38;
	v37 =	vor.u32 $0x3820, v0  }
0xfd: {  	v38 =	vld.idx.msk [tilespmem:v39+s22+$0x0], $0xffff;
	v37 =	vor.u32 v37, v36;
	v39 =	vor.u32 $0x1870, v1  }
0xfe: {  	v39 =	vor.u32 v39, v35;
	_ =	sdelay $0x3  }
0xff: {  	[tilespmem:v37+s21+$0x0] =	vst.idx.msk $0xffff, v38;
	v37 =	vor.u32 $0x3830, v0  }
0x100: {  	v38 =	vld.idx.msk [tilespmem:v39+s22+$0x0], $0xffff;
	v37 =	vor.u32 v37, v36;
	v39 =	vor.u32 $0x2070, v1  }
0x101: {  	v39 =	vor.u32 v39, v35;
	_ =	sdelay $0x3  }
0x102: {  	[tilespmem:v37+s21+$0x0] =	vst.idx.msk $0xffff, v38;
	v37 =	vor.u32 $0x3840, v0  }
0x103: {  	v38 =	vld.idx.msk [tilespmem:v39+s22+$0x0], $0xffff;
	v37 =	vor.u32 v37, v36;
	v39 =	vor.u32 $0x2870, v1  }
0x104: {  	v39 =	vor.u32 v39, v35;
	_ =	sdelay $0x3  }
0x105: {  	[tilespmem:v37+s21+$0x0] =	vst.idx.msk $0xffff, v38;
	v37 =	vor.u32 $0x3850, v0  }
0x106: {  	v38 =	vld.idx.msk [tilespmem:v39+s22+$0x0], $0xffff;
	v37 =	vor.u32 v37, v36;
	v39 =	vor.u32 $0x3070, v1  }
0x107: {  	v39 =	vor.u32 v39, v35;
	_ =	sdelay $0x3  }
0x108: {  	[tilespmem:v37+s21+$0x0] =	vst.idx.msk $0xffff, v38;
	v37 =	vor.u32 $0x3860, v0  }
0x109: {  	v38 =	vld.idx.msk [tilespmem:v39+s22+$0x0], $0xffff;
	v37 =	vor.u32 v37, v36;
	v39 =	vor.u32 $0x3870, v1  }
0x10a: {  	v35 =	vor.u32 v39, v35;
	_ =	sdelay $0x2  }
0x10b: {  	v40 =	vmov v3;
	v3 =	vld [tilespmem:$0x1FD90]  }
0x10c: {  	[tilespmem:v37+s21+$0x0] =	vst.idx.msk $0xffff, v38;
	v37 =	vor.u32 $0x3870, v0  }
0x10d: {  	v36 =	vor.u32 v37, v36;
	v35 =	vld.idx.msk [tilespmem:v35+s22+$0x0], $0xffff;
	_ =	sdelay $0x3  }
0x10e: {  	v39 =	vmov v4;
	v4 =	vld [tilespmem:$0x1FDA0]  }
0x10f: {  	v37 =	vor.u32 $0x4000, v0;
	[tilespmem:v36+s21+$0x0] =	vst.idx.msk $0xffff, v35  }
0x110: {  	v35 =	vor.u32 v37, v2;
	v3 =	vld.idx.msk [tilespmem:v3+s23+$0x0], $0xffff;
	_ =	sdelay $0x4  }
0x111: {  	[tilespmem:v35+s21+$0x0] =	vst.idx.msk $0xffff, v3;
	v3 =	vor.u32 $0x4010, v0  }
0x112: {  	v4 =	vld.idx.msk [tilespmem:v4+s23+$0x0], $0xffff;
	v3 =	vor.u32 v3, v2;
	_ =	sdelay $0x4  }
0x113: {  	[tilespmem:v3+s21+$0x0] =	vst.idx.msk $0xffff, v4;
	v3 =	vor.u32 $0x4020, v0  }
0x114: {  	v4 =	vld.idx.msk [tilespmem:v42+s23+$0x0], $0xffff;
	v3 =	vor.u32 v3, v2;
	_ =	sdelay $0x4  }
0x115: {  	[tilespmem:v3+s21+$0x0] =	vst.idx.msk $0xffff, v4;
	v3 =	vor.u32 $0x4030, v0  }
0x116: {  	v4 =	vld.idx.msk [tilespmem:v6+s23+$0x0], $0xffff;
	v3 =	vor.u32 v3, v2;
	_ =	sdelay $0x4  }
0x117: {  	[tilespmem:v3+s21+$0x0] =	vst.idx.msk $0xffff, v4;
	v3 =	vor.u32 $0x4040, v0  }
0x118: {  	v4 =	vld.idx.msk [tilespmem:v7+s23+$0x0], $0xffff;
	v3 =	vor.u32 v3, v2;
	_ =	sdelay $0x4  }
0x119: {  	[tilespmem:v3+s21+$0x0] =	vst.idx.msk $0xffff, v4;
	v3 =	vor.u32 $0x4050, v0  }
0x11a: {  	v4 =	vld.idx.msk [tilespmem:v8+s23+$0x0], $0xffff;
	v3 =	vor.u32 v3, v2;
	_ =	sdelay $0x4  }
0x11b: {  	[tilespmem:v3+s21+$0x0] =	vst.idx.msk $0xffff, v4;
	v3 =	vor.u32 $0x4060, v0  }
0x11c: {  	v4 =	vld.idx.msk [tilespmem:v9+s23+$0x0], $0xffff;
	v3 =	vor.u32 v3, v2;
	_ =	sdelay $0x4  }
0x11d: {  	[tilespmem:v3+s21+$0x0] =	vst.idx.msk $0xffff, v4;
	v3 =	vor.u32 $0x4070, v0  }
0x11e: {  	v4 =	vld.idx.msk [tilespmem:v10+s23+$0x0], $0xffff;
	v3 =	vor.u32 v3, v2;
	_ =	sdelay $0x4  }
0x11f: {  	[tilespmem:v3+s21+$0x0] =	vst.idx.msk $0xffff, v4;
	v3 =	vor.u32 $0x4800, v0  }
0x120: {  	v4 =	vld.idx.msk [tilespmem:v11+s23+$0x0], $0xffff;
	v3 =	vor.u32 v3, v2;
	_ =	sdelay $0x4  }
0x121: {  	[tilespmem:v3+s21+$0x0] =	vst.idx.msk $0xffff, v4;
	v3 =	vor.u32 $0x4810, v0  }
0x122: {  	v4 =	vld.idx.msk [tilespmem:v13+s23+$0x0], $0xffff;
	v3 =	vor.u32 v3, v2;
	_ =	sdelay $0x4  }
0x123: {  	[tilespmem:v3+s21+$0x0] =	vst.idx.msk $0xffff, v4;
	v3 =	vor.u32 $0x4820, v0  }
0x124: {  	v4 =	vld.idx.msk [tilespmem:v14+s23+$0x0], $0xffff;
	v3 =	vor.u32 v3, v2;
	_ =	sdelay $0x4  }
0x125: {  	[tilespmem:v3+s21+$0x0] =	vst.idx.msk $0xffff, v4;
	v3 =	vor.u32 $0x4830, v0  }
0x126: {  	v4 =	vld.idx.msk [tilespmem:v15+s23+$0x0], $0xffff;
	v3 =	vor.u32 v3, v2;
	_ =	sdelay $0x4  }
0x127: {  	[tilespmem:v3+s21+$0x0] =	vst.idx.msk $0xffff, v4;
	v3 =	vor.u32 $0x4840, v0  }
0x128: {  	v4 =	vld.idx.msk [tilespmem:v16+s23+$0x0], $0xffff;
	v3 =	vor.u32 v3, v2;
	_ =	sdelay $0x4  }
0x129: {  	[tilespmem:v3+s21+$0x0] =	vst.idx.msk $0xffff, v4;
	v3 =	vor.u32 $0x4850, v0  }
0x12a: {  	v4 =	vld.idx.msk [tilespmem:v17+s23+$0x0], $0xffff;
	v3 =	vor.u32 v3, v2;
	_ =	sdelay $0x4  }
0x12b: {  	[tilespmem:v3+s21+$0x0] =	vst.idx.msk $0xffff, v4;
	v3 =	vor.u32 $0x4860, v0  }
0x12c: {  	v4 =	vld.idx.msk [tilespmem:v18+s23+$0x0], $0xffff;
	v3 =	vor.u32 v3, v2;
	_ =	sdelay $0x4  }
0x12d: {  	[tilespmem:v3+s21+$0x0] =	vst.idx.msk $0xffff, v4;
	v3 =	vor.u32 $0x4870, v0  }
0x12e: {  	v4 =	vld.idx.msk [tilespmem:v19+s23+$0x0], $0xffff;
	v3 =	vor.u32 v3, v2;
	_ =	sdelay $0x4  }
0x12f: {  	[tilespmem:v3+s21+$0x0] =	vst.idx.msk $0xffff, v4;
	v3 =	vor.u32 $0x5000, v0  }
0x130: {  	v4 =	vld.idx.msk [tilespmem:v20+s23+$0x0], $0xffff;
	v3 =	vor.u32 v3, v2;
	_ =	sdelay $0x4  }
0x131: {  	[tilespmem:v3+s21+$0x0] =	vst.idx.msk $0xffff, v4;
	v3 =	vor.u32 $0x5010, v0  }
0x132: {  	v4 =	vld.idx.msk [tilespmem:v21+s23+$0x0], $0xffff;
	v3 =	vor.u32 v3, v2;
	_ =	sdelay $0x4  }
0x133: {  	[tilespmem:v3+s21+$0x0] =	vst.idx.msk $0xffff, v4;
	v3 =	vor.u32 $0x5020, v0  }
0x134: {  	v4 =	vld.idx.msk [tilespmem:v22+s23+$0x0], $0xffff;
	v3 =	vor.u32 v3, v2;
	_ =	sdelay $0x4  }
0x135: {  	[tilespmem:v3+s21+$0x0] =	vst.idx.msk $0xffff, v4;
	v3 =	vor.u32 $0x5030, v0  }
0x136: {  	v4 =	vld.idx.msk [tilespmem:v23+s23+$0x0], $0xffff;
	v3 =	vor.u32 v3, v2;
	_ =	sdelay $0x4  }
0x137: {  	[tilespmem:v3+s21+$0x0] =	vst.idx.msk $0xffff, v4;
	v3 =	vor.u32 $0x5040, v0  }
0x138: {  	v4 =	vld.idx.msk [tilespmem:v24+s23+$0x0], $0xffff;
	v3 =	vor.u32 v3, v2;
	_ =	sdelay $0x4  }
0x139: {  	[tilespmem:v3+s21+$0x0] =	vst.idx.msk $0xffff, v4;
	v3 =	vor.u32 $0x5050, v0  }
0x13a: {  	v4 =	vld.idx.msk [tilespmem:v25+s23+$0x0], $0xffff;
	v3 =	vor.u32 v3, v2;
	_ =	sdelay $0x4  }
0x13b: {  	[tilespmem:v3+s21+$0x0] =	vst.idx.msk $0xffff, v4;
	v3 =	vor.u32 $0x5060, v0  }
0x13c: {  	v4 =	vld.idx.msk [tilespmem:v26+s23+$0x0], $0xffff;
	v3 =	vor.u32 v3, v2;
	_ =	sdelay $0x4  }
0x13d: {  	[tilespmem:v3+s21+$0x0] =	vst.idx.msk $0xffff, v4;
	v3 =	vor.u32 $0x5070, v0  }
0x13e: {  	v4 =	vld.idx.msk [tilespmem:v27+s23+$0x0], $0xffff;
	v3 =	vor.u32 v3, v2;
	_ =	sdelay $0x4  }
0x13f: {  	[tilespmem:v3+s21+$0x0] =	vst.idx.msk $0xffff, v4;
	v3 =	vor.u32 $0x5800, v0  }
0x140: {  	v4 =	vld.idx.msk [tilespmem:v28+s23+$0x0], $0xffff;
	v3 =	vor.u32 v3, v2;
	_ =	sdelay $0x4  }
0x141: {  	[tilespmem:v3+s21+$0x0] =	vst.idx.msk $0xffff, v4;
	v3 =	vor.u32 $0x5810, v0  }
0x142: {  	v4 =	vld.idx.msk [tilespmem:v29+s23+$0x0], $0xffff;
	v3 =	vor.u32 v3, v2;
	_ =	sdelay $0x4  }
0x143: {  	[tilespmem:v3+s21+$0x0] =	vst.idx.msk $0xffff, v4;
	v3 =	vor.u32 $0x5820, v0  }
0x144: {  	v4 =	vld.idx.msk [tilespmem:v30+s23+$0x0], $0xffff;
	v3 =	vor.u32 v3, v2;
	_ =	sdelay $0x4  }
0x145: {  	[tilespmem:v3+s21+$0x0] =	vst.idx.msk $0xffff, v4;
	v3 =	vor.u32 $0x5830, v0  }
0x146: {  	v4 =	vld.idx.msk [tilespmem:v31+s23+$0x0], $0xffff;
	v3 =	vor.u32 v3, v2;
	_ =	sdelay $0x4  }
0x147: {  	[tilespmem:v3+s21+$0x0] =	vst.idx.msk $0xffff, v4;
	v3 =	vor.u32 $0x5840, v0  }
0x148: {  	v4 =	vld.idx.msk [tilespmem:v32+s23+$0x0], $0xffff;
	v3 =	vor.u32 v3, v2;
	_ =	sdelay $0x2  }
0x149: {  	v19 =	vld [tilespmem:$0x1FEE0]  }
0x14a: {  	v20 =	vld [tilespmem:$0x1FEF0]  }
0x14b: {  	v21 =	vld [tilespmem:$0x1FF00];
	[tilespmem:v3+s21+$0x0] =	vst.idx.msk $0xffff, v4;
	v3 =	vor.u32 $0x5850, v0  }
0x14c: {  	v4 =	vld.idx.msk [tilespmem:v33+s23+$0x0], $0xffff;
	v3 =	vor.u32 v3, v2  }
0x14d: {  	v22 =	vld [tilespmem:$0x1FF10]  }
0x14e: {  	v23 =	vld [tilespmem:$0x1FF20]  }
0x14f: {  	v24 =	vld [tilespmem:$0x1FF30]  }
0x150: {  	v25 =	vld [tilespmem:$0x1FF40]  }
0x151: {  	v26 =	vld [tilespmem:$0x1FF50];
	[tilespmem:v3+s21+$0x0] =	vst.idx.msk $0xffff, v4;
	v3 =	vor.u32 $0x5860, v0  }
0x152: {  	v4 =	vld.idx.msk [tilespmem:v34+s23+$0x0], $0xffff;
	v3 =	vor.u32 v3, v2  }
0x153: {  	v27 =	vld [tilespmem:$0x1FF60]  }
0x154: {  	v28 =	vld [tilespmem:$0x1FF70]  }
0x155: {  	v29 =	vld [tilespmem:$0x1FF80]  }
0x156: {  	v30 =	vld [tilespmem:$0x1FF90]  }
0x157: {  	v31 =	vld [tilespmem:$0x1FFA0];
	[tilespmem:v3+s21+$0x0] =	vst.idx.msk $0xffff, v4;
	v3 =	vor.u32 $0x5870, v0  }
0x158: {  	p0 =	sne.s32 s24, $0xF;
	v2 =	vor.u32 v3, v2;
	v3 =	vld.idx.msk [tilespmem:v12+s23+$0x0], $0xffff  }
.Ltmp0:
0x159: {  	v32 =	vld [tilespmem:$0x1FFB0];
	(pc) =	sbr.rel @p0 .LBB2_3-.Ltmp0, $4  }
0x15a: {  	v33 =	vld [tilespmem:$0x1FFC0]  }
0x15b: {  	v34 =	vld [tilespmem:$0x1FFD0]  }
0x15c: {  	v12 =	vld [tilespmem:$0x1FED0]  }
0x15d: {  	s24 =	sadd.s32 $0x1, s24;
	v38 =	vmov v5;
	[tilespmem:v2+s21+$0x0] =	vst.idx.msk $0xffff, v3;
	v3 =	vld [tilespmem:$0x1FFE0]  }
0x15e: {  	p0 =	sne.s32 s18, $0x4  }
.Ltmp1:
0x15f: {  	_ = 	snop;
	(pc) =	sbr.rel @p0 .LBB2_2-.Ltmp1, $4  }
0x160: {  	s19 =	sshll.u32 s19, $0x7  }
0x161: {  	s20 =	sadd.s32 $0x5, s20;
	s19 =	sadd.s32 s19, s7  }
0x162: {  	[hbm4b:s19+s12] =	stream.strided.scatter [tilespmem:s21], [sflag:s20], $0x6000, s14, s12, $0x38;
	[tilespmem:$0x1C400] =	vst v63  }
0x163: {  	s19 =	smov.u32 s18  }
0x164: {  	s17 =	sadd.s32 $0x1, s17  }
0x165: {  	_ =	swait.ge [sflag:s15], $0x6000;
	p0 =	sne.s32 s17, s8  }
.Ltmp2:
0x166: {  	[sflag:s15] =	ssyncset.done $0x0;
	(pc) =	sbr.rel @p0 .LBB2_1-.Ltmp2, $4  }
0x167: {  	[sflag:s15] =	ssyncadd.s32 $0xFFFFA000  }
0x168: {  	_ =	swait.ge [sflag:s16], $0x6000  }
0x169: {  	[sflag:s16] =	ssyncset.done $0x0  }
0x16a: {  	[sflag:s16] =	ssyncadd.s32 $0xFFFFA000  }
0x16b: {  	_ =	sfence.sel $0x180000  }
0x16c: {  	[bflag:$0x0] =	sbarrier.arrive $0xFFFF  }
0x16d: {  	p0 =	sne.s32 s2, $0x0;
	_ =	strace $0x90000047  }
0x16e: {  	s0 =	sadd.s32 @!p0 $0x100000, s1;
	[bflag:$0x2] =	sbarrier.arrive $0xFFFF  }
0x16f: {  	[sflag:s0] =	ssyncadd.tile.s32 @!p0 $0x1;
	_ =	shalt  }
.Lfunc_end2:
_tile_overlayer_lowered:
.L_overlay_start_2:
0x170: {  	(tag) =	ssettag $0x2  }
0x171: {  	s0 =	rddreg [dreg:$0x0];
	s2 =	stileid.u32  }
0x172: {  	s1 =	rddreg [dreg:$0x1];
	p0 =	sne.s32 s2, $0x0  }
0x173: {  	s3 =	rddreg [dreg:$0x2];
	[bflag:$0x3] =	sbarrier.arrive $0xFFFF;
	s2 =	simm.s32 @!p0 $0x1C07  }
0x174: {  	[timem:s3], [sflag:s2] =	dma.local @!p0 [hbm:s0], s1  }
0x175: {  	s0 =	simm.s32 @!p0 $0x7  }
0x176: {  	_ =	swait.ge @!p0 [sflag:s0], s1  }
0x177: {  	s1 =	ssub.s32 @!p0 $0x0, s1;
	[sflag:s0] =	ssyncset.done @!p0 $0x0  }
0x178: {  	[sflag:s0] =	ssyncadd.s32 @!p0 s1  }
0x179: {  	[bflag:$0x3] =	sbarrier.arrive $0xFFFF  }
0x17a: {  	_ =	shalt  }

</sc_bundles>
